<compile_context>
chip_gen: v7x
topology: tpu7x:2x2x1
jax: 0.10.2.dev20260603
libtpu: 0.0.44.dev20260713+nightly
codegen_flags: <defaults>
</compile_context>

<pallas_src>
import functools

import jax
import jax.numpy as jnp
from jax import lax
from jax.experimental import pallas as pl
from jax.experimental.pallas import tpu as pltpu
from jax.experimental.pallas import tpu_sc as plsc

N_NODES = 10000
N_EDGES = 320000
D = 128
L = 16

NC = 2
NS = 16
NW = NC * NS
CH = 64
NCHUNK = 160
GRP = 8
NGRP = NCHUNK // GRP
E_PAD = NW * NCHUNK * CH
DUMP = N_NODES
ACC_ROWS = 10112
ZROWS = ACC_ROWS // NS
DEG_ROWS = 10112
N_DUMP = ACC_ROWS - N_NODES


def _sc_aggregate(nodes, send_p, recv_p):
    mesh = plsc.VectorSubcoreMesh(core_axis_name="c", subcore_axis_name="s")

    @functools.partial(
        pl.kernel,
        mesh=mesh,
        out_type=(
            jax.ShapeDtypeStruct((NC, ACC_ROWS, D), jnp.float32),
            jax.ShapeDtypeStruct((NW, DEG_ROWS), jnp.float32),
        ),
        scratch_types=[
            pltpu.VMEM_SHARED((ACC_ROWS, D), jnp.float32),
            pltpu.VMEM((2, GRP, CH), jnp.int32),
            pltpu.VMEM((2, GRP, CH), jnp.int32),
            pltpu.VMEM((4, CH, D), jnp.float32),
            pltpu.VMEM((DEG_ROWS,), jnp.float32),
            pltpu.SemaphoreType.DMA,
            pltpu.SemaphoreType.DMA,
            pltpu.SemaphoreType.DMA,
            pltpu.SemaphoreType.DMA,
            pltpu.SemaphoreType.DMA,
            pltpu.SemaphoreType.DMA,
        ],
        compiler_params=pltpu.CompilerParams(needs_layout_passes=False),
    )
    def k(nodes_h, send_h, recv_h, sum_h, deg_h, acc_sh,
          send_v, recv_v, rows_v, deg_v,
          sem_r0, sem_r1, sem_r2, sem_r3, sem_idx, sem_sc):
        c = lax.axis_index("c")
        s = lax.axis_index("s")
        wid = c * NS + s
        sems = (sem_r0, sem_r1, sem_r2, sem_r3)

        zv = jnp.zeros((L,), jnp.float32)
        ov = jnp.ones((L,), jnp.float32)

        pltpu.sync_copy(send_h.at[wid].at[pl.ds(0, GRP)], send_v.at[0])
        pltpu.sync_copy(recv_h.at[wid].at[pl.ds(0, GRP)], recv_v.at[0])
        pltpu.async_copy(
            nodes_h.at[send_v.at[0].at[0]], rows_v.at[0], sem_r0)
        pltpu.async_copy(
            nodes_h.at[send_v.at[0].at[1]], rows_v.at[1], sem_r1)
        pltpu.async_copy(
            nodes_h.at[send_v.at[0].at[2]], rows_v.at[2], sem_r2)

        @pl.loop(0, CH, unroll=8)
        def _(i):
            for j in range(D // L):
                rows_v[3, i, pl.ds(j * L, L)] = zv

        @pl.loop(0, DEG_ROWS // L, unroll=8)
        def _(i):
            deg_v[pl.ds(i * L, L)] = zv

        base = s * ZROWS
        for o in range(0, ZROWS, CH):
            n = min(CH, ZROWS - o)
            pltpu.async_copy(rows_v.at[3].at[pl.ds(0, n)],
                             acc_sh.at[pl.ds(base + o, n)], sem_sc)
        for o in range(0, ZROWS, CH):
            n = min(CH, ZROWS - o)
            pltpu.make_async_copy(rows_v.at[3].at[pl.ds(0, n)],
                                  acc_sh.at[pl.ds(base + o, n)],
                                  sem_sc).wait()

        plsc.subcore_barrier()

        @pl.loop(0, NGRP)
        def _(g):
            slot_g = lax.rem(g, 2)
            slot_n = 1 - slot_g

            @pl.when(g < NGRP - 1)
            def _():
                off = (g + 1) * GRP
                pltpu.async_copy(send_h.at[wid].at[pl.ds(off, GRP)],
                                 send_v.at[slot_n], sem_idx)
                pltpu.async_copy(recv_h.at[wid].at[pl.ds(off, GRP)],
                                 recv_v.at[slot_n], sem_idx)

            for jj in range(GRP):
                rs = jj % 4
                ns = (jj + 3) % 4
                pltpu.make_async_copy(
                    nodes_h.at[send_v.at[slot_g].at[jj]],
                    rows_v.at[rs], sems[rs]).wait()
                if jj > 0:
                    pltpu.make_async_copy(
                        rows_v.at[0],
                        acc_sh.at[recv_v.at[0].at[0]],
                        sem_sc).wait()
                else:
                    @pl.when(g > 0)
                    def _():
                        pltpu.make_async_copy(
                            rows_v.at[0],
                            acc_sh.at[recv_v.at[0].at[0]],
                            sem_sc).wait()
                if jj < GRP - 3:
                    pltpu.async_copy(
                        nodes_h.at[send_v.at[slot_g].at[jj + 3]],
                        rows_v.at[ns], sems[ns])
                elif jj == GRP - 3:
                    @pl.when(g < NGRP - 1)
                    def _():
                        pltpu.make_async_copy(
                            send_h.at[wid].at[pl.ds(0, GRP)],
                            send_v.at[slot_n], sem_idx).wait()
                        pltpu.make_async_copy(
                            recv_h.at[wid].at[pl.ds(0, GRP)],
                            recv_v.at[slot_n], sem_idx).wait()
                        pltpu.async_copy(
                            nodes_h.at[send_v.at[slot_n].at[0]],
                            rows_v.at[ns], sems[ns])
                else:
                    @pl.when(g < NGRP - 1)
                    def _():
                        pltpu.async_copy(
                            nodes_h.at[send_v.at[slot_n].at[jj - (GRP - 3)]],
                            rows_v.at[ns], sems[ns])
                pltpu.async_copy(rows_v.at[rs],
                                 acc_sh.at[recv_v.at[slot_g].at[jj]],
                                 sem_sc, add=True)
                for kk in range(CH // L):
                    rv = recv_v[slot_g, jj, pl.ds(kk * L, L)]
                    plsc.addupdate_scatter(deg_v, [rv], ov)

        pltpu.make_async_copy(
            rows_v.at[0], acc_sh.at[recv_v.at[0].at[0]], sem_sc).wait()

        plsc.subcore_barrier()

        pltpu.async_copy(acc_sh.at[pl.ds(base, ZROWS)],
                         sum_h.at[c].at[pl.ds(base, ZROWS)], sem_sc)
        pltpu.async_copy(deg_v, deg_h.at[wid], sem_r0)
        pltpu.make_async_copy(acc_sh.at[pl.ds(base, ZROWS)],
                              sum_h.at[c].at[pl.ds(base, ZROWS)],
                              sem_sc).wait()
        pltpu.make_async_copy(deg_v, deg_h.at[wid], sem_r0).wait()

    return k(nodes, send_p, recv_p)


def _tc_finish_body(ps_ref, pd_ref, w_ref, b_ref, out_ref):
    agg = ps_ref[0] + ps_ref[1]
    deg = jnp.maximum(jnp.sum(pd_ref[...], axis=0), 1.0)
    x = agg / deg[:, None]
    out_ref[...] = (
        jnp.dot(x, w_ref[...], preferred_element_type=jnp.float32)
        + b_ref[...]
    )


def _tc_finish(part_sum, part_deg, W, b):
    R = 2048
    grid = (pl.cdiv(N_NODES, R),)
    return pl.pallas_call(
        _tc_finish_body,
        grid=grid,
        in_specs=[
            pl.BlockSpec((NC, R, D), lambda i: (0, i, 0)),
            pl.BlockSpec((NW, R), lambda i: (0, i)),
            pl.BlockSpec((D, D), lambda i: (0, 0)),
            pl.BlockSpec((1, D), lambda i: (0, 0)),
        ],
        out_specs=pl.BlockSpec((R, D), lambda i: (i, 0)),
        out_shape=jax.ShapeDtypeStruct((N_NODES, D), jnp.float32),
    )(part_sum, part_deg, W, b.reshape(1, D))


@jax.jit
def kernel(nodes, senders, receivers, W, b):
    senders = senders.astype(jnp.int32)
    receivers = receivers.astype(jnp.int32)
    pad = E_PAD - N_EDGES
    pad_iota = jnp.arange(pad, dtype=jnp.int32)
    send_p = jnp.concatenate(
        [senders, pad_iota % 128]).reshape(NW, NCHUNK, CH)
    recv_p = jnp.concatenate(
        [receivers, DUMP + pad_iota % N_DUMP]).reshape(NW, NCHUNK, CH)
    part_sum, part_deg = _sc_aggregate(nodes, send_p, recv_p)
    return _tc_finish(part_sum, part_deg, W, b)

# --- scband reference (transcript-rebuilt; emitter-appended) ---
"""Pipeline reference for scband-graph-convolution-4595615007148 (READ-ONLY COPY).

The authoritative reference and input builder live on the scoring server;
editing this copy changes nothing except your own understanding.
"""

import jax, jax.numpy as jnp
import numpy as np

N_NODES = 10000
N_EDGES = 320000
D_IN = 128
D_OUT = 128


def setup_inputs(seed: int = 0) -> dict:
    key = jax.random.key(seed)
    k_nodes, k_send, k_recv, k_w, k_b = jax.random.split(key, 5)
    nodes = jax.random.normal(k_nodes, (N_NODES, D_IN), dtype=jnp.float32)
    senders = jax.random.randint(k_send, (N_EDGES,), 0, N_NODES, dtype=jnp.int64 if jax.config.jax_enable_x64 else jnp.int32)
    receivers = jax.random.randint(k_recv, (N_EDGES,), 0, N_NODES, dtype=jnp.int64 if jax.config.jax_enable_x64 else jnp.int32)
    # Linear layer params (flax nnx.Linear: kernel [in, out], bias [out])
    W = jax.random.normal(k_w, (D_IN, D_OUT), dtype=jnp.float32) * (1.0 / np.sqrt(D_IN))
    b = jnp.zeros((D_OUT,), dtype=jnp.float32)
    return {"nodes": nodes, "senders": senders, "receivers": receivers, "W": W, "b": b}


def reference(nodes, senders, receivers, W, b):
    # messages gathered from sender nodes
    messages = nodes[senders]
    # scatter-add into receivers (segment sum)
    aggregated = jax.ops.segment_sum(messages, receivers, num_segments=nodes.shape[0])
    # degree normalization
    ones = jnp.ones((senders.shape[0],), dtype=nodes.dtype)
    degree = jax.ops.segment_sum(ones, receivers, num_segments=nodes.shape[0])
    degree = jnp.maximum(degree, 1.0)
    aggregated = aggregated / degree[:, None]
    # linear projection
    new_nodes = aggregated @ W + b
    return new_nodes

if __name__ == "__main__":
    import jax
    _d = setup_inputs()
    print(jax.jit(kernel)(*tuple(_d.values())))

</pallas_src>

<mosaic_0001>
#map = affine_map<(d0, d1) -> (0, 0)>
#map1 = affine_map<(d0, d1) -> (0, 0, 0)>
module attributes {stable_mosaic.version = 14 : i64} {
  func.func @k(%arg0: i32, %arg1: i32, %arg2: memref<10000x128xf32, #tpu.memory_space<hbm>>, %arg3: memref<32x160x64xi32, #tpu.memory_space<hbm>>, %arg4: memref<32x160x64xi32, #tpu.memory_space<hbm>>, %arg5: memref<2x10112x128xf32, #tpu.memory_space<hbm>>, %arg6: memref<32x10112xf32, #tpu.memory_space<hbm>>, %arg7: memref<10112x128xf32, #tpu.memory_space<vmem_shared>>, %arg8: memref<2x8x64xi32, #tpu.memory_space<vmem>>, %arg9: memref<2x8x64xi32, #tpu.memory_space<vmem>>, %arg10: memref<4x64x128xf32, #tpu.memory_space<vmem>>, %arg11: memref<10112xf32, #tpu.memory_space<vmem>>, %arg12: memref<!tpu.dma_semaphore, #tpu.memory_space<semaphore_mem>>, %arg13: memref<!tpu.dma_semaphore, #tpu.memory_space<semaphore_mem>>, %arg14: memref<!tpu.dma_semaphore, #tpu.memory_space<semaphore_mem>>, %arg15: memref<!tpu.dma_semaphore, #tpu.memory_space<semaphore_mem>>, %arg16: memref<!tpu.dma_semaphore, #tpu.memory_space<semaphore_mem>>, %arg17: memref<!tpu.dma_semaphore, #tpu.memory_space<semaphore_mem>>) attributes {dimension_semantics = [#tpu.dimension_semantics<core_parallel>, #tpu.dimension_semantics<subcore_parallel>], iteration_bounds = array<i64: 2, 16>, scalar_prefetch = 0 : i64, scratch_operands = 11 : i64, tpu.core_type = #tpu.core_type<sc_vector_subcore>, window_params = [{transform_indices = #map}, {transform_indices = #map1}, {transform_indices = #map1}, {transform_indices = #map1}, {transform_indices = #map}]} {
    %mul3A = arith.constant 16 : i32
    %mul3A_0 = arith.muli %arg0, %mul3A : i32
    %add3A = arith.addi %mul3A_0, %arg1 : i32
    %broadcast_in_dim3A = arith.constant 0.000000e+00 : f32
    %broadcast_in_dim3A_1 = vector.broadcast %broadcast_in_dim3A : f32 to vector<16xf32>
    %broadcast_in_dim3A_2 = arith.constant 1.000000e+00 : f32
    %broadcast_in_dim3A_3 = vector.broadcast %broadcast_in_dim3A_2 : f32 to vector<16xf32>
    %run_scoped3A = arith.constant 0 : i32
    "tpu.region"() ({
      %run_scoped3A_536 = tpu.sem_alloc : memref<!tpu.dma_semaphore, #tpu.memory_space<semaphore_mem>>
      %dma_start3A_537 = arith.constant 0 : i32
      %dma_start3A_538 = arith.constant 0 : i32
      %dma_start3A_539 = tpu.memref_slice %arg8[%run_scoped3A, %dma_start3A_537, %dma_start3A_538] : memref<2x8x64xi32, #tpu.memory_space<vmem>> -> memref<1x8x64xi32, #tpu.memory_space<vmem>>
      %dma_start3A_540 = tpu.memref_squeeze %dma_start3A_539 : memref<1x8x64xi32, #tpu.memory_space<vmem>> -> memref<8x64xi32, #tpu.memory_space<vmem>>
      %dma_start3A_541 = arith.constant 0 : i32
      %dma_start3A_542 = arith.constant 0 : i32
      %dma_start3A_543 = tpu.memref_slice %arg3[%add3A, %dma_start3A_541, %dma_start3A_542] : memref<32x160x64xi32, #tpu.memory_space<hbm>> -> memref<1x160x64xi32, #tpu.memory_space<hbm>>
      %dma_start3A_544 = tpu.memref_squeeze %dma_start3A_543 : memref<1x160x64xi32, #tpu.memory_space<hbm>> -> memref<160x64xi32, #tpu.memory_space<hbm>>
      %dma_start3A_545 = arith.constant 0 : i32
      %dma_start3A_546 = arith.constant 0 : i32
      %dma_start3A_547 = tpu.memref_slice %dma_start3A_544[%dma_start3A_545, %dma_start3A_546] : memref<160x64xi32, #tpu.memory_space<hbm>> -> memref<8x64xi32, #tpu.memory_space<hbm>>
      %dma_start3A_548 = arith.constant 0 : i32
      %dma_start3A_549 = arith.constant 0 : i32
      %dma_start3A_550 = tpu.memref_slice %arg8[%run_scoped3A, %dma_start3A_548, %dma_start3A_549] : memref<2x8x64xi32, #tpu.memory_space<vmem>> -> memref<1x8x64xi32, #tpu.memory_space<vmem>>
      %dma_start3A_551 = tpu.memref_squeeze %dma_start3A_550 : memref<1x8x64xi32, #tpu.memory_space<vmem>> -> memref<8x64xi32, #tpu.memory_space<vmem>>
      %dma_start3A_552 = arith.constant 0 : i32
      %dma_start3A_553 = arith.constant 0 : i32
      %dma_start3A_554 = tpu.memref_slice %arg3[%add3A, %dma_start3A_552, %dma_start3A_553] : memref<32x160x64xi32, #tpu.memory_space<hbm>> -> memref<1x160x64xi32, #tpu.memory_space<hbm>>
      %dma_start3A_555 = tpu.memref_squeeze %dma_start3A_554 : memref<1x160x64xi32, #tpu.memory_space<hbm>> -> memref<160x64xi32, #tpu.memory_space<hbm>>
      %dma_start3A_556 = arith.constant 0 : i32
      %dma_start3A_557 = arith.constant 0 : i32
      %dma_start3A_558 = tpu.memref_slice %dma_start3A_555[%dma_start3A_556, %dma_start3A_557] : memref<160x64xi32, #tpu.memory_space<hbm>> -> memref<8x64xi32, #tpu.memory_space<hbm>>
      tpu.enqueue_dma source(%dma_start3A_558 : memref<8x64xi32, #tpu.memory_space<hbm>>) target(%dma_start3A_551 : memref<8x64xi32, #tpu.memory_space<vmem>>) target_semaphore(%run_scoped3A_536 : memref<!tpu.dma_semaphore, #tpu.memory_space<semaphore_mem>>)
      %dma_wait3A_559 = arith.constant 0 : i32
      %dma_wait3A_560 = arith.constant 0 : i32
      %dma_wait3A_561 = tpu.memref_slice %arg8[%run_scoped3A, %dma_wait3A_559, %dma_wait3A_560] : memref<2x8x64xi32, #tpu.memory_space<vmem>> -> memref<1x8x64xi32, #tpu.memory_space<vmem>>
      %dma_wait3A_562 = tpu.memref_squeeze %dma_wait3A_561 : memref<1x8x64xi32, #tpu.memory_space<vmem>> -> memref<8x64xi32, #tpu.memory_space<vmem>>
      %dma_wait3A_563 = arith.constant 0 : i32
      %dma_wait3A_564 = arith.constant 0 : i32
      %dma_wait3A_565 = tpu.memref_slice %arg3[%add3A, %dma_wait3A_563, %dma_wait3A_564] : memref<32x160x64xi32, #tpu.memory_space<hbm>> -> memref<1x160x64xi32, #tpu.memory_space<hbm>>
      %dma_wait3A_566 = tpu.memref_squeeze %dma_wait3A_565 : memref<1x160x64xi32, #tpu.memory_space<hbm>> -> memref<160x64xi32, #tpu.memory_space<hbm>>
      %dma_wait3A_567 = arith.constant 0 : i32
      %dma_wait3A_568 = arith.constant 0 : i32
      %dma_wait3A_569 = tpu.memref_slice %dma_wait3A_566[%dma_wait3A_567, %dma_wait3A_568] : memref<160x64xi32, #tpu.memory_space<hbm>> -> memref<8x64xi32, #tpu.memory_space<hbm>>
      %dma_wait3A_570 = arith.constant 0 : i32
      %dma_wait3A_571 = arith.constant 0 : i32
      %dma_wait3A_572 = tpu.memref_slice %arg8[%run_scoped3A, %dma_wait3A_570, %dma_wait3A_571] : memref<2x8x64xi32, #tpu.memory_space<vmem>> -> memref<1x8x64xi32, #tpu.memory_space<vmem>>
      %dma_wait3A_573 = tpu.memref_squeeze %dma_wait3A_572 : memref<1x8x64xi32, #tpu.memory_space<vmem>> -> memref<8x64xi32, #tpu.memory_space<vmem>>
      %dma_wait3A_574 = arith.constant 0 : i32
      %dma_wait3A_575 = arith.constant 0 : i32
      %dma_wait3A_576 = tpu.memref_slice %arg3[%add3A, %dma_wait3A_574, %dma_wait3A_575] : memref<32x160x64xi32, #tpu.memory_space<hbm>> -> memref<1x160x64xi32, #tpu.memory_space<hbm>>
      %dma_wait3A_577 = tpu.memref_squeeze %dma_wait3A_576 : memref<1x160x64xi32, #tpu.memory_space<hbm>> -> memref<160x64xi32, #tpu.memory_space<hbm>>
      %dma_wait3A_578 = arith.constant 0 : i32
      %dma_wait3A_579 = arith.constant 0 : i32
      %dma_wait3A_580 = tpu.memref_slice %dma_wait3A_577[%dma_wait3A_578, %dma_wait3A_579] : memref<160x64xi32, #tpu.memory_space<hbm>> -> memref<8x64xi32, #tpu.memory_space<hbm>>
      tpu.wait_dma2 semaphore(%run_scoped3A_536 : memref<!tpu.dma_semaphore, #tpu.memory_space<semaphore_mem>>) src(%dma_wait3A_580 : memref<8x64xi32, #tpu.memory_space<hbm>>) dst(%dma_wait3A_573 : memref<8x64xi32, #tpu.memory_space<vmem>>)
      tpu.yield
    }) : () -> ()
    %run_scoped3A_4 = arith.constant 0 : i32
    "tpu.region"() ({
      %run_scoped3A_536 = tpu.sem_alloc : memref<!tpu.dma_semaphore, #tpu.memory_space<semaphore_mem>>
      %dma_start3A_537 = arith.constant 0 : i32
      %dma_start3A_538 = arith.constant 0 : i32
      %dma_start3A_539 = tpu.memref_slice %arg9[%run_scoped3A_4, %dma_start3A_537, %dma_start3A_538] : memref<2x8x64xi32, #tpu.memory_space<vmem>> -> memref<1x8x64xi32, #tpu.memory_space<vmem>>
      %dma_start3A_540 = tpu.memref_squeeze %dma_start3A_539 : memref<1x8x64xi32, #tpu.memory_space<vmem>> -> memref<8x64xi32, #tpu.memory_space<vmem>>
      %dma_start3A_541 = arith.constant 0 : i32
      %dma_start3A_542 = arith.constant 0 : i32
      %dma_start3A_543 = tpu.memref_slice %arg4[%add3A, %dma_start3A_541, %dma_start3A_542] : memref<32x160x64xi32, #tpu.memory_space<hbm>> -> memref<1x160x64xi32, #tpu.memory_space<hbm>>
      %dma_start3A_544 = tpu.memref_squeeze %dma_start3A_543 : memref<1x160x64xi32, #tpu.memory_space<hbm>> -> memref<160x64xi32, #tpu.memory_space<hbm>>
      %dma_start3A_545 = arith.constant 0 : i32
      %dma_start3A_546 = arith.constant 0 : i32
      %dma_start3A_547 = tpu.memref_slice %dma_start3A_544[%dma_start3A_545, %dma_start3A_546] : memref<160x64xi32, #tpu.memory_space<hbm>> -> memref<8x64xi32, #tpu.memory_space<hbm>>
      %dma_start3A_548 = arith.constant 0 : i32
      %dma_start3A_549 = arith.constant 0 : i32
      %dma_start3A_550 = tpu.memref_slice %arg9[%run_scoped3A_4, %dma_start3A_548, %dma_start3A_549] : memref<2x8x64xi32, #tpu.memory_space<vmem>> -> memref<1x8x64xi32, #tpu.memory_space<vmem>>
      %dma_start3A_551 = tpu.memref_squeeze %dma_start3A_550 : memref<1x8x64xi32, #tpu.memory_space<vmem>> -> memref<8x64xi32, #tpu.memory_space<vmem>>
      %dma_start3A_552 = arith.constant 0 : i32
      %dma_start3A_553 = arith.constant 0 : i32
      %dma_start3A_554 = tpu.memref_slice %arg4[%add3A, %dma_start3A_552, %dma_start3A_553] : memref<32x160x64xi32, #tpu.memory_space<hbm>> -> memref<1x160x64xi32, #tpu.memory_space<hbm>>
      %dma_start3A_555 = tpu.memref_squeeze %dma_start3A_554 : memref<1x160x64xi32, #tpu.memory_space<hbm>> -> memref<160x64xi32, #tpu.memory_space<hbm>>
      %dma_start3A_556 = arith.constant 0 : i32
      %dma_start3A_557 = arith.constant 0 : i32
      %dma_start3A_558 = tpu.memref_slice %dma_start3A_555[%dma_start3A_556, %dma_start3A_557] : memref<160x64xi32, #tpu.memory_space<hbm>> -> memref<8x64xi32, #tpu.memory_space<hbm>>
      tpu.enqueue_dma source(%dma_start3A_558 : memref<8x64xi32, #tpu.memory_space<hbm>>) target(%dma_start3A_551 : memref<8x64xi32, #tpu.memory_space<vmem>>) target_semaphore(%run_scoped3A_536 : memref<!tpu.dma_semaphore, #tpu.memory_space<semaphore_mem>>)
      %dma_wait3A_559 = arith.constant 0 : i32
      %dma_wait3A_560 = arith.constant 0 : i32
      %dma_wait3A_561 = tpu.memref_slice %arg9[%run_scoped3A_4, %dma_wait3A_559, %dma_wait3A_560] : memref<2x8x64xi32, #tpu.memory_space<vmem>> -> memref<1x8x64xi32, #tpu.memory_space<vmem>>
      %dma_wait3A_562 = tpu.memref_squeeze %dma_wait3A_561 : memref<1x8x64xi32, #tpu.memory_space<vmem>> -> memref<8x64xi32, #tpu.memory_space<vmem>>
      %dma_wait3A_563 = arith.constant 0 : i32
      %dma_wait3A_564 = arith.constant 0 : i32
      %dma_wait3A_565 = tpu.memref_slice %arg4[%add3A, %dma_wait3A_563, %dma_wait3A_564] : memref<32x160x64xi32, #tpu.memory_space<hbm>> -> memref<1x160x64xi32, #tpu.memory_space<hbm>>
      %dma_wait3A_566 = tpu.memref_squeeze %dma_wait3A_565 : memref<1x160x64xi32, #tpu.memory_space<hbm>> -> memref<160x64xi32, #tpu.memory_space<hbm>>
      %dma_wait3A_567 = arith.constant 0 : i32
      %dma_wait3A_568 = arith.constant 0 : i32
      %dma_wait3A_569 = tpu.memref_slice %dma_wait3A_566[%dma_wait3A_567, %dma_wait3A_568] : memref<160x64xi32, #tpu.memory_space<hbm>> -> memref<8x64xi32, #tpu.memory_space<hbm>>
      %dma_wait3A_570 = arith.constant 0 : i32
      %dma_wait3A_571 = arith.constant 0 : i32
      %dma_wait3A_572 = tpu.memref_slice %arg9[%run_scoped3A_4, %dma_wait3A_570, %dma_wait3A_571] : memref<2x8x64xi32, #tpu.memory_space<vmem>> -> memref<1x8x64xi32, #tpu.memory_space<vmem>>
      %dma_wait3A_573 = tpu.memref_squeeze %dma_wait3A_572 : memref<1x8x64xi32, #tpu.memory_space<vmem>> -> memref<8x64xi32, #tpu.memory_space<vmem>>
      %dma_wait3A_574 = arith.constant 0 : i32
      %dma_wait3A_575 = arith.constant 0 : i32
      %dma_wait3A_576 = tpu.memref_slice %arg4[%add3A, %dma_wait3A_574, %dma_wait3A_575] : memref<32x160x64xi32, #tpu.memory_space<hbm>> -> memref<1x160x64xi32, #tpu.memory_space<hbm>>
      %dma_wait3A_577 = tpu.memref_squeeze %dma_wait3A_576 : memref<1x160x64xi32, #tpu.memory_space<hbm>> -> memref<160x64xi32, #tpu.memory_space<hbm>>
      %dma_wait3A_578 = arith.constant 0 : i32
      %dma_wait3A_579 = arith.constant 0 : i32
      %dma_wait3A_580 = tpu.memref_slice %dma_wait3A_577[%dma_wait3A_578, %dma_wait3A_579] : memref<160x64xi32, #tpu.memory_space<hbm>> -> memref<8x64xi32, #tpu.memory_space<hbm>>
      tpu.wait_dma2 semaphore(%run_scoped3A_536 : memref<!tpu.dma_semaphore, #tpu.memory_space<semaphore_mem>>) src(%dma_wait3A_580 : memref<8x64xi32, #tpu.memory_space<hbm>>) dst(%dma_wait3A_573 : memref<8x64xi32, #tpu.memory_space<vmem>>)
      tpu.yield
    }) : () -> ()
    %dma_start3A = arith.constant 0 : i32
    %dma_start3A_5 = arith.constant 0 : i32
    %dma_start3A_6 = arith.constant 0 : i32
    %dma_start3A_7 = arith.constant 0 : i32
    %dma_start3A_8 = arith.constant 0 : i32
    %dma_start3A_9 = tpu.memref_slice %arg10[%dma_start3A_6, %dma_start3A_7, %dma_start3A_8] : memref<4x64x128xf32, #tpu.memory_space<vmem>> -> memref<1x64x128xf32, #tpu.memory_space<vmem>>
    %dma_start3A_10 = tpu.memref_squeeze %dma_start3A_9 : memref<1x64x128xf32, #tpu.memory_space<vmem>> -> memref<64x128xf32, #tpu.memory_space<vmem>>
    %dma_start3A_11 = arith.constant 0 : i32
    %dma_start3A_12 = arith.constant 0 : i32
    %dma_start3A_13 = tpu.memref_slice %arg8[%dma_start3A, %dma_start3A_11, %dma_start3A_12] : memref<2x8x64xi32, #tpu.memory_space<vmem>> -> memref<1x8x64xi32, #tpu.memory_space<vmem>>
    %dma_start3A_14 = tpu.memref_squeeze %dma_start3A_13 : memref<1x8x64xi32, #tpu.memory_space<vmem>> -> memref<8x64xi32, #tpu.memory_space<vmem>>
    %dma_start3A_15 = arith.constant 0 : i32
    %dma_start3A_16 = tpu.memref_slice %dma_start3A_14[%dma_start3A_5, %dma_start3A_15] : memref<8x64xi32, #tpu.memory_space<vmem>> -> memref<1x64xi32, #tpu.memory_space<vmem>>
    %dma_start3A_17 = tpu.memref_squeeze %dma_start3A_16 : memref<1x64xi32, #tpu.memory_space<vmem>> -> memref<64xi32, #tpu.memory_space<vmem>>
    %dma_start3A_18 = arith.constant 0 : i32
    %dma_start3A_19 = arith.constant 0 : i32
    %dma_start3A_20 = tpu.memref_slice %arg2[%dma_start3A_18, %dma_start3A_19] : memref<10000x128xf32, #tpu.memory_space<hbm>> -> memref<10000x128xf32, #tpu.memory_space<hbm>>
    tpu.enqueue_indirect_dma source(%dma_start3A_20 : memref<10000x128xf32, #tpu.memory_space<hbm>>) target(%dma_start3A_10 : memref<64x128xf32, #tpu.memory_space<vmem>>) offsets(%dma_start3A_17 : memref<64xi32, #tpu.memory_space<vmem>>) semaphore(%arg12 : memref<!tpu.dma_semaphore, #tpu.memory_space<semaphore_mem>>)
    %dma_start3A_21 = arith.constant 0 : i32
    %dma_start3A_22 = arith.constant 1 : i32
    %dma_start3A_23 = arith.constant 1 : i32
    %dma_start3A_24 = arith.constant 0 : i32
    %dma_start3A_25 = arith.constant 0 : i32
    %dma_start3A_26 = tpu.memref_slice %arg10[%dma_start3A_23, %dma_start3A_24, %dma_start3A_25] : memref<4x64x128xf32, #tpu.memory_space<vmem>> -> memref<1x64x128xf32, #tpu.memory_space<vmem>>
    %dma_start3A_27 = tpu.memref_squeeze %dma_start3A_26 : memref<1x64x128xf32, #tpu.memory_space<vmem>> -> memref<64x128xf32, #tpu.memory_space<vmem>>
    %dma_start3A_28 = arith.constant 0 : i32
    %dma_start3A_29 = arith.constant 0 : i32
    %dma_start3A_30 = tpu.memref_slice %arg8[%dma_start3A_21, %dma_start3A_28, %dma_start3A_29] : memref<2x8x64xi32, #tpu.memory_space<vmem>> -> memref<1x8x64xi32, #tpu.memory_space<vmem>>
    %dma_start3A_31 = tpu.memref_squeeze %dma_start3A_30 : memref<1x8x64xi32, #tpu.memory_space<vmem>> -> memref<8x64xi32, #tpu.memory_space<vmem>>
    %dma_start3A_32 = arith.constant 0 : i32
    %dma_start3A_33 = tpu.memref_slice %dma_start3A_31[%dma_start3A_22, %dma_start3A_32] : memref<8x64xi32, #tpu.memory_space<vmem>> -> memref<1x64xi32, #tpu.memory_space<vmem>>
    %dma_start3A_34 = tpu.memref_squeeze %dma_start3A_33 : memref<1x64xi32, #tpu.memory_space<vmem>> -> memref<64xi32, #tpu.memory_space<vmem>>
    %dma_start3A_35 = arith.constant 0 : i32
    %dma_start3A_36 = arith.constant 0 : i32
    %dma_start3A_37 = tpu.memref_slice %arg2[%dma_start3A_35, %dma_start3A_36] : memref<10000x128xf32, #tpu.memory_space<hbm>> -> memref<10000x128xf32, #tpu.memory_space<hbm>>
    tpu.enqueue_indirect_dma source(%dma_start3A_37 : memref<10000x128xf32, #tpu.memory_space<hbm>>) target(%dma_start3A_27 : memref<64x128xf32, #tpu.memory_space<vmem>>) offsets(%dma_start3A_34 : memref<64xi32, #tpu.memory_space<vmem>>) semaphore(%arg13 : memref<!tpu.dma_semaphore, #tpu.memory_space<semaphore_mem>>)
    %dma_start3A_38 = arith.constant 0 : i32
    %dma_start3A_39 = arith.constant 2 : i32
    %dma_start3A_40 = arith.constant 2 : i32
    %dma_start3A_41 = arith.constant 0 : i32
    %dma_start3A_42 = arith.constant 0 : i32
    %dma_start3A_43 = tpu.memref_slice %arg10[%dma_start3A_40, %dma_start3A_41, %dma_start3A_42] : memref<4x64x128xf32, #tpu.memory_space<vmem>> -> memref<1x64x128xf32, #tpu.memory_space<vmem>>
    %dma_start3A_44 = tpu.memref_squeeze %dma_start3A_43 : memref<1x64x128xf32, #tpu.memory_space<vmem>> -> memref<64x128xf32, #tpu.memory_space<vmem>>
    %dma_start3A_45 = arith.constant 0 : i32
    %dma_start3A_46 = arith.constant 0 : i32
    %dma_start3A_47 = tpu.memref_slice %arg8[%dma_start3A_38, %dma_start3A_45, %dma_start3A_46] : memref<2x8x64xi32, #tpu.memory_space<vmem>> -> memref<1x8x64xi32, #tpu.memory_space<vmem>>
    %dma_start3A_48 = tpu.memref_squeeze %dma_start3A_47 : memref<1x8x64xi32, #tpu.memory_space<vmem>> -> memref<8x64xi32, #tpu.memory_space<vmem>>
    %dma_start3A_49 = arith.constant 0 : i32
    %dma_start3A_50 = tpu.memref_slice %dma_start3A_48[%dma_start3A_39, %dma_start3A_49] : memref<8x64xi32, #tpu.memory_space<vmem>> -> memref<1x64xi32, #tpu.memory_space<vmem>>
    %dma_start3A_51 = tpu.memref_squeeze %dma_start3A_50 : memref<1x64xi32, #tpu.memory_space<vmem>> -> memref<64xi32, #tpu.memory_space<vmem>>
    %dma_start3A_52 = arith.constant 0 : i32
    %dma_start3A_53 = arith.constant 0 : i32
    %dma_start3A_54 = tpu.memref_slice %arg2[%dma_start3A_52, %dma_start3A_53] : memref<10000x128xf32, #tpu.memory_space<hbm>> -> memref<10000x128xf32, #tpu.memory_space<hbm>>
    tpu.enqueue_indirect_dma source(%dma_start3A_54 : memref<10000x128xf32, #tpu.memory_space<hbm>>) target(%dma_start3A_44 : memref<64x128xf32, #tpu.memory_space<vmem>>) offsets(%dma_start3A_51 : memref<64xi32, #tpu.memory_space<vmem>>) semaphore(%arg14 : memref<!tpu.dma_semaphore, #tpu.memory_space<semaphore_mem>>)
    %scan3A = arith.constant 0 : i32
    %scan3A_55 = arith.constant 64 : i32
    %scan3A_56 = arith.addi %scan3A, %scan3A_55 : i32
    %scan3A_57 = arith.constant 8 : i32
    scf.for %scan3A_536 = %scan3A to %scan3A_56 step %scan3A_57  : i32 {
      %mul3A_537 = arith.constant 1 : i32
      %mul3A_538 = arith.muli %scan3A_536, %mul3A_537 : i32
      %add3A_539 = arith.constant 0 : i32
      %add3A_540 = arith.addi %add3A_539, %mul3A_538 : i32
      %swap3A = arith.constant 3 : i32
      %swap3A_541 = arith.index_cast %swap3A : i32 to index
      %swap3A_542 = arith.index_cast %add3A_540 : i32 to index
      %swap3A_543 = arith.constant 0 : index
      %swap3A_544 = tpu.vector_load %arg10[%swap3A_541, %swap3A_542, %swap3A_543] {strides = array<i32>} : memref<4x64x128xf32, #tpu.memory_space<vmem>>, vector<16xf32>,
      tpu.vector_store %arg10[%swap3A_541, %swap3A_542, %swap3A_543], %broadcast_in_dim3A_1 {strides = array<i32>} : memref<4x64x128xf32, #tpu.memory_space<vmem>>, vector<16xf32>,
      %swap3A_545 = arith.constant 3 : i32
      %swap3A_546 = arith.index_cast %swap3A_545 : i32 to index
      %swap3A_547 = arith.index_cast %add3A_540 : i32 to index
      %swap3A_548 = arith.constant 16 : index
      %swap3A_549 = tpu.vector_load %arg10[%swap3A_546, %swap3A_547, %swap3A_548] {strides = array<i32>} : memref<4x64x128xf32, #tpu.memory_space<vmem>>, vector<16xf32>,
      tpu.vector_store %arg10[%swap3A_546, %swap3A_547, %swap3A_548], %broadcast_in_dim3A_1 {strides = array<i32>} : memref<4x64x128xf32, #tpu.memory_space<vmem>>, vector<16xf32>,
      %swap3A_550 = arith.constant 3 : i32
      %swap3A_551 = arith.index_cast %swap3A_550 : i32 to index
      %swap3A_552 = arith.index_cast %add3A_540 : i32 to index
      %swap3A_553 = arith.constant 32 : index
      %swap3A_554 = tpu.vector_load %arg10[%swap3A_551, %swap3A_552, %swap3A_553] {strides = array<i32>} : memref<4x64x128xf32, #tpu.memory_space<vmem>>, vector<16xf32>,
      tpu.vector_store %arg10[%swap3A_551, %swap3A_552, %swap3A_553], %broadcast_in_dim3A_1 {strides = array<i32>} : memref<4x64x128xf32, #tpu.memory_space<vmem>>, vector<16xf32>,
      %swap3A_555 = arith.constant 3 : i32
      %swap3A_556 = arith.index_cast %swap3A_555 : i32 to index
      %swap3A_557 = arith.index_cast %add3A_540 : i32 to index
      %swap3A_558 = arith.constant 48 : index
      %swap3A_559 = tpu.vector_load %arg10[%swap3A_556, %swap3A_557, %swap3A_558] {strides = array<i32>} : memref<4x64x128xf32, #tpu.memory_space<vmem>>, vector<16xf32>,
      tpu.vector_store %arg10[%swap3A_556, %swap3A_557, %swap3A_558], %broadcast_in_dim3A_1 {strides = array<i32>} : memref<4x64x128xf32, #tpu.memory_space<vmem>>, vector<16xf32>,
      %swap3A_560 = arith.constant 3 : i32
      %swap3A_561 = arith.index_cast %swap3A_560 : i32 to index
      %swap3A_562 = arith.index_cast %add3A_540 : i32 to index
      %swap3A_563 = arith.constant 64 : index
      %swap3A_564 = tpu.vector_load %arg10[%swap3A_561, %swap3A_562, %swap3A_563] {strides = array<i32>} : memref<4x64x128xf32, #tpu.memory_space<vmem>>, vector<16xf32>,
      tpu.vector_store %arg10[%swap3A_561, %swap3A_562, %swap3A_563], %broadcast_in_dim3A_1 {strides = array<i32>} : memref<4x64x128xf32, #tpu.memory_space<vmem>>, vector<16xf32>,
      %swap3A_565 = arith.constant 3 : i32
      %swap3A_566 = arith.index_cast %swap3A_565 : i32 to index
      %swap3A_567 = arith.index_cast %add3A_540 : i32 to index
      %swap3A_568 = arith.constant 80 : index
      %swap3A_569 = tpu.vector_load %arg10[%swap3A_566, %swap3A_567, %swap3A_568] {strides = array<i32>} : memref<4x64x128xf32, #tpu.memory_space<vmem>>, vector<16xf32>,
      tpu.vector_store %arg10[%swap3A_566, %swap3A_567, %swap3A_568], %broadcast_in_dim3A_1 {strides = array<i32>} : memref<4x64x128xf32, #tpu.memory_space<vmem>>, vector<16xf32>,
      %swap3A_570 = arith.constant 3 : i32
      %swap3A_571 = arith.index_cast %swap3A_570 : i32 to index
      %swap3A_572 = arith.index_cast %add3A_540 : i32 to index
      %swap3A_573 = arith.constant 96 : index
      %swap3A_574 = tpu.vector_load %arg10[%swap3A_571, %swap3A_572, %swap3A_573] {strides = array<i32>} : memref<4x64x128xf32, #tpu.memory_space<vmem>>, vector<16xf32>,
      tpu.vector_store %arg10[%swap3A_571, %swap3A_572, %swap3A_573], %broadcast_in_dim3A_1 {strides = array<i32>} : memref<4x64x128xf32, #tpu.memory_space<vmem>>, vector<16xf32>,
      %swap3A_575 = arith.constant 3 : i32
      %swap3A_576 = arith.index_cast %swap3A_575 : i32 to index
      %swap3A_577 = arith.index_cast %add3A_540 : i32 to index
      %swap3A_578 = arith.constant 112 : index
      %swap3A_579 = tpu.vector_load %arg10[%swap3A_576, %swap3A_577, %swap3A_578] {strides = array<i32>} : memref<4x64x128xf32, #tpu.memory_space<vmem>>, vector<16xf32>,
      tpu.vector_store %arg10[%swap3A_576, %swap3A_577, %swap3A_578], %broadcast_in_dim3A_1 {strides = array<i32>} : memref<4x64x128xf32, #tpu.memory_space<vmem>>, vector<16xf32>,
      %scan3A_580 = arith.constant 1 : i32
      %scan3A_581 = arith.addi %scan3A_536, %scan3A_580 : i32
      %mul3A_582 = arith.constant 1 : i32
      %mul3A_583 = arith.muli %scan3A_581, %mul3A_582 : i32
      %add3A_584 = arith.constant 0 : i32
      %add3A_585 = arith.addi %add3A_584, %mul3A_583 : i32
      %swap3A_586 = arith.constant 3 : i32
      %swap3A_587 = arith.index_cast %swap3A_586 : i32 to index
      %swap3A_588 = arith.index_cast %add3A_585 : i32 to index
      %swap3A_589 = arith.constant 0 : index
      %swap3A_590 = tpu.vector_load %arg10[%swap3A_587, %swap3A_588, %swap3A_589] {strides = array<i32>} : memref<4x64x128xf32, #tpu.memory_space<vmem>>, vector<16xf32>,
      tpu.vector_store %arg10[%swap3A_587, %swap3A_588, %swap3A_589], %broadcast_in_dim3A_1 {strides = array<i32>} : memref<4x64x128xf32, #tpu.memory_space<vmem>>, vector<16xf32>,
      %swap3A_591 = arith.constant 3 : i32
      %swap3A_592 = arith.index_cast %swap3A_591 : i32 to index
      %swap3A_593 = arith.index_cast %add3A_585 : i32 to index
      %swap3A_594 = arith.constant 16 : index
      %swap3A_595 = tpu.vector_load %arg10[%swap3A_592, %swap3A_593, %swap3A_594] {strides = array<i32>} : memref<4x64x128xf32, #tpu.memory_space<vmem>>, vector<16xf32>,
      tpu.vector_store %arg10[%swap3A_592, %swap3A_593, %swap3A_594], %broadcast_in_dim3A_1 {strides = array<i32>} : memref<4x64x128xf32, #tpu.memory_space<vmem>>, vector<16xf32>,
      %swap3A_596 = arith.constant 3 : i32
      %swap3A_597 = arith.index_cast %swap3A_596 : i32 to index
      %swap3A_598 = arith.index_cast %add3A_585 : i32 to index
      %swap3A_599 = arith.constant 32 : index
      %swap3A_600 = tpu.vector_load %arg10[%swap3A_597, %swap3A_598, %swap3A_599] {strides = array<i32>} : memref<4x64x128xf32, #tpu.memory_space<vmem>>, vector<16xf32>,
      tpu.vector_store %arg10[%swap3A_597, %swap3A_598, %swap3A_599], %broadcast_in_dim3A_1 {strides = array<i32>} : memref<4x64x128xf32, #tpu.memory_space<vmem>>, vector<16xf32>,
      %swap3A_601 = arith.constant 3 : i32
      %swap3A_602 = arith.index_cast %swap3A_601 : i32 to index
      %swap3A_603 = arith.index_cast %add3A_585 : i32 to index
      %swap3A_604 = arith.constant 48 : index
      %swap3A_605 = tpu.vector_load %arg10[%swap3A_602, %swap3A_603, %swap3A_604] {strides = array<i32>} : memref<4x64x128xf32, #tpu.memory_space<vmem>>, vector<16xf32>,
      tpu.vector_store %arg10[%swap3A_602, %swap3A_603, %swap3A_604], %broadcast_in_dim3A_1 {strides = array<i32>} : memref<4x64x128xf32, #tpu.memory_space<vmem>>, vector<16xf32>,
      %swap3A_606 = arith.constant 3 : i32
      %swap3A_607 = arith.index_cast %swap3A_606 : i32 to index
      %swap3A_608 = arith.index_cast %add3A_585 : i32 to index
      %swap3A_609 = arith.constant 64 : index
      %swap3A_610 = tpu.vector_load %arg10[%swap3A_607, %swap3A_608, %swap3A_609] {strides = array<i32>} : memref<4x64x128xf32, #tpu.memory_space<vmem>>, vector<16xf32>,
      tpu.vector_store %arg10[%swap3A_607, %swap3A_608, %swap3A_609], %broadcast_in_dim3A_1 {strides = array<i32>} : memref<4x64x128xf32, #tpu.memory_space<vmem>>, vector<16xf32>,
      %swap3A_611 = arith.constant 3 : i32
      %swap3A_612 = arith.index_cast %swap3A_611 : i32 to index
      %swap3A_613 = arith.index_cast %add3A_585 : i32 to index
      %swap3A_614 = arith.constant 80 : index
      %swap3A_615 = tpu.vector_load %arg10[%swap3A_612, %swap3A_613, %swap3A_614] {strides = array<i32>} : memref<4x64x128xf32, #tpu.memory_space<vmem>>, vector<16xf32>,
      tpu.vector_store %arg10[%swap3A_612, %swap3A_613, %swap3A_614], %broadcast_in_dim3A_1 {strides = array<i32>} : memref<4x64x128xf32, #tpu.memory_space<vmem>>, vector<16xf32>,
      %swap3A_616 = arith.constant 3 : i32
      %swap3A_617 = arith.index_cast %swap3A_616 : i32 to index
      %swap3A_618 = arith.index_cast %add3A_585 : i32 to index
      %swap3A_619 = arith.constant 96 : index
      %swap3A_620 = tpu.vector_load %arg10[%swap3A_617, %swap3A_618, %swap3A_619] {strides = array<i32>} : memref<4x64x128xf32, #tpu.memory_space<vmem>>, vector<16xf32>,
      tpu.vector_store %arg10[%swap3A_617, %swap3A_618, %swap3A_619], %broadcast_in_dim3A_1 {strides = array<i32>} : memref<4x64x128xf32, #tpu.memory_space<vmem>>, vector<16xf32>,
      %swap3A_621 = arith.constant 3 : i32
      %swap3A_622 = arith.index_cast %swap3A_621 : i32 to index
      %swap3A_623 = arith.index_cast %add3A_585 : i32 to index
      %swap3A_624 = arith.constant 112 : index
      %swap3A_625 = tpu.vector_load %arg10[%swap3A_622, %swap3A_623, %swap3A_624] {strides = array<i32>} : memref<4x64x128xf32, #tpu.memory_space<vmem>>, vector<16xf32>,
      tpu.vector_store %arg10[%swap3A_622, %swap3A_623, %swap3A_624], %broadcast_in_dim3A_1 {strides = array<i32>} : memref<4x64x128xf32, #tpu.memory_space<vmem>>, vector<16xf32>,
      %scan3A_626 = arith.constant 2 : i32
      %scan3A_627 = arith.addi %scan3A_536, %scan3A_626 : i32
      %mul3A_628 = arith.constant 1 : i32
      %mul3A_629 = arith.muli %scan3A_627, %mul3A_628 : i32
      %add3A_630 = arith.constant 0 : i32
      %add3A_631 = arith.addi %add3A_630, %mul3A_629 : i32
      %swap3A_632 = arith.constant 3 : i32
      %swap3A_633 = arith.index_cast %swap3A_632 : i32 to index
      %swap3A_634 = arith.index_cast %add3A_631 : i32 to index
      %swap3A_635 = arith.constant 0 : index
      %swap3A_636 = tpu.vector_load %arg10[%swap3A_633, %swap3A_634, %swap3A_635] {strides = array<i32>} : memref<4x64x128xf32, #tpu.memory_space<vmem>>, vector<16xf32>,
      tpu.vector_store %arg10[%swap3A_633, %swap3A_634, %swap3A_635], %broadcast_in_dim3A_1 {strides = array<i32>} : memref<4x64x128xf32, #tpu.memory_space<vmem>>, vector<16xf32>,
      %swap3A_637 = arith.constant 3 : i32
      %swap3A_638 = arith.index_cast %swap3A_637 : i32 to index
      %swap3A_639 = arith.index_cast %add3A_631 : i32 to index
      %swap3A_640 = arith.constant 16 : index
      %swap3A_641 = tpu.vector_load %arg10[%swap3A_638, %swap3A_639, %swap3A_640] {strides = array<i32>} : memref<4x64x128xf32, #tpu.memory_space<vmem>>, vector<16xf32>,
      tpu.vector_store %arg10[%swap3A_638, %swap3A_639, %swap3A_640], %broadcast_in_dim3A_1 {strides = array<i32>} : memref<4x64x128xf32, #tpu.memory_space<vmem>>, vector<16xf32>,
      %swap3A_642 = arith.constant 3 : i32
      %swap3A_643 = arith.index_cast %swap3A_642 : i32 to index
      %swap3A_644 = arith.index_cast %add3A_631 : i32 to index
      %swap3A_645 = arith.constant 32 : index
      %swap3A_646 = tpu.vector_load %arg10[%swap3A_643, %swap3A_644, %swap3A_645] {strides = array<i32>} : memref<4x64x128xf32, #tpu.memory_space<vmem>>, vector<16xf32>,
      tpu.vector_store %arg10[%swap3A_643, %swap3A_644, %swap3A_645], %broadcast_in_dim3A_1 {strides = array<i32>} : memref<4x64x128xf32, #tpu.memory_space<vmem>>, vector<16xf32>,
      %swap3A_647 = arith.constant 3 : i32
      %swap3A_648 = arith.index_cast %swap3A_647 : i32 to index
      %swap3A_649 = arith.index_cast %add3A_631 : i32 to index
      %swap3A_650 = arith.constant 48 : index
      %swap3A_651 = tpu.vector_load %arg10[%swap3A_648, %swap3A_649, %swap3A_650] {strides = array<i32>} : memref<4x64x128xf32, #tpu.memory_space<vmem>>, vector<16xf32>,
      tpu.vector_store %arg10[%swap3A_648, %swap3A_649, %swap3A_650], %broadcast_in_dim3A_1 {strides = array<i32>} : memref<4x64x128xf32, #tpu.memory_space<vmem>>, vector<16xf32>,
      %swap3A_652 = arith.constant 3 : i32
      %swap3A_653 = arith.index_cast %swap3A_652 : i32 to index
      %swap3A_654 = arith.index_cast %add3A_631 : i32 to index
      %swap3A_655 = arith.constant 64 : index
      %swap3A_656 = tpu.vector_load %arg10[%swap3A_653, %swap3A_654, %swap3A_655] {strides = array<i32>} : memref<4x64x128xf32, #tpu.memory_space<vmem>>, vector<16xf32>,
      tpu.vector_store %arg10[%swap3A_653, %swap3A_654, %swap3A_655], %broadcast_in_dim3A_1 {strides = array<i32>} : memref<4x64x128xf32, #tpu.memory_space<vmem>>, vector<16xf32>,
      %swap3A_657 = arith.constant 3 : i32
      %swap3A_658 = arith.index_cast %swap3A_657 : i32 to index
      %swap3A_659 = arith.index_cast %add3A_631 : i32 to index
      %swap3A_660 = arith.constant 80 : index
      %swap3A_661 = tpu.vector_load %arg10[%swap3A_658, %swap3A_659, %swap3A_660] {strides = array<i32>} : memref<4x64x128xf32, #tpu.memory_space<vmem>>, vector<16xf32>,
      tpu.vector_store %arg10[%swap3A_658, %swap3A_659, %swap3A_660], %broadcast_in_dim3A_1 {strides = array<i32>} : memref<4x64x128xf32, #tpu.memory_space<vmem>>, vector<16xf32>,
      %swap3A_662 = arith.constant 3 : i32
      %swap3A_663 = arith.index_cast %swap3A_662 : i32 to index
      %swap3A_664 = arith.index_cast %add3A_631 : i32 to index
      %swap3A_665 = arith.constant 96 : index
      %swap3A_666 = tpu.vector_load %arg10[%swap3A_663, %swap3A_664, %swap3A_665] {strides = array<i32>} : memref<4x64x128xf32, #tpu.memory_space<vmem>>, vector<16xf32>,
      tpu.vector_store %arg10[%swap3A_663, %swap3A_664, %swap3A_665], %broadcast_in_dim3A_1 {strides = array<i32>} : memref<4x64x128xf32, #tpu.memory_space<vmem>>, vector<16xf32>,
      %swap3A_667 = arith.constant 3 : i32
      %swap3A_668 = arith.index_cast %swap3A_667 : i32 to index
      %swap3A_669 = arith.index_cast %add3A_631 : i32 to index
      %swap3A_670 = arith.constant 112 : index
      %swap3A_671 = tpu.vector_load %arg10[%swap3A_668, %swap3A_669, %swap3A_670] {strides = array<i32>} : memref<4x64x128xf32, #tpu.memory_space<vmem>>, vector<16xf32>,
      tpu.vector_store %arg10[%swap3A_668, %swap3A_669, %swap3A_670], %broadcast_in_dim3A_1 {strides = array<i32>} : memref<4x64x128xf32, #tpu.memory_space<vmem>>, vector<16xf32>,
      %scan3A_672 = arith.constant 3 : i32
      %scan3A_673 = arith.addi %scan3A_536, %scan3A_672 : i32
      %mul3A_674 = arith.constant 1 : i32
      %mul3A_675 = arith.muli %scan3A_673, %mul3A_674 : i32
      %add3A_676 = arith.constant 0 : i32
      %add3A_677 = arith.addi %add3A_676, %mul3A_675 : i32
      %swap3A_678 = arith.constant 3 : i32
      %swap3A_679 = arith.index_cast %swap3A_678 : i32 to index
      %swap3A_680 = arith.index_cast %add3A_677 : i32 to index
      %swap3A_681 = arith.constant 0 : index
      %swap3A_682 = tpu.vector_load %arg10[%swap3A_679, %swap3A_680, %swap3A_681] {strides = array<i32>} : memref<4x64x128xf32, #tpu.memory_space<vmem>>, vector<16xf32>,
      tpu.vector_store %arg10[%swap3A_679, %swap3A_680, %swap3A_681], %broadcast_in_dim3A_1 {strides = array<i32>} : memref<4x64x128xf32, #tpu.memory_space<vmem>>, vector<16xf32>,
      %swap3A_683 = arith.constant 3 : i32
      %swap3A_684 = arith.index_cast %swap3A_683 : i32 to index
      %swap3A_685 = arith.index_cast %add3A_677 : i32 to index
      %swap3A_686 = arith.constant 16 : index
      %swap3A_687 = tpu.vector_load %arg10[%swap3A_684, %swap3A_685, %swap3A_686] {strides = array<i32>} : memref<4x64x128xf32, #tpu.memory_space<vmem>>, vector<16xf32>,
      tpu.vector_store %arg10[%swap3A_684, %swap3A_685, %swap3A_686], %broadcast_in_dim3A_1 {strides = array<i32>} : memref<4x64x128xf32, #tpu.memory_space<vmem>>, vector<16xf32>,
      %swap3A_688 = arith.constant 3 : i32
      %swap3A_689 = arith.index_cast %swap3A_688 : i32 to index
      %swap3A_690 = arith.index_cast %add3A_677 : i32 to index
      %swap3A_691 = arith.constant 32 : index
      %swap3A_692 = tpu.vector_load %arg10[%swap3A_689, %swap3A_690, %swap3A_691] {strides = array<i32>} : memref<4x64x128xf32, #tpu.memory_space<vmem>>, vector<16xf32>,
      tpu.vector_store %arg10[%swap3A_689, %swap3A_690, %swap3A_691], %broadcast_in_dim3A_1 {strides = array<i32>} : memref<4x64x128xf32, #tpu.memory_space<vmem>>, vector<16xf32>,
      %swap3A_693 = arith.constant 3 : i32
      %swap3A_694 = arith.index_cast %swap3A_693 : i32 to index
      %swap3A_695 = arith.index_cast %add3A_677 : i32 to index
      %swap3A_696 = arith.constant 48 : index
      %swap3A_697 = tpu.vector_load %arg10[%swap3A_694, %swap3A_695, %swap3A_696] {strides = array<i32>} : memref<4x64x128xf32, #tpu.memory_space<vmem>>, vector<16xf32>,
      tpu.vector_store %arg10[%swap3A_694, %swap3A_695, %swap3A_696], %broadcast_in_dim3A_1 {strides = array<i32>} : memref<4x64x128xf32, #tpu.memory_space<vmem>>, vector<16xf32>,
      %swap3A_698 = arith.constant 3 : i32
      %swap3A_699 = arith.index_cast %swap3A_698 : i32 to index
      %swap3A_700 = arith.index_cast %add3A_677 : i32 to index
      %swap3A_701 = arith.constant 64 : index
      %swap3A_702 = tpu.vector_load %arg10[%swap3A_699, %swap3A_700, %swap3A_701] {strides = array<i32>} : memref<4x64x128xf32, #tpu.memory_space<vmem>>, vector<16xf32>,
      tpu.vector_store %arg10[%swap3A_699, %swap3A_700, %swap3A_701], %broadcast_in_dim3A_1 {strides = array<i32>} : memref<4x64x128xf32, #tpu.memory_space<vmem>>, vector<16xf32>,
      %swap3A_703 = arith.constant 3 : i32
      %swap3A_704 = arith.index_cast %swap3A_703 : i32 to index
      %swap3A_705 = arith.index_cast %add3A_677 : i32 to index
      %swap3A_706 = arith.constant 80 : index
      %swap3A_707 = tpu.vector_load %arg10[%swap3A_704, %swap3A_705, %swap3A_706] {strides = array<i32>} : memref<4x64x128xf32, #tpu.memory_space<vmem>>, vector<16xf32>,
      tpu.vector_store %arg10[%swap3A_704, %swap3A_705, %swap3A_706], %broadcast_in_dim3A_1 {strides = array<i32>} : memref<4x64x128xf32, #tpu.memory_space<vmem>>, vector<16xf32>,
      %swap3A_708 = arith.constant 3 : i32
      %swap3A_709 = arith.index_cast %swap3A_708 : i32 to index
      %swap3A_710 = arith.index_cast %add3A_677 : i32 to index
      %swap3A_711 = arith.constant 96 : index
      %swap3A_712 = tpu.vector_load %arg10[%swap3A_709, %swap3A_710, %swap3A_711] {strides = array<i32>} : memref<4x64x128xf32, #tpu.memory_space<vmem>>, vector<16xf32>,
      tpu.vector_store %arg10[%swap3A_709, %swap3A_710, %swap3A_711], %broadcast_in_dim3A_1 {strides = array<i32>} : memref<4x64x128xf32, #tpu.memory_space<vmem>>, vector<16xf32>,
      %swap3A_713 = arith.constant 3 : i32
      %swap3A_714 = arith.index_cast %swap3A_713 : i32 to index
      %swap3A_715 = arith.index_cast %add3A_677 : i32 to index
      %swap3A_716 = arith.constant 112 : index
      %swap3A_717 = tpu.vector_load %arg10[%swap3A_714, %swap3A_715, %swap3A_716] {strides = array<i32>} : memref<4x64x128xf32, #tpu.memory_space<vmem>>, vector<16xf32>,
      tpu.vector_store %arg10[%swap3A_714, %swap3A_715, %swap3A_716], %broadcast_in_dim3A_1 {strides = array<i32>} : memref<4x64x128xf32, #tpu.memory_space<vmem>>, vector<16xf32>,
      %scan3A_718 = arith.constant 4 : i32
      %scan3A_719 = arith.addi %scan3A_536, %scan3A_718 : i32
      %mul3A_720 = arith.constant 1 : i32
      %mul3A_721 = arith.muli %scan3A_719, %mul3A_720 : i32
      %add3A_722 = arith.constant 0 : i32
      %add3A_723 = arith.addi %add3A_722, %mul3A_721 : i32
      %swap3A_724 = arith.constant 3 : i32
      %swap3A_725 = arith.index_cast %swap3A_724 : i32 to index
      %swap3A_726 = arith.index_cast %add3A_723 : i32 to index
      %swap3A_727 = arith.constant 0 : index
      %swap3A_728 = tpu.vector_load %arg10[%swap3A_725, %swap3A_726, %swap3A_727] {strides = array<i32>} : memref<4x64x128xf32, #tpu.memory_space<vmem>>, vector<16xf32>,
      tpu.vector_store %arg10[%swap3A_725, %swap3A_726, %swap3A_727], %broadcast_in_dim3A_1 {strides = array<i32>} : memref<4x64x128xf32, #tpu.memory_space<vmem>>, vector<16xf32>,
      %swap3A_729 = arith.constant 3 : i32
      %swap3A_730 = arith.index_cast %swap3A_729 : i32 to index
      %swap3A_731 = arith.index_cast %add3A_723 : i32 to index
      %swap3A_732 = arith.constant 16 : index
      %swap3A_733 = tpu.vector_load %arg10[%swap3A_730, %swap3A_731, %swap3A_732] {strides = array<i32>} : memref<4x64x128xf32, #tpu.memory_space<vmem>>, vector<16xf32>,
      tpu.vector_store %arg10[%swap3A_730, %swap3A_731, %swap3A_732], %broadcast_in_dim3A_1 {strides = array<i32>} : memref<4x64x128xf32, #tpu.memory_space<vmem>>, vector<16xf32>,
      %swap3A_734 = arith.constant 3 : i32
      %swap3A_735 = arith.index_cast %swap3A_734 : i32 to index
      %swap3A_736 = arith.index_cast %add3A_723 : i32 to index
      %swap3A_737 = arith.constant 32 : index
      %swap3A_738 = tpu.vector_load %arg10[%swap3A_735, %swap3A_736, %swap3A_737] {strides = array<i32>} : memref<4x64x128xf32, #tpu.memory_space<vmem>>, vector<16xf32>,
      tpu.vector_store %arg10[%swap3A_735, %swap3A_736, %swap3A_737], %broadcast_in_dim3A_1 {strides = array<i32>} : memref<4x64x128xf32, #tpu.memory_space<vmem>>, vector<16xf32>,
      %swap3A_739 = arith.constant 3 : i32
      %swap3A_740 = arith.index_cast %swap3A_739 : i32 to index
      %swap3A_741 = arith.index_cast %add3A_723 : i32 to index
      %swap3A_742 = arith.constant 48 : index
      %swap3A_743 = tpu.vector_load %arg10[%swap3A_740, %swap3A_741, %swap3A_742] {strides = array<i32>} : memref<4x64x128xf32, #tpu.memory_space<vmem>>, vector<16xf32>,
      tpu.vector_store %arg10[%swap3A_740, %swap3A_741, %swap3A_742], %broadcast_in_dim3A_1 {strides = array<i32>} : memref<4x64x128xf32, #tpu.memory_space<vmem>>, vector<16xf32>,
      %swap3A_744 = arith.constant 3 : i32
      %swap3A_745 = arith.index_cast %swap3A_744 : i32 to index
      %swap3A_746 = arith.index_cast %add3A_723 : i32 to index
      %swap3A_747 = arith.constant 64 : index
      %swap3A_748 = tpu.vector_load %arg10[%swap3A_745, %swap3A_746, %swap3A_747] {strides = array<i32>} : memref<4x64x128xf32, #tpu.memory_space<vmem>>, vector<16xf32>,
      tpu.vector_store %arg10[%swap3A_745, %swap3A_746, %swap3A_747], %broadcast_in_dim3A_1 {strides = array<i32>} : memref<4x64x128xf32, #tpu.memory_space<vmem>>, vector<16xf32>,
      %swap3A_749 = arith.constant 3 : i32
      %swap3A_750 = arith.index_cast %swap3A_749 : i32 to index
      %swap3A_751 = arith.index_cast %add3A_723 : i32 to index
      %swap3A_752 = arith.constant 80 : index
      %swap3A_753 = tpu.vector_load %arg10[%swap3A_750, %swap3A_751, %swap3A_752] {strides = array<i32>} : memref<4x64x128xf32, #tpu.memory_space<vmem>>, vector<16xf32>,
      tpu.vector_store %arg10[%swap3A_750, %swap3A_751, %swap3A_752], %broadcast_in_dim3A_1 {strides = array<i32>} : memref<4x64x128xf32, #tpu.memory_space<vmem>>, vector<16xf32>,
      %swap3A_754 = arith.constant 3 : i32
      %swap3A_755 = arith.index_cast %swap3A_754 : i32 to index
      %swap3A_756 = arith.index_cast %add3A_723 : i32 to index
      %swap3A_757 = arith.constant 96 : index
      %swap3A_758 = tpu.vector_load %arg10[%swap3A_755, %swap3A_756, %swap3A_757] {strides = array<i32>} : memref<4x64x128xf32, #tpu.memory_space<vmem>>, vector<16xf32>,
      tpu.vector_store %arg10[%swap3A_755, %swap3A_756, %swap3A_757], %broadcast_in_dim3A_1 {strides = array<i32>} : memref<4x64x128xf32, #tpu.memory_space<vmem>>, vector<16xf32>,
      %swap3A_759 = arith.constant 3 : i32
      %swap3A_760 = arith.index_cast %swap3A_759 : i32 to index
      %swap3A_761 = arith.index_cast %add3A_723 : i32 to index
      %swap3A_762 = arith.constant 112 : index
      %swap3A_763 = tpu.vector_load %arg10[%swap3A_760, %swap3A_761, %swap3A_762] {strides = array<i32>} : memref<4x64x128xf32, #tpu.memory_space<vmem>>, vector<16xf32>,
      tpu.vector_store %arg10[%swap3A_760, %swap3A_761, %swap3A_762], %broadcast_in_dim3A_1 {strides = array<i32>} : memref<4x64x128xf32, #tpu.memory_space<vmem>>, vector<16xf32>,
      %scan3A_764 = arith.constant 5 : i32
      %scan3A_765 = arith.addi %scan3A_536, %scan3A_764 : i32
      %mul3A_766 = arith.constant 1 : i32
      %mul3A_767 = arith.muli %scan3A_765, %mul3A_766 : i32
      %add3A_768 = arith.constant 0 : i32
      %add3A_769 = arith.addi %add3A_768, %mul3A_767 : i32
      %swap3A_770 = arith.constant 3 : i32
      %swap3A_771 = arith.index_cast %swap3A_770 : i32 to index
      %swap3A_772 = arith.index_cast %add3A_769 : i32 to index
      %swap3A_773 = arith.constant 0 : index
      %swap3A_774 = tpu.vector_load %arg10[%swap3A_771, %swap3A_772, %swap3A_773] {strides = array<i32>} : memref<4x64x128xf32, #tpu.memory_space<vmem>>, vector<16xf32>,
      tpu.vector_store %arg10[%swap3A_771, %swap3A_772, %swap3A_773], %broadcast_in_dim3A_1 {strides = array<i32>} : memref<4x64x128xf32, #tpu.memory_space<vmem>>, vector<16xf32>,
      %swap3A_775 = arith.constant 3 : i32
      %swap3A_776 = arith.index_cast %swap3A_775 : i32 to index
      %swap3A_777 = arith.index_cast %add3A_769 : i32 to index
      %swap3A_778 = arith.constant 16 : index
      %swap3A_779 = tpu.vector_load %arg10[%swap3A_776, %swap3A_777, %swap3A_778] {strides = array<i32>} : memref<4x64x128xf32, #tpu.memory_space<vmem>>, vector<16xf32>,
      tpu.vector_store %arg10[%swap3A_776, %swap3A_777, %swap3A_778], %broadcast_in_dim3A_1 {strides = array<i32>} : memref<4x64x128xf32, #tpu.memory_space<vmem>>, vector<16xf32>,
      %swap3A_780 = arith.constant 3 : i32
      %swap3A_781 = arith.index_cast %swap3A_780 : i32 to index
      %swap3A_782 = arith.index_cast %add3A_769 : i32 to index
      %swap3A_783 = arith.constant 32 : index
      %swap3A_784 = tpu.vector_load %arg10[%swap3A_781, %swap3A_782, %swap3A_783] {strides = array<i32>} : memref<4x64x128xf32, #tpu.memory_space<vmem>>, vector<16xf32>,
      tpu.vector_store %arg10[%swap3A_781, %swap3A_782, %swap3A_783], %broadcast_in_dim3A_1 {strides = array<i32>} : memref<4x64x128xf32, #tpu.memory_space<vmem>>, vector<16xf32>,
      %swap3A_785 = arith.constant 3 : i32
      %swap3A_786 = arith.index_cast %swap3A_785 : i32 to index
      %swap3A_787 = arith.index_cast %add3A_769 : i32 to index
      %swap3A_788 = arith.constant 48 : index
      %swap3A_789 = tpu.vector_load %arg10[%swap3A_786, %swap3A_787, %swap3A_788] {strides = array<i32>} : memref<4x64x128xf32, #tpu.memory_space<vmem>>, vector<16xf32>,
      tpu.vector_store %arg10[%swap3A_786, %swap3A_787, %swap3A_788], %broadcast_in_dim3A_1 {strides = array<i32>} : memref<4x64x128xf32, #tpu.memory_space<vmem>>, vector<16xf32>,
      %swap3A_790 = arith.constant 3 : i32
      %swap3A_791 = arith.index_cast %swap3A_790 : i32 to index
      %swap3A_792 = arith.index_cast %add3A_769 : i32 to index
      %swap3A_793 = arith.constant 64 : index
      %swap3A_794 = tpu.vector_load %arg10[%swap3A_791, %swap3A_792, %swap3A_793] {strides = array<i32>} : memref<4x64x128xf32, #tpu.memory_space<vmem>>, vector<16xf32>,
      tpu.vector_store %arg10[%swap3A_791, %swap3A_792, %swap3A_793], %broadcast_in_dim3A_1 {strides = array<i32>} : memref<4x64x128xf32, #tpu.memory_space<vmem>>, vector<16xf32>,
      %swap3A_795 = arith.constant 3 : i32
      %swap3A_796 = arith.index_cast %swap3A_795 : i32 to index
      %swap3A_797 = arith.index_cast %add3A_769 : i32 to index
      %swap3A_798 = arith.constant 80 : index
      %swap3A_799 = tpu.vector_load %arg10[%swap3A_796, %swap3A_797, %swap3A_798] {strides = array<i32>} : memref<4x64x128xf32, #tpu.memory_space<vmem>>, vector<16xf32>,
      tpu.vector_store %arg10[%swap3A_796, %swap3A_797, %swap3A_798], %broadcast_in_dim3A_1 {strides = array<i32>} : memref<4x64x128xf32, #tpu.memory_space<vmem>>, vector<16xf32>,
      %swap3A_800 = arith.constant 3 : i32
      %swap3A_801 = arith.index_cast %swap3A_800 : i32 to index
      %swap3A_802 = arith.index_cast %add3A_769 : i32 to index
      %swap3A_803 = arith.constant 96 : index
      %swap3A_804 = tpu.vector_load %arg10[%swap3A_801, %swap3A_802, %swap3A_803] {strides = array<i32>} : memref<4x64x128xf32, #tpu.memory_space<vmem>>, vector<16xf32>,
      tpu.vector_store %arg10[%swap3A_801, %swap3A_802, %swap3A_803], %broadcast_in_dim3A_1 {strides = array<i32>} : memref<4x64x128xf32, #tpu.memory_space<vmem>>, vector<16xf32>,
      %swap3A_805 = arith.constant 3 : i32
      %swap3A_806 = arith.index_cast %swap3A_805 : i32 to index
      %swap3A_807 = arith.index_cast %add3A_769 : i32 to index
      %swap3A_808 = arith.constant 112 : index
      %swap3A_809 = tpu.vector_load %arg10[%swap3A_806, %swap3A_807, %swap3A_808] {strides = array<i32>} : memref<4x64x128xf32, #tpu.memory_space<vmem>>, vector<16xf32>,
      tpu.vector_store %arg10[%swap3A_806, %swap3A_807, %swap3A_808], %broadcast_in_dim3A_1 {strides = array<i32>} : memref<4x64x128xf32, #tpu.memory_space<vmem>>, vector<16xf32>,
      %scan3A_810 = arith.constant 6 : i32
      %scan3A_811 = arith.addi %scan3A_536, %scan3A_810 : i32
      %mul3A_812 = arith.constant 1 : i32
      %mul3A_813 = arith.muli %scan3A_811, %mul3A_812 : i32
      %add3A_814 = arith.constant 0 : i32
      %add3A_815 = arith.addi %add3A_814, %mul3A_813 : i32
      %swap3A_816 = arith.constant 3 : i32
      %swap3A_817 = arith.index_cast %swap3A_816 : i32 to index
      %swap3A_818 = arith.index_cast %add3A_815 : i32 to index
      %swap3A_819 = arith.constant 0 : index
      %swap3A_820 = tpu.vector_load %arg10[%swap3A_817, %swap3A_818, %swap3A_819] {strides = array<i32>} : memref<4x64x128xf32, #tpu.memory_space<vmem>>, vector<16xf32>,
      tpu.vector_store %arg10[%swap3A_817, %swap3A_818, %swap3A_819], %broadcast_in_dim3A_1 {strides = array<i32>} : memref<4x64x128xf32, #tpu.memory_space<vmem>>, vector<16xf32>,
      %swap3A_821 = arith.constant 3 : i32
      %swap3A_822 = arith.index_cast %swap3A_821 : i32 to index
      %swap3A_823 = arith.index_cast %add3A_815 : i32 to index
      %swap3A_824 = arith.constant 16 : index
      %swap3A_825 = tpu.vector_load %arg10[%swap3A_822, %swap3A_823, %swap3A_824] {strides = array<i32>} : memref<4x64x128xf32, #tpu.memory_space<vmem>>, vector<16xf32>,
      tpu.vector_store %arg10[%swap3A_822, %swap3A_823, %swap3A_824], %broadcast_in_dim3A_1 {strides = array<i32>} : memref<4x64x128xf32, #tpu.memory_space<vmem>>, vector<16xf32>,
      %swap3A_826 = arith.constant 3 : i32
      %swap3A_827 = arith.index_cast %swap3A_826 : i32 to index
      %swap3A_828 = arith.index_cast %add3A_815 : i32 to index
      %swap3A_829 = arith.constant 32 : index
      %swap3A_830 = tpu.vector_load %arg10[%swap3A_827, %swap3A_828, %swap3A_829] {strides = array<i32>} : memref<4x64x128xf32, #tpu.memory_space<vmem>>, vector<16xf32>,
      tpu.vector_store %arg10[%swap3A_827, %swap3A_828, %swap3A_829], %broadcast_in_dim3A_1 {strides = array<i32>} : memref<4x64x128xf32, #tpu.memory_space<vmem>>, vector<16xf32>,
      %swap3A_831 = arith.constant 3 : i32
      %swap3A_832 = arith.index_cast %swap3A_831 : i32 to index
      %swap3A_833 = arith.index_cast %add3A_815 : i32 to index
      %swap3A_834 = arith.constant 48 : index
      %swap3A_835 = tpu.vector_load %arg10[%swap3A_832, %swap3A_833, %swap3A_834] {strides = array<i32>} : memref<4x64x128xf32, #tpu.memory_space<vmem>>, vector<16xf32>,
      tpu.vector_store %arg10[%swap3A_832, %swap3A_833, %swap3A_834], %broadcast_in_dim3A_1 {strides = array<i32>} : memref<4x64x128xf32, #tpu.memory_space<vmem>>, vector<16xf32>,
      %swap3A_836 = arith.constant 3 : i32
      %swap3A_837 = arith.index_cast %swap3A_836 : i32 to index
      %swap3A_838 = arith.index_cast %add3A_815 : i32 to index
      %swap3A_839 = arith.constant 64 : index
      %swap3A_840 = tpu.vector_load %arg10[%swap3A_837, %swap3A_838, %swap3A_839] {strides = array<i32>} : memref<4x64x128xf32, #tpu.memory_space<vmem>>, vector<16xf32>,
      tpu.vector_store %arg10[%swap3A_837, %swap3A_838, %swap3A_839], %broadcast_in_dim3A_1 {strides = array<i32>} : memref<4x64x128xf32, #tpu.memory_space<vmem>>, vector<16xf32>,
      %swap3A_841 = arith.constant 3 : i32
      %swap3A_842 = arith.index_cast %swap3A_841 : i32 to index
      %swap3A_843 = arith.index_cast %add3A_815 : i32 to index
      %swap3A_844 = arith.constant 80 : index
      %swap3A_845 = tpu.vector_load %arg10[%swap3A_842, %swap3A_843, %swap3A_844] {strides = array<i32>} : memref<4x64x128xf32, #tpu.memory_space<vmem>>, vector<16xf32>,
      tpu.vector_store %arg10[%swap3A_842, %swap3A_843, %swap3A_844], %broadcast_in_dim3A_1 {strides = array<i32>} : memref<4x64x128xf32, #tpu.memory_space<vmem>>, vector<16xf32>,
      %swap3A_846 = arith.constant 3 : i32
      %swap3A_847 = arith.index_cast %swap3A_846 : i32 to index
      %swap3A_848 = arith.index_cast %add3A_815 : i32 to index
      %swap3A_849 = arith.constant 96 : index
      %swap3A_850 = tpu.vector_load %arg10[%swap3A_847, %swap3A_848, %swap3A_849] {strides = array<i32>} : memref<4x64x128xf32, #tpu.memory_space<vmem>>, vector<16xf32>,
      tpu.vector_store %arg10[%swap3A_847, %swap3A_848, %swap3A_849], %broadcast_in_dim3A_1 {strides = array<i32>} : memref<4x64x128xf32, #tpu.memory_space<vmem>>, vector<16xf32>,
      %swap3A_851 = arith.constant 3 : i32
      %swap3A_852 = arith.index_cast %swap3A_851 : i32 to index
      %swap3A_853 = arith.index_cast %add3A_815 : i32 to index
      %swap3A_854 = arith.constant 112 : index
      %swap3A_855 = tpu.vector_load %arg10[%swap3A_852, %swap3A_853, %swap3A_854] {strides = array<i32>} : memref<4x64x128xf32, #tpu.memory_space<vmem>>, vector<16xf32>,
      tpu.vector_store %arg10[%swap3A_852, %swap3A_853, %swap3A_854], %broadcast_in_dim3A_1 {strides = array<i32>} : memref<4x64x128xf32, #tpu.memory_space<vmem>>, vector<16xf32>,
      %scan3A_856 = arith.constant 7 : i32
      %scan3A_857 = arith.addi %scan3A_536, %scan3A_856 : i32
      %mul3A_858 = arith.constant 1 : i32
      %mul3A_859 = arith.muli %scan3A_857, %mul3A_858 : i32
      %add3A_860 = arith.constant 0 : i32
      %add3A_861 = arith.addi %add3A_860, %mul3A_859 : i32
      %swap3A_862 = arith.constant 3 : i32
      %swap3A_863 = arith.index_cast %swap3A_862 : i32 to index
      %swap3A_864 = arith.index_cast %add3A_861 : i32 to index
      %swap3A_865 = arith.constant 0 : index
      %swap3A_866 = tpu.vector_load %arg10[%swap3A_863, %swap3A_864, %swap3A_865] {strides = array<i32>} : memref<4x64x128xf32, #tpu.memory_space<vmem>>, vector<16xf32>,
      tpu.vector_store %arg10[%swap3A_863, %swap3A_864, %swap3A_865], %broadcast_in_dim3A_1 {strides = array<i32>} : memref<4x64x128xf32, #tpu.memory_space<vmem>>, vector<16xf32>,
      %swap3A_867 = arith.constant 3 : i32
      %swap3A_868 = arith.index_cast %swap3A_867 : i32 to index
      %swap3A_869 = arith.index_cast %add3A_861 : i32 to index
      %swap3A_870 = arith.constant 16 : index
      %swap3A_871 = tpu.vector_load %arg10[%swap3A_868, %swap3A_869, %swap3A_870] {strides = array<i32>} : memref<4x64x128xf32, #tpu.memory_space<vmem>>, vector<16xf32>,
      tpu.vector_store %arg10[%swap3A_868, %swap3A_869, %swap3A_870], %broadcast_in_dim3A_1 {strides = array<i32>} : memref<4x64x128xf32, #tpu.memory_space<vmem>>, vector<16xf32>,
      %swap3A_872 = arith.constant 3 : i32
      %swap3A_873 = arith.index_cast %swap3A_872 : i32 to index
      %swap3A_874 = arith.index_cast %add3A_861 : i32 to index
      %swap3A_875 = arith.constant 32 : index
      %swap3A_876 = tpu.vector_load %arg10[%swap3A_873, %swap3A_874, %swap3A_875] {strides = array<i32>} : memref<4x64x128xf32, #tpu.memory_space<vmem>>, vector<16xf32>,
      tpu.vector_store %arg10[%swap3A_873, %swap3A_874, %swap3A_875], %broadcast_in_dim3A_1 {strides = array<i32>} : memref<4x64x128xf32, #tpu.memory_space<vmem>>, vector<16xf32>,
      %swap3A_877 = arith.constant 3 : i32
      %swap3A_878 = arith.index_cast %swap3A_877 : i32 to index
      %swap3A_879 = arith.index_cast %add3A_861 : i32 to index
      %swap3A_880 = arith.constant 48 : index
      %swap3A_881 = tpu.vector_load %arg10[%swap3A_878, %swap3A_879, %swap3A_880] {strides = array<i32>} : memref<4x64x128xf32, #tpu.memory_space<vmem>>, vector<16xf32>,
      tpu.vector_store %arg10[%swap3A_878, %swap3A_879, %swap3A_880], %broadcast_in_dim3A_1 {strides = array<i32>} : memref<4x64x128xf32, #tpu.memory_space<vmem>>, vector<16xf32>,
      %swap3A_882 = arith.constant 3 : i32
      %swap3A_883 = arith.index_cast %swap3A_882 : i32 to index
      %swap3A_884 = arith.index_cast %add3A_861 : i32 to index
      %swap3A_885 = arith.constant 64 : index
      %swap3A_886 = tpu.vector_load %arg10[%swap3A_883, %swap3A_884, %swap3A_885] {strides = array<i32>} : memref<4x64x128xf32, #tpu.memory_space<vmem>>, vector<16xf32>,
      tpu.vector_store %arg10[%swap3A_883, %swap3A_884, %swap3A_885], %broadcast_in_dim3A_1 {strides = array<i32>} : memref<4x64x128xf32, #tpu.memory_space<vmem>>, vector<16xf32>,
      %swap3A_887 = arith.constant 3 : i32
      %swap3A_888 = arith.index_cast %swap3A_887 : i32 to index
      %swap3A_889 = arith.index_cast %add3A_861 : i32 to index
      %swap3A_890 = arith.constant 80 : index
      %swap3A_891 = tpu.vector_load %arg10[%swap3A_888, %swap3A_889, %swap3A_890] {strides = array<i32>} : memref<4x64x128xf32, #tpu.memory_space<vmem>>, vector<16xf32>,
      tpu.vector_store %arg10[%swap3A_888, %swap3A_889, %swap3A_890], %broadcast_in_dim3A_1 {strides = array<i32>} : memref<4x64x128xf32, #tpu.memory_space<vmem>>, vector<16xf32>,
      %swap3A_892 = arith.constant 3 : i32
      %swap3A_893 = arith.index_cast %swap3A_892 : i32 to index
      %swap3A_894 = arith.index_cast %add3A_861 : i32 to index
      %swap3A_895 = arith.constant 96 : index
      %swap3A_896 = tpu.vector_load %arg10[%swap3A_893, %swap3A_894, %swap3A_895] {strides = array<i32>} : memref<4x64x128xf32, #tpu.memory_space<vmem>>, vector<16xf32>,
      tpu.vector_store %arg10[%swap3A_893, %swap3A_894, %swap3A_895], %broadcast_in_dim3A_1 {strides = array<i32>} : memref<4x64x128xf32, #tpu.memory_space<vmem>>, vector<16xf32>,
      %swap3A_897 = arith.constant 3 : i32
      %swap3A_898 = arith.index_cast %swap3A_897 : i32 to index
      %swap3A_899 = arith.index_cast %add3A_861 : i32 to index
      %swap3A_900 = arith.constant 112 : index
      %swap3A_901 = tpu.vector_load %arg10[%swap3A_898, %swap3A_899, %swap3A_900] {strides = array<i32>} : memref<4x64x128xf32, #tpu.memory_space<vmem>>, vector<16xf32>,
      tpu.vector_store %arg10[%swap3A_898, %swap3A_899, %swap3A_900], %broadcast_in_dim3A_1 {strides = array<i32>} : memref<4x64x128xf32, #tpu.memory_space<vmem>>, vector<16xf32>,
    }
    %scan3A_58 = arith.constant 64 : i32
    %scan3A_59 = arith.constant 0 : i32
    %scan3A_60 = arith.constant 632 : i32
    %scan3A_61 = arith.addi %scan3A_59, %scan3A_60 : i32
    %scan3A_62 = arith.constant 8 : i32
    scf.for %scan3A_536 = %scan3A_59 to %scan3A_61 step %scan3A_62  : i32 {
      %mul3A_537 = arith.constant 1 : i32
      %mul3A_538 = arith.muli %scan3A_536, %mul3A_537 : i32
      %add3A_539 = arith.constant 0 : i32
      %add3A_540 = arith.addi %add3A_539, %mul3A_538 : i32
      %mul3A_541 = arith.constant 16 : i32
      %mul3A_542 = arith.muli %add3A_540, %mul3A_541 : i32
      %swap3A = arith.index_cast %mul3A_542 : i32 to index
      %swap3A_543 = tpu.vector_load %arg11[%swap3A] {strides = array<i32>} : memref<10112xf32, #tpu.memory_space<vmem>>, vector<16xf32>,
      tpu.vector_store %arg11[%swap3A], %broadcast_in_dim3A_1 {strides = array<i32>} : memref<10112xf32, #tpu.memory_space<vmem>>, vector<16xf32>,
      %scan3A_544 = arith.constant 1 : i32
      %scan3A_545 = arith.addi %scan3A_536, %scan3A_544 : i32
      %mul3A_546 = arith.constant 1 : i32
      %mul3A_547 = arith.muli %scan3A_545, %mul3A_546 : i32
      %add3A_548 = arith.constant 0 : i32
      %add3A_549 = arith.addi %add3A_548, %mul3A_547 : i32
      %mul3A_550 = arith.constant 16 : i32
      %mul3A_551 = arith.muli %add3A_549, %mul3A_550 : i32
      %swap3A_552 = arith.index_cast %mul3A_551 : i32 to index
      %swap3A_553 = tpu.vector_load %arg11[%swap3A_552] {strides = array<i32>} : memref<10112xf32, #tpu.memory_space<vmem>>, vector<16xf32>,
      tpu.vector_store %arg11[%swap3A_552], %broadcast_in_dim3A_1 {strides = array<i32>} : memref<10112xf32, #tpu.memory_space<vmem>>, vector<16xf32>,
      %scan3A_554 = arith.constant 2 : i32
      %scan3A_555 = arith.addi %scan3A_536, %scan3A_554 : i32
      %mul3A_556 = arith.constant 1 : i32
      %mul3A_557 = arith.muli %scan3A_555, %mul3A_556 : i32
      %add3A_558 = arith.constant 0 : i32
      %add3A_559 = arith.addi %add3A_558, %mul3A_557 : i32
      %mul3A_560 = arith.constant 16 : i32
      %mul3A_561 = arith.muli %add3A_559, %mul3A_560 : i32
      %swap3A_562 = arith.index_cast %mul3A_561 : i32 to index
      %swap3A_563 = tpu.vector_load %arg11[%swap3A_562] {strides = array<i32>} : memref<10112xf32, #tpu.memory_space<vmem>>, vector<16xf32>,
      tpu.vector_store %arg11[%swap3A_562], %broadcast_in_dim3A_1 {strides = array<i32>} : memref<10112xf32, #tpu.memory_space<vmem>>, vector<16xf32>,
      %scan3A_564 = arith.constant 3 : i32
      %scan3A_565 = arith.addi %scan3A_536, %scan3A_564 : i32
      %mul3A_566 = arith.constant 1 : i32
      %mul3A_567 = arith.muli %scan3A_565, %mul3A_566 : i32
      %add3A_568 = arith.constant 0 : i32
      %add3A_569 = arith.addi %add3A_568, %mul3A_567 : i32
      %mul3A_570 = arith.constant 16 : i32
      %mul3A_571 = arith.muli %add3A_569, %mul3A_570 : i32
      %swap3A_572 = arith.index_cast %mul3A_571 : i32 to index
      %swap3A_573 = tpu.vector_load %arg11[%swap3A_572] {strides = array<i32>} : memref<10112xf32, #tpu.memory_space<vmem>>, vector<16xf32>,
      tpu.vector_store %arg11[%swap3A_572], %broadcast_in_dim3A_1 {strides = array<i32>} : memref<10112xf32, #tpu.memory_space<vmem>>, vector<16xf32>,
      %scan3A_574 = arith.constant 4 : i32
      %scan3A_575 = arith.addi %scan3A_536, %scan3A_574 : i32
      %mul3A_576 = arith.constant 1 : i32
      %mul3A_577 = arith.muli %scan3A_575, %mul3A_576 : i32
      %add3A_578 = arith.constant 0 : i32
      %add3A_579 = arith.addi %add3A_578, %mul3A_577 : i32
      %mul3A_580 = arith.constant 16 : i32
      %mul3A_581 = arith.muli %add3A_579, %mul3A_580 : i32
      %swap3A_582 = arith.index_cast %mul3A_581 : i32 to index
      %swap3A_583 = tpu.vector_load %arg11[%swap3A_582] {strides = array<i32>} : memref<10112xf32, #tpu.memory_space<vmem>>, vector<16xf32>,
      tpu.vector_store %arg11[%swap3A_582], %broadcast_in_dim3A_1 {strides = array<i32>} : memref<10112xf32, #tpu.memory_space<vmem>>, vector<16xf32>,
      %scan3A_584 = arith.constant 5 : i32
      %scan3A_585 = arith.addi %scan3A_536, %scan3A_584 : i32
      %mul3A_586 = arith.constant 1 : i32
      %mul3A_587 = arith.muli %scan3A_585, %mul3A_586 : i32
      %add3A_588 = arith.constant 0 : i32
      %add3A_589 = arith.addi %add3A_588, %mul3A_587 : i32
      %mul3A_590 = arith.constant 16 : i32
      %mul3A_591 = arith.muli %add3A_589, %mul3A_590 : i32
      %swap3A_592 = arith.index_cast %mul3A_591 : i32 to index
      %swap3A_593 = tpu.vector_load %arg11[%swap3A_592] {strides = array<i32>} : memref<10112xf32, #tpu.memory_space<vmem>>, vector<16xf32>,
      tpu.vector_store %arg11[%swap3A_592], %broadcast_in_dim3A_1 {strides = array<i32>} : memref<10112xf32, #tpu.memory_space<vmem>>, vector<16xf32>,
      %scan3A_594 = arith.constant 6 : i32
      %scan3A_595 = arith.addi %scan3A_536, %scan3A_594 : i32
      %mul3A_596 = arith.constant 1 : i32
      %mul3A_597 = arith.muli %scan3A_595, %mul3A_596 : i32
      %add3A_598 = arith.constant 0 : i32
      %add3A_599 = arith.addi %add3A_598, %mul3A_597 : i32
      %mul3A_600 = arith.constant 16 : i32
      %mul3A_601 = arith.muli %add3A_599, %mul3A_600 : i32
      %swap3A_602 = arith.index_cast %mul3A_601 : i32 to index
      %swap3A_603 = tpu.vector_load %arg11[%swap3A_602] {strides = array<i32>} : memref<10112xf32, #tpu.memory_space<vmem>>, vector<16xf32>,
      tpu.vector_store %arg11[%swap3A_602], %broadcast_in_dim3A_1 {strides = array<i32>} : memref<10112xf32, #tpu.memory_space<vmem>>, vector<16xf32>,
      %scan3A_604 = arith.constant 7 : i32
      %scan3A_605 = arith.addi %scan3A_536, %scan3A_604 : i32
      %mul3A_606 = arith.constant 1 : i32
      %mul3A_607 = arith.muli %scan3A_605, %mul3A_606 : i32
      %add3A_608 = arith.constant 0 : i32
      %add3A_609 = arith.addi %add3A_608, %mul3A_607 : i32
      %mul3A_610 = arith.constant 16 : i32
      %mul3A_611 = arith.muli %add3A_609, %mul3A_610 : i32
      %swap3A_612 = arith.index_cast %mul3A_611 : i32 to index
      %swap3A_613 = tpu.vector_load %arg11[%swap3A_612] {strides = array<i32>} : memref<10112xf32, #tpu.memory_space<vmem>>, vector<16xf32>,
      tpu.vector_store %arg11[%swap3A_612], %broadcast_in_dim3A_1 {strides = array<i32>} : memref<10112xf32, #tpu.memory_space<vmem>>, vector<16xf32>,
    }
    %scan3A_63 = arith.constant 632 : i32
    %mul3A_64 = arith.constant 632 : i32
    %mul3A_65 = arith.muli %arg1, %mul3A_64 : i32
    %add3A_66 = arith.constant 0 : i32
    %add3A_67 = arith.addi %mul3A_65, %add3A_66 : i32
    %dma_start3A_68 = arith.constant 3 : i32
    %dma_start3A_69 = arith.constant 0 : i32
    %dma_start3A_70 = arith.constant 0 : i32
    %dma_start3A_71 = tpu.memref_slice %arg10[%dma_start3A_68, %dma_start3A_69, %dma_start3A_70] : memref<4x64x128xf32, #tpu.memory_space<vmem>> -> memref<1x64x128xf32, #tpu.memory_space<vmem>>
    %dma_start3A_72 = tpu.memref_squeeze %dma_start3A_71 : memref<1x64x128xf32, #tpu.memory_space<vmem>> -> memref<64x128xf32, #tpu.memory_space<vmem>>
    %dma_start3A_73 = arith.constant 0 : i32
    %dma_start3A_74 = arith.constant 0 : i32
    %dma_start3A_75 = tpu.memref_slice %dma_start3A_72[%dma_start3A_73, %dma_start3A_74] : memref<64x128xf32, #tpu.memory_space<vmem>> -> memref<64x128xf32, #tpu.memory_space<vmem>>
    %dma_start3A_76 = arith.constant 0 : i32
    %dma_start3A_77 = tpu.memref_slice %arg7[%add3A_67, %dma_start3A_76] : memref<10112x128xf32, #tpu.memory_space<vmem_shared>> -> memref<64x128xf32, #tpu.memory_space<vmem_shared>>
    %dma_start3A_78 = arith.constant 0 : i32
    %dma_start3A_79 = tpu.memref_slice %arg7[%add3A_67, %dma_start3A_78] : memref<10112x128xf32, #tpu.memory_space<vmem_shared>> -> memref<64x128xf32, #tpu.memory_space<vmem_shared>>
    %dma_start3A_80 = arith.constant 0 : i32
    %dma_start3A_81 = arith.constant 0 : i32
    %dma_start3A_82 = tpu.memref_slice %arg10[%dma_start3A_68, %dma_start3A_80, %dma_start3A_81] : memref<4x64x128xf32, #tpu.memory_space<vmem>> -> memref<1x64x128xf32, #tpu.memory_space<vmem>>
    %dma_start3A_83 = tpu.memref_squeeze %dma_start3A_82 : memref<1x64x128xf32, #tpu.memory_space<vmem>> -> memref<64x128xf32, #tpu.memory_space<vmem>>
    %dma_start3A_84 = arith.constant 0 : i32
    %dma_start3A_85 = arith.constant 0 : i32
    %dma_start3A_86 = tpu.memref_slice %dma_start3A_83[%dma_start3A_84, %dma_start3A_85] : memref<64x128xf32, #tpu.memory_space<vmem>> -> memref<64x128xf32, #tpu.memory_space<vmem>>
    tpu.enqueue_dma source(%dma_start3A_86 : memref<64x128xf32, #tpu.memory_space<vmem>>) target(%dma_start3A_79 : memref<64x128xf32, #tpu.memory_space<vmem_shared>>) target_semaphore(%arg17 : memref<!tpu.dma_semaphore, #tpu.memory_space<semaphore_mem>>)
    %add3A_87 = arith.constant 64 : i32
    %add3A_88 = arith.addi %mul3A_65, %add3A_87 : i32
    %dma_start3A_89 = arith.constant 3 : i32
    %dma_start3A_90 = arith.constant 0 : i32
    %dma_start3A_91 = arith.constant 0 : i32
    %dma_start3A_92 = tpu.memref_slice %arg10[%dma_start3A_89, %dma_start3A_90, %dma_start3A_91] : memref<4x64x128xf32, #tpu.memory_space<vmem>> -> memref<1x64x128xf32, #tpu.memory_space<vmem>>
    %dma_start3A_93 = tpu.memref_squeeze %dma_start3A_92 : memref<1x64x128xf32, #tpu.memory_space<vmem>> -> memref<64x128xf32, #tpu.memory_space<vmem>>
    %dma_start3A_94 = arith.constant 0 : i32
    %dma_start3A_95 = arith.constant 0 : i32
    %dma_start3A_96 = tpu.memref_slice %dma_start3A_93[%dma_start3A_94, %dma_start3A_95] : memref<64x128xf32, #tpu.memory_space<vmem>> -> memref<64x128xf32, #tpu.memory_space<vmem>>
    %dma_start3A_97 = arith.constant 0 : i32
    %dma_start3A_98 = tpu.memref_slice %arg7[%add3A_88, %dma_start3A_97] : memref<10112x128xf32, #tpu.memory_space<vmem_shared>> -> memref<64x128xf32, #tpu.memory_space<vmem_shared>>
    %dma_start3A_99 = arith.constant 0 : i32
    %dma_start3A_100 = tpu.memref_slice %arg7[%add3A_88, %dma_start3A_99] : memref<10112x128xf32, #tpu.memory_space<vmem_shared>> -> memref<64x128xf32, #tpu.memory_space<vmem_shared>>
    %dma_start3A_101 = arith.constant 0 : i32
    %dma_start3A_102 = arith.constant 0 : i32
    %dma_start3A_103 = tpu.memref_slice %arg10[%dma_start3A_89, %dma_start3A_101, %dma_start3A_102] : memref<4x64x128xf32, #tpu.memory_space<vmem>> -> memref<1x64x128xf32, #tpu.memory_space<vmem>>
    %dma_start3A_104 = tpu.memref_squeeze %dma_start3A_103 : memref<1x64x128xf32, #tpu.memory_space<vmem>> -> memref<64x128xf32, #tpu.memory_space<vmem>>
    %dma_start3A_105 = arith.constant 0 : i32
    %dma_start3A_106 = arith.constant 0 : i32
    %dma_start3A_107 = tpu.memref_slice %dma_start3A_104[%dma_start3A_105, %dma_start3A_106] : memref<64x128xf32, #tpu.memory_space<vmem>> -> memref<64x128xf32, #tpu.memory_space<vmem>>
    tpu.enqueue_dma source(%dma_start3A_107 : memref<64x128xf32, #tpu.memory_space<vmem>>) target(%dma_start3A_100 : memref<64x128xf32, #tpu.memory_space<vmem_shared>>) target_semaphore(%arg17 : memref<!tpu.dma_semaphore, #tpu.memory_space<semaphore_mem>>)
    %add3A_108 = arith.constant 128 : i32
    %add3A_109 = arith.addi %mul3A_65, %add3A_108 : i32
    %dma_start3A_110 = arith.constant 3 : i32
    %dma_start3A_111 = arith.constant 0 : i32
    %dma_start3A_112 = arith.constant 0 : i32
    %dma_start3A_113 = tpu.memref_slice %arg10[%dma_start3A_110, %dma_start3A_111, %dma_start3A_112] : memref<4x64x128xf32, #tpu.memory_space<vmem>> -> memref<1x64x128xf32, #tpu.memory_space<vmem>>
    %dma_start3A_114 = tpu.memref_squeeze %dma_start3A_113 : memref<1x64x128xf32, #tpu.memory_space<vmem>> -> memref<64x128xf32, #tpu.memory_space<vmem>>
    %dma_start3A_115 = arith.constant 0 : i32
    %dma_start3A_116 = arith.constant 0 : i32
    %dma_start3A_117 = tpu.memref_slice %dma_start3A_114[%dma_start3A_115, %dma_start3A_116] : memref<64x128xf32, #tpu.memory_space<vmem>> -> memref<64x128xf32, #tpu.memory_space<vmem>>
    %dma_start3A_118 = arith.constant 0 : i32
    %dma_start3A_119 = tpu.memref_slice %arg7[%add3A_109, %dma_start3A_118] : memref<10112x128xf32, #tpu.memory_space<vmem_shared>> -> memref<64x128xf32, #tpu.memory_space<vmem_shared>>
    %dma_start3A_120 = arith.constant 0 : i32
    %dma_start3A_121 = tpu.memref_slice %arg7[%add3A_109, %dma_start3A_120] : memref<10112x128xf32, #tpu.memory_space<vmem_shared>> -> memref<64x128xf32, #tpu.memory_space<vmem_shared>>
    %dma_start3A_122 = arith.constant 0 : i32
    %dma_start3A_123 = arith.constant 0 : i32
    %dma_start3A_124 = tpu.memref_slice %arg10[%dma_start3A_110, %dma_start3A_122, %dma_start3A_123] : memref<4x64x128xf32, #tpu.memory_space<vmem>> -> memref<1x64x128xf32, #tpu.memory_space<vmem>>
    %dma_start3A_125 = tpu.memref_squeeze %dma_start3A_124 : memref<1x64x128xf32, #tpu.memory_space<vmem>> -> memref<64x128xf32, #tpu.memory_space<vmem>>
    %dma_start3A_126 = arith.constant 0 : i32
    %dma_start3A_127 = arith.constant 0 : i32
    %dma_start3A_128 = tpu.memref_slice %dma_start3A_125[%dma_start3A_126, %dma_start3A_127] : memref<64x128xf32, #tpu.memory_space<vmem>> -> memref<64x128xf32, #tpu.memory_space<vmem>>
    tpu.enqueue_dma source(%dma_start3A_128 : memref<64x128xf32, #tpu.memory_space<vmem>>) target(%dma_start3A_121 : memref<64x128xf32, #tpu.memory_space<vmem_shared>>) target_semaphore(%arg17 : memref<!tpu.dma_semaphore, #tpu.memory_space<semaphore_mem>>)
    %add3A_129 = arith.constant 192 : i32
    %add3A_130 = arith.addi %mul3A_65, %add3A_129 : i32
    %dma_start3A_131 = arith.constant 3 : i32
    %dma_start3A_132 = arith.constant 0 : i32
    %dma_start3A_133 = arith.constant 0 : i32
    %dma_start3A_134 = tpu.memref_slice %arg10[%dma_start3A_131, %dma_start3A_132, %dma_start3A_133] : memref<4x64x128xf32, #tpu.memory_space<vmem>> -> memref<1x64x128xf32, #tpu.memory_space<vmem>>
    %dma_start3A_135 = tpu.memref_squeeze %dma_start3A_134 : memref<1x64x128xf32, #tpu.memory_space<vmem>> -> memref<64x128xf32, #tpu.memory_space<vmem>>
    %dma_start3A_136 = arith.constant 0 : i32
    %dma_start3A_137 = arith.constant 0 : i32
    %dma_start3A_138 = tpu.memref_slice %dma_start3A_135[%dma_start3A_136, %dma_start3A_137] : memref<64x128xf32, #tpu.memory_space<vmem>> -> memref<64x128xf32, #tpu.memory_space<vmem>>
    %dma_start3A_139 = arith.constant 0 : i32
    %dma_start3A_140 = tpu.memref_slice %arg7[%add3A_130, %dma_start3A_139] : memref<10112x128xf32, #tpu.memory_space<vmem_shared>> -> memref<64x128xf32, #tpu.memory_space<vmem_shared>>
    %dma_start3A_141 = arith.constant 0 : i32
    %dma_start3A_142 = tpu.memref_slice %arg7[%add3A_130, %dma_start3A_141] : memref<10112x128xf32, #tpu.memory_space<vmem_shared>> -> memref<64x128xf32, #tpu.memory_space<vmem_shared>>
    %dma_start3A_143 = arith.constant 0 : i32
    %dma_start3A_144 = arith.constant 0 : i32
    %dma_start3A_145 = tpu.memref_slice %arg10[%dma_start3A_131, %dma_start3A_143, %dma_start3A_144] : memref<4x64x128xf32, #tpu.memory_space<vmem>> -> memref<1x64x128xf32, #tpu.memory_space<vmem>>
    %dma_start3A_146 = tpu.memref_squeeze %dma_start3A_145 : memref<1x64x128xf32, #tpu.memory_space<vmem>> -> memref<64x128xf32, #tpu.memory_space<vmem>>
    %dma_start3A_147 = arith.constant 0 : i32
    %dma_start3A_148 = arith.constant 0 : i32
    %dma_start3A_149 = tpu.memref_slice %dma_start3A_146[%dma_start3A_147, %dma_start3A_148] : memref<64x128xf32, #tpu.memory_space<vmem>> -> memref<64x128xf32, #tpu.memory_space<vmem>>
    tpu.enqueue_dma source(%dma_start3A_149 : memref<64x128xf32, #tpu.memory_space<vmem>>) target(%dma_start3A_142 : memref<64x128xf32, #tpu.memory_space<vmem_shared>>) target_semaphore(%arg17 : memref<!tpu.dma_semaphore, #tpu.memory_space<semaphore_mem>>)
    %add3A_150 = arith.constant 256 : i32
    %add3A_151 = arith.addi %mul3A_65, %add3A_150 : i32
    %dma_start3A_152 = arith.constant 3 : i32
    %dma_start3A_153 = arith.constant 0 : i32
    %dma_start3A_154 = arith.constant 0 : i32
    %dma_start3A_155 = tpu.memref_slice %arg10[%dma_start3A_152, %dma_start3A_153, %dma_start3A_154] : memref<4x64x128xf32, #tpu.memory_space<vmem>> -> memref<1x64x128xf32, #tpu.memory_space<vmem>>
    %dma_start3A_156 = tpu.memref_squeeze %dma_start3A_155 : memref<1x64x128xf32, #tpu.memory_space<vmem>> -> memref<64x128xf32, #tpu.memory_space<vmem>>
    %dma_start3A_157 = arith.constant 0 : i32
    %dma_start3A_158 = arith.constant 0 : i32
    %dma_start3A_159 = tpu.memref_slice %dma_start3A_156[%dma_start3A_157, %dma_start3A_158] : memref<64x128xf32, #tpu.memory_space<vmem>> -> memref<64x128xf32, #tpu.memory_space<vmem>>
    %dma_start3A_160 = arith.constant 0 : i32
    %dma_start3A_161 = tpu.memref_slice %arg7[%add3A_151, %dma_start3A_160] : memref<10112x128xf32, #tpu.memory_space<vmem_shared>> -> memref<64x128xf32, #tpu.memory_space<vmem_shared>>
    %dma_start3A_162 = arith.constant 0 : i32
    %dma_start3A_163 = tpu.memref_slice %arg7[%add3A_151, %dma_start3A_162] : memref<10112x128xf32, #tpu.memory_space<vmem_shared>> -> memref<64x128xf32, #tpu.memory_space<vmem_shared>>
    %dma_start3A_164 = arith.constant 0 : i32
    %dma_start3A_165 = arith.constant 0 : i32
    %dma_start3A_166 = tpu.memref_slice %arg10[%dma_start3A_152, %dma_start3A_164, %dma_start3A_165] : memref<4x64x128xf32, #tpu.memory_space<vmem>> -> memref<1x64x128xf32, #tpu.memory_space<vmem>>
    %dma_start3A_167 = tpu.memref_squeeze %dma_start3A_166 : memref<1x64x128xf32, #tpu.memory_space<vmem>> -> memref<64x128xf32, #tpu.memory_space<vmem>>
    %dma_start3A_168 = arith.constant 0 : i32
    %dma_start3A_169 = arith.constant 0 : i32
    %dma_start3A_170 = tpu.memref_slice %dma_start3A_167[%dma_start3A_168, %dma_start3A_169] : memref<64x128xf32, #tpu.memory_space<vmem>> -> memref<64x128xf32, #tpu.memory_space<vmem>>
    tpu.enqueue_dma source(%dma_start3A_170 : memref<64x128xf32, #tpu.memory_space<vmem>>) target(%dma_start3A_163 : memref<64x128xf32, #tpu.memory_space<vmem_shared>>) target_semaphore(%arg17 : memref<!tpu.dma_semaphore, #tpu.memory_space<semaphore_mem>>)
    %add3A_171 = arith.constant 320 : i32
    %add3A_172 = arith.addi %mul3A_65, %add3A_171 : i32
    %dma_start3A_173 = arith.constant 3 : i32
    %dma_start3A_174 = arith.constant 0 : i32
    %dma_start3A_175 = arith.constant 0 : i32
    %dma_start3A_176 = tpu.memref_slice %arg10[%dma_start3A_173, %dma_start3A_174, %dma_start3A_175] : memref<4x64x128xf32, #tpu.memory_space<vmem>> -> memref<1x64x128xf32, #tpu.memory_space<vmem>>
    %dma_start3A_177 = tpu.memref_squeeze %dma_start3A_176 : memref<1x64x128xf32, #tpu.memory_space<vmem>> -> memref<64x128xf32, #tpu.memory_space<vmem>>
    %dma_start3A_178 = arith.constant 0 : i32
    %dma_start3A_179 = arith.constant 0 : i32
    %dma_start3A_180 = tpu.memref_slice %dma_start3A_177[%dma_start3A_178, %dma_start3A_179] : memref<64x128xf32, #tpu.memory_space<vmem>> -> memref<64x128xf32, #tpu.memory_space<vmem>>
    %dma_start3A_181 = arith.constant 0 : i32
    %dma_start3A_182 = tpu.memref_slice %arg7[%add3A_172, %dma_start3A_181] : memref<10112x128xf32, #tpu.memory_space<vmem_shared>> -> memref<64x128xf32, #tpu.memory_space<vmem_shared>>
    %dma_start3A_183 = arith.constant 0 : i32
    %dma_start3A_184 = tpu.memref_slice %arg7[%add3A_172, %dma_start3A_183] : memref<10112x128xf32, #tpu.memory_space<vmem_shared>> -> memref<64x128xf32, #tpu.memory_space<vmem_shared>>
    %dma_start3A_185 = arith.constant 0 : i32
    %dma_start3A_186 = arith.constant 0 : i32
    %dma_start3A_187 = tpu.memref_slice %arg10[%dma_start3A_173, %dma_start3A_185, %dma_start3A_186] : memref<4x64x128xf32, #tpu.memory_space<vmem>> -> memref<1x64x128xf32, #tpu.memory_space<vmem>>
    %dma_start3A_188 = tpu.memref_squeeze %dma_start3A_187 : memref<1x64x128xf32, #tpu.memory_space<vmem>> -> memref<64x128xf32, #tpu.memory_space<vmem>>
    %dma_start3A_189 = arith.constant 0 : i32
    %dma_start3A_190 = arith.constant 0 : i32
    %dma_start3A_191 = tpu.memref_slice %dma_start3A_188[%dma_start3A_189, %dma_start3A_190] : memref<64x128xf32, #tpu.memory_space<vmem>> -> memref<64x128xf32, #tpu.memory_space<vmem>>
    tpu.enqueue_dma source(%dma_start3A_191 : memref<64x128xf32, #tpu.memory_space<vmem>>) target(%dma_start3A_184 : memref<64x128xf32, #tpu.memory_space<vmem_shared>>) target_semaphore(%arg17 : memref<!tpu.dma_semaphore, #tpu.memory_space<semaphore_mem>>)
    %add3A_192 = arith.constant 384 : i32
    %add3A_193 = arith.addi %mul3A_65, %add3A_192 : i32
    %dma_start3A_194 = arith.constant 3 : i32
    %dma_start3A_195 = arith.constant 0 : i32
    %dma_start3A_196 = arith.constant 0 : i32
    %dma_start3A_197 = tpu.memref_slice %arg10[%dma_start3A_194, %dma_start3A_195, %dma_start3A_196] : memref<4x64x128xf32, #tpu.memory_space<vmem>> -> memref<1x64x128xf32, #tpu.memory_space<vmem>>
    %dma_start3A_198 = tpu.memref_squeeze %dma_start3A_197 : memref<1x64x128xf32, #tpu.memory_space<vmem>> -> memref<64x128xf32, #tpu.memory_space<vmem>>
    %dma_start3A_199 = arith.constant 0 : i32
    %dma_start3A_200 = arith.constant 0 : i32
    %dma_start3A_201 = tpu.memref_slice %dma_start3A_198[%dma_start3A_199, %dma_start3A_200] : memref<64x128xf32, #tpu.memory_space<vmem>> -> memref<64x128xf32, #tpu.memory_space<vmem>>
    %dma_start3A_202 = arith.constant 0 : i32
    %dma_start3A_203 = tpu.memref_slice %arg7[%add3A_193, %dma_start3A_202] : memref<10112x128xf32, #tpu.memory_space<vmem_shared>> -> memref<64x128xf32, #tpu.memory_space<vmem_shared>>
    %dma_start3A_204 = arith.constant 0 : i32
    %dma_start3A_205 = tpu.memref_slice %arg7[%add3A_193, %dma_start3A_204] : memref<10112x128xf32, #tpu.memory_space<vmem_shared>> -> memref<64x128xf32, #tpu.memory_space<vmem_shared>>
    %dma_start3A_206 = arith.constant 0 : i32
    %dma_start3A_207 = arith.constant 0 : i32
    %dma_start3A_208 = tpu.memref_slice %arg10[%dma_start3A_194, %dma_start3A_206, %dma_start3A_207] : memref<4x64x128xf32, #tpu.memory_space<vmem>> -> memref<1x64x128xf32, #tpu.memory_space<vmem>>
    %dma_start3A_209 = tpu.memref_squeeze %dma_start3A_208 : memref<1x64x128xf32, #tpu.memory_space<vmem>> -> memref<64x128xf32, #tpu.memory_space<vmem>>
    %dma_start3A_210 = arith.constant 0 : i32
    %dma_start3A_211 = arith.constant 0 : i32
    %dma_start3A_212 = tpu.memref_slice %dma_start3A_209[%dma_start3A_210, %dma_start3A_211] : memref<64x128xf32, #tpu.memory_space<vmem>> -> memref<64x128xf32, #tpu.memory_space<vmem>>
    tpu.enqueue_dma source(%dma_start3A_212 : memref<64x128xf32, #tpu.memory_space<vmem>>) target(%dma_start3A_205 : memref<64x128xf32, #tpu.memory_space<vmem_shared>>) target_semaphore(%arg17 : memref<!tpu.dma_semaphore, #tpu.memory_space<semaphore_mem>>)
    %add3A_213 = arith.constant 448 : i32
    %add3A_214 = arith.addi %mul3A_65, %add3A_213 : i32
    %dma_start3A_215 = arith.constant 3 : i32
    %dma_start3A_216 = arith.constant 0 : i32
    %dma_start3A_217 = arith.constant 0 : i32
    %dma_start3A_218 = tpu.memref_slice %arg10[%dma_start3A_215, %dma_start3A_216, %dma_start3A_217] : memref<4x64x128xf32, #tpu.memory_space<vmem>> -> memref<1x64x128xf32, #tpu.memory_space<vmem>>
    %dma_start3A_219 = tpu.memref_squeeze %dma_start3A_218 : memref<1x64x128xf32, #tpu.memory_space<vmem>> -> memref<64x128xf32, #tpu.memory_space<vmem>>
    %dma_start3A_220 = arith.constant 0 : i32
    %dma_start3A_221 = arith.constant 0 : i32
    %dma_start3A_222 = tpu.memref_slice %dma_start3A_219[%dma_start3A_220, %dma_start3A_221] : memref<64x128xf32, #tpu.memory_space<vmem>> -> memref<64x128xf32, #tpu.memory_space<vmem>>
    %dma_start3A_223 = arith.constant 0 : i32
    %dma_start3A_224 = tpu.memref_slice %arg7[%add3A_214, %dma_start3A_223] : memref<10112x128xf32, #tpu.memory_space<vmem_shared>> -> memref<64x128xf32, #tpu.memory_space<vmem_shared>>
    %dma_start3A_225 = arith.constant 0 : i32
    %dma_start3A_226 = tpu.memref_slice %arg7[%add3A_214, %dma_start3A_225] : memref<10112x128xf32, #tpu.memory_space<vmem_shared>> -> memref<64x128xf32, #tpu.memory_space<vmem_shared>>
    %dma_start3A_227 = arith.constant 0 : i32
    %dma_start3A_228 = arith.constant 0 : i32
    %dma_start3A_229 = tpu.memref_slice %arg10[%dma_start3A_215, %dma_start3A_227, %dma_start3A_228] : memref<4x64x128xf32, #tpu.memory_space<vmem>> -> memref<1x64x128xf32, #tpu.memory_space<vmem>>
    %dma_start3A_230 = tpu.memref_squeeze %dma_start3A_229 : memref<1x64x128xf32, #tpu.memory_space<vmem>> -> memref<64x128xf32, #tpu.memory_space<vmem>>
    %dma_start3A_231 = arith.constant 0 : i32
    %dma_start3A_232 = arith.constant 0 : i32
    %dma_start3A_233 = tpu.memref_slice %dma_start3A_230[%dma_start3A_231, %dma_start3A_232] : memref<64x128xf32, #tpu.memory_space<vmem>> -> memref<64x128xf32, #tpu.memory_space<vmem>>
    tpu.enqueue_dma source(%dma_start3A_233 : memref<64x128xf32, #tpu.memory_space<vmem>>) target(%dma_start3A_226 : memref<64x128xf32, #tpu.memory_space<vmem_shared>>) target_semaphore(%arg17 : memref<!tpu.dma_semaphore, #tpu.memory_space<semaphore_mem>>)
    %add3A_234 = arith.constant 512 : i32
    %add3A_235 = arith.addi %mul3A_65, %add3A_234 : i32
    %dma_start3A_236 = arith.constant 3 : i32
    %dma_start3A_237 = arith.constant 0 : i32
    %dma_start3A_238 = arith.constant 0 : i32
    %dma_start3A_239 = tpu.memref_slice %arg10[%dma_start3A_236, %dma_start3A_237, %dma_start3A_238] : memref<4x64x128xf32, #tpu.memory_space<vmem>> -> memref<1x64x128xf32, #tpu.memory_space<vmem>>
    %dma_start3A_240 = tpu.memref_squeeze %dma_start3A_239 : memref<1x64x128xf32, #tpu.memory_space<vmem>> -> memref<64x128xf32, #tpu.memory_space<vmem>>
    %dma_start3A_241 = arith.constant 0 : i32
    %dma_start3A_242 = arith.constant 0 : i32
    %dma_start3A_243 = tpu.memref_slice %dma_start3A_240[%dma_start3A_241, %dma_start3A_242] : memref<64x128xf32, #tpu.memory_space<vmem>> -> memref<64x128xf32, #tpu.memory_space<vmem>>
    %dma_start3A_244 = arith.constant 0 : i32
    %dma_start3A_245 = tpu.memref_slice %arg7[%add3A_235, %dma_start3A_244] : memref<10112x128xf32, #tpu.memory_space<vmem_shared>> -> memref<64x128xf32, #tpu.memory_space<vmem_shared>>
    %dma_start3A_246 = arith.constant 0 : i32
    %dma_start3A_247 = tpu.memref_slice %arg7[%add3A_235, %dma_start3A_246] : memref<10112x128xf32, #tpu.memory_space<vmem_shared>> -> memref<64x128xf32, #tpu.memory_space<vmem_shared>>
    %dma_start3A_248 = arith.constant 0 : i32
    %dma_start3A_249 = arith.constant 0 : i32
    %dma_start3A_250 = tpu.memref_slice %arg10[%dma_start3A_236, %dma_start3A_248, %dma_start3A_249] : memref<4x64x128xf32, #tpu.memory_space<vmem>> -> memref<1x64x128xf32, #tpu.memory_space<vmem>>
    %dma_start3A_251 = tpu.memref_squeeze %dma_start3A_250 : memref<1x64x128xf32, #tpu.memory_space<vmem>> -> memref<64x128xf32, #tpu.memory_space<vmem>>
    %dma_start3A_252 = arith.constant 0 : i32
    %dma_start3A_253 = arith.constant 0 : i32
    %dma_start3A_254 = tpu.memref_slice %dma_start3A_251[%dma_start3A_252, %dma_start3A_253] : memref<64x128xf32, #tpu.memory_space<vmem>> -> memref<64x128xf32, #tpu.memory_space<vmem>>
    tpu.enqueue_dma source(%dma_start3A_254 : memref<64x128xf32, #tpu.memory_space<vmem>>) target(%dma_start3A_247 : memref<64x128xf32, #tpu.memory_space<vmem_shared>>) target_semaphore(%arg17 : memref<!tpu.dma_semaphore, #tpu.memory_space<semaphore_mem>>)
    %add3A_255 = arith.constant 576 : i32
    %add3A_256 = arith.addi %mul3A_65, %add3A_255 : i32
    %dma_start3A_257 = arith.constant 3 : i32
    %dma_start3A_258 = arith.constant 0 : i32
    %dma_start3A_259 = arith.constant 0 : i32
    %dma_start3A_260 = tpu.memref_slice %arg10[%dma_start3A_257, %dma_start3A_258, %dma_start3A_259] : memref<4x64x128xf32, #tpu.memory_space<vmem>> -> memref<1x64x128xf32, #tpu.memory_space<vmem>>
    %dma_start3A_261 = tpu.memref_squeeze %dma_start3A_260 : memref<1x64x128xf32, #tpu.memory_space<vmem>> -> memref<64x128xf32, #tpu.memory_space<vmem>>
    %dma_start3A_262 = arith.constant 0 : i32
    %dma_start3A_263 = arith.constant 0 : i32
    %dma_start3A_264 = tpu.memref_slice %dma_start3A_261[%dma_start3A_262, %dma_start3A_263] : memref<64x128xf32, #tpu.memory_space<vmem>> -> memref<56x128xf32, #tpu.memory_space<vmem>>
    %dma_start3A_265 = arith.constant 0 : i32
    %dma_start3A_266 = tpu.memref_slice %arg7[%add3A_256, %dma_start3A_265] : memref<10112x128xf32, #tpu.memory_space<vmem_shared>> -> memref<56x128xf32, #tpu.memory_space<vmem_shared>>
    %dma_start3A_267 = arith.constant 0 : i32
    %dma_start3A_268 = tpu.memref_slice %arg7[%add3A_256, %dma_start3A_267] : memref<10112x128xf32, #tpu.memory_space<vmem_shared>> -> memref<56x128xf32, #tpu.memory_space<vmem_shared>>
    %dma_start3A_269 = arith.constant 0 : i32
    %dma_start3A_270 = arith.constant 0 : i32
    %dma_start3A_271 = tpu.memref_slice %arg10[%dma_start3A_257, %dma_start3A_269, %dma_start3A_270] : memref<4x64x128xf32, #tpu.memory_space<vmem>> -> memref<1x64x128xf32, #tpu.memory_space<vmem>>
    %dma_start3A_272 = tpu.memref_squeeze %dma_start3A_271 : memref<1x64x128xf32, #tpu.memory_space<vmem>> -> memref<64x128xf32, #tpu.memory_space<vmem>>
    %dma_start3A_273 = arith.constant 0 : i32
    %dma_start3A_274 = arith.constant 0 : i32
    %dma_start3A_275 = tpu.memref_slice %dma_start3A_272[%dma_start3A_273, %dma_start3A_274] : memref<64x128xf32, #tpu.memory_space<vmem>> -> memref<56x128xf32, #tpu.memory_space<vmem>>
    tpu.enqueue_dma source(%dma_start3A_275 : memref<56x128xf32, #tpu.memory_space<vmem>>) target(%dma_start3A_268 : memref<56x128xf32, #tpu.memory_space<vmem_shared>>) target_semaphore(%arg17 : memref<!tpu.dma_semaphore, #tpu.memory_space<semaphore_mem>>)
    %add3A_276 = arith.constant 0 : i32
    %add3A_277 = arith.addi %mul3A_65, %add3A_276 : i32
    %dma_wait3A = arith.constant 3 : i32
    %dma_wait3A_278 = arith.constant 0 : i32
    %dma_wait3A_279 = arith.constant 0 : i32
    %dma_wait3A_280 = tpu.memref_slice %arg10[%dma_wait3A, %dma_wait3A_278, %dma_wait3A_279] : memref<4x64x128xf32, #tpu.memory_space<vmem>> -> memref<1x64x128xf32, #tpu.memory_space<vmem>>
    %dma_wait3A_281 = tpu.memref_squeeze %dma_wait3A_280 : memref<1x64x128xf32, #tpu.memory_space<vmem>> -> memref<64x128xf32, #tpu.memory_space<vmem>>
    %dma_wait3A_282 = arith.constant 0 : i32
    %dma_wait3A_283 = arith.constant 0 : i32
    %dma_wait3A_284 = tpu.memref_slice %dma_wait3A_281[%dma_wait3A_282, %dma_wait3A_283] : memref<64x128xf32, #tpu.memory_space<vmem>> -> memref<64x128xf32, #tpu.memory_space<vmem>>
    %dma_wait3A_285 = arith.constant 0 : i32
    %dma_wait3A_286 = tpu.memref_slice %arg7[%add3A_277, %dma_wait3A_285] : memref<10112x128xf32, #tpu.memory_space<vmem_shared>> -> memref<64x128xf32, #tpu.memory_space<vmem_shared>>
    %dma_wait3A_287 = arith.constant 0 : i32
    %dma_wait3A_288 = tpu.memref_slice %arg7[%add3A_277, %dma_wait3A_287] : memref<10112x128xf32, #tpu.memory_space<vmem_shared>> -> memref<64x128xf32, #tpu.memory_space<vmem_shared>>
    %dma_wait3A_289 = arith.constant 0 : i32
    %dma_wait3A_290 = arith.constant 0 : i32
    %dma_wait3A_291 = tpu.memref_slice %arg10[%dma_wait3A, %dma_wait3A_289, %dma_wait3A_290] : memref<4x64x128xf32, #tpu.memory_space<vmem>> -> memref<1x64x128xf32, #tpu.memory_space<vmem>>
    %dma_wait3A_292 = tpu.memref_squeeze %dma_wait3A_291 : memref<1x64x128xf32, #tpu.memory_space<vmem>> -> memref<64x128xf32, #tpu.memory_space<vmem>>
    %dma_wait3A_293 = arith.constant 0 : i32
    %dma_wait3A_294 = arith.constant 0 : i32
    %dma_wait3A_295 = tpu.memref_slice %dma_wait3A_292[%dma_wait3A_293, %dma_wait3A_294] : memref<64x128xf32, #tpu.memory_space<vmem>> -> memref<64x128xf32, #tpu.memory_space<vmem>>
    tpu.wait_dma2 semaphore(%arg17 : memref<!tpu.dma_semaphore, #tpu.memory_space<semaphore_mem>>) src(%dma_wait3A_295 : memref<64x128xf32, #tpu.memory_space<vmem>>) dst(%dma_wait3A_288 : memref<64x128xf32, #tpu.memory_space<vmem_shared>>)
    %add3A_296 = arith.constant 64 : i32
    %add3A_297 = arith.addi %mul3A_65, %add3A_296 : i32
    %dma_wait3A_298 = arith.constant 3 : i32
    %dma_wait3A_299 = arith.constant 0 : i32
    %dma_wait3A_300 = arith.constant 0 : i32
    %dma_wait3A_301 = tpu.memref_slice %arg10[%dma_wait3A_298, %dma_wait3A_299, %dma_wait3A_300] : memref<4x64x128xf32, #tpu.memory_space<vmem>> -> memref<1x64x128xf32, #tpu.memory_space<vmem>>
    %dma_wait3A_302 = tpu.memref_squeeze %dma_wait3A_301 : memref<1x64x128xf32, #tpu.memory_space<vmem>> -> memref<64x128xf32, #tpu.memory_space<vmem>>
    %dma_wait3A_303 = arith.constant 0 : i32
    %dma_wait3A_304 = arith.constant 0 : i32
    %dma_wait3A_305 = tpu.memref_slice %dma_wait3A_302[%dma_wait3A_303, %dma_wait3A_304] : memref<64x128xf32, #tpu.memory_space<vmem>> -> memref<64x128xf32, #tpu.memory_space<vmem>>
    %dma_wait3A_306 = arith.constant 0 : i32
    %dma_wait3A_307 = tpu.memref_slice %arg7[%add3A_297, %dma_wait3A_306] : memref<10112x128xf32, #tpu.memory_space<vmem_shared>> -> memref<64x128xf32, #tpu.memory_space<vmem_shared>>
    %dma_wait3A_308 = arith.constant 0 : i32
    %dma_wait3A_309 = tpu.memref_slice %arg7[%add3A_297, %dma_wait3A_308] : memref<10112x128xf32, #tpu.memory_space<vmem_shared>> -> memref<64x128xf32, #tpu.memory_space<vmem_shared>>
    %dma_wait3A_310 = arith.constant 0 : i32
    %dma_wait3A_311 = arith.constant 0 : i32
    %dma_wait3A_312 = tpu.memref_slice %arg10[%dma_wait3A_298, %dma_wait3A_310, %dma_wait3A_311] : memref<4x64x128xf32, #tpu.memory_space<vmem>> -> memref<1x64x128xf32, #tpu.memory_space<vmem>>
    %dma_wait3A_313 = tpu.memref_squeeze %dma_wait3A_312 : memref<1x64x128xf32, #tpu.memory_space<vmem>> -> memref<64x128xf32, #tpu.memory_space<vmem>>
    %dma_wait3A_314 = arith.constant 0 : i32
    %dma_wait3A_315 = arith.constant 0 : i32
    %dma_wait3A_316 = tpu.memref_slice %dma_wait3A_313[%dma_wait3A_314, %dma_wait3A_315] : memref<64x128xf32, #tpu.memory_space<vmem>> -> memref<64x128xf32, #tpu.memory_space<vmem>>
    tpu.wait_dma2 semaphore(%arg17 : memref<!tpu.dma_semaphore, #tpu.memory_space<semaphore_mem>>) src(%dma_wait3A_316 : memref<64x128xf32, #tpu.memory_space<vmem>>) dst(%dma_wait3A_309 : memref<64x128xf32, #tpu.memory_space<vmem_shared>>)
    %add3A_317 = arith.constant 128 : i32
    %add3A_318 = arith.addi %mul3A_65, %add3A_317 : i32
    %dma_wait3A_319 = arith.constant 3 : i32
    %dma_wait3A_320 = arith.constant 0 : i32
    %dma_wait3A_321 = arith.constant 0 : i32
    %dma_wait3A_322 = tpu.memref_slice %arg10[%dma_wait3A_319, %dma_wait3A_320, %dma_wait3A_321] : memref<4x64x128xf32, #tpu.memory_space<vmem>> -> memref<1x64x128xf32, #tpu.memory_space<vmem>>
    %dma_wait3A_323 = tpu.memref_squeeze %dma_wait3A_322 : memref<1x64x128xf32, #tpu.memory_space<vmem>> -> memref<64x128xf32, #tpu.memory_space<vmem>>
    %dma_wait3A_324 = arith.constant 0 : i32
    %dma_wait3A_325 = arith.constant 0 : i32
    %dma_wait3A_326 = tpu.memref_slice %dma_wait3A_323[%dma_wait3A_324, %dma_wait3A_325] : memref<64x128xf32, #tpu.memory_space<vmem>> -> memref<64x128xf32, #tpu.memory_space<vmem>>
    %dma_wait3A_327 = arith.constant 0 : i32
    %dma_wait3A_328 = tpu.memref_slice %arg7[%add3A_318, %dma_wait3A_327] : memref<10112x128xf32, #tpu.memory_space<vmem_shared>> -> memref<64x128xf32, #tpu.memory_space<vmem_shared>>
    %dma_wait3A_329 = arith.constant 0 : i32
    %dma_wait3A_330 = tpu.memref_slice %arg7[%add3A_318, %dma_wait3A_329] : memref<10112x128xf32, #tpu.memory_space<vmem_shared>> -> memref<64x128xf32, #tpu.memory_space<vmem_shared>>
    %dma_wait3A_331 = arith.constant 0 : i32
    %dma_wait3A_332 = arith.constant 0 : i32
    %dma_wait3A_333 = tpu.memref_slice %arg10[%dma_wait3A_319, %dma_wait3A_331, %dma_wait3A_332] : memref<4x64x128xf32, #tpu.memory_space<vmem>> -> memref<1x64x128xf32, #tpu.memory_space<vmem>>
    %dma_wait3A_334 = tpu.memref_squeeze %dma_wait3A_333 : memref<1x64x128xf32, #tpu.memory_space<vmem>> -> memref<64x128xf32, #tpu.memory_space<vmem>>
    %dma_wait3A_335 = arith.constant 0 : i32
    %dma_wait3A_336 = arith.constant 0 : i32
    %dma_wait3A_337 = tpu.memref_slice %dma_wait3A_334[%dma_wait3A_335, %dma_wait3A_336] : memref<64x128xf32, #tpu.memory_space<vmem>> -> memref<64x128xf32, #tpu.memory_space<vmem>>
    tpu.wait_dma2 semaphore(%arg17 : memref<!tpu.dma_semaphore, #tpu.memory_space<semaphore_mem>>) src(%dma_wait3A_337 : memref<64x128xf32, #tpu.memory_space<vmem>>) dst(%dma_wait3A_330 : memref<64x128xf32, #tpu.memory_space<vmem_shared>>)
    %add3A_338 = arith.constant 192 : i32
    %add3A_339 = arith.addi %mul3A_65, %add3A_338 : i32
    %dma_wait3A_340 = arith.constant 3 : i32
    %dma_wait3A_341 = arith.constant 0 : i32
    %dma_wait3A_342 = arith.constant 0 : i32
    %dma_wait3A_343 = tpu.memref_slice %arg10[%dma_wait3A_340, %dma_wait3A_341, %dma_wait3A_342] : memref<4x64x128xf32, #tpu.memory_space<vmem>> -> memref<1x64x128xf32, #tpu.memory_space<vmem>>
    %dma_wait3A_344 = tpu.memref_squeeze %dma_wait3A_343 : memref<1x64x128xf32, #tpu.memory_space<vmem>> -> memref<64x128xf32, #tpu.memory_space<vmem>>
    %dma_wait3A_345 = arith.constant 0 : i32
    %dma_wait3A_346 = arith.constant 0 : i32
    %dma_wait3A_347 = tpu.memref_slice %dma_wait3A_344[%dma_wait3A_345, %dma_wait3A_346] : memref<64x128xf32, #tpu.memory_space<vmem>> -> memref<64x128xf32, #tpu.memory_space<vmem>>
    %dma_wait3A_348 = arith.constant 0 : i32
    %dma_wait3A_349 = tpu.memref_slice %arg7[%add3A_339, %dma_wait3A_348] : memref<10112x128xf32, #tpu.memory_space<vmem_shared>> -> memref<64x128xf32, #tpu.memory_space<vmem_shared>>
    %dma_wait3A_350 = arith.constant 0 : i32
    %dma_wait3A_351 = tpu.memref_slice %arg7[%add3A_339, %dma_wait3A_350] : memref<10112x128xf32, #tpu.memory_space<vmem_shared>> -> memref<64x128xf32, #tpu.memory_space<vmem_shared>>
    %dma_wait3A_352 = arith.constant 0 : i32
    %dma_wait3A_353 = arith.constant 0 : i32
    %dma_wait3A_354 = tpu.memref_slice %arg10[%dma_wait3A_340, %dma_wait3A_352, %dma_wait3A_353] : memref<4x64x128xf32, #tpu.memory_space<vmem>> -> memref<1x64x128xf32, #tpu.memory_space<vmem>>
    %dma_wait3A_355 = tpu.memref_squeeze %dma_wait3A_354 : memref<1x64x128xf32, #tpu.memory_space<vmem>> -> memref<64x128xf32, #tpu.memory_space<vmem>>
    %dma_wait3A_356 = arith.constant 0 : i32
    %dma_wait3A_357 = arith.constant 0 : i32
    %dma_wait3A_358 = tpu.memref_slice %dma_wait3A_355[%dma_wait3A_356, %dma_wait3A_357] : memref<64x128xf32, #tpu.memory_space<vmem>> -> memref<64x128xf32, #tpu.memory_space<vmem>>
    tpu.wait_dma2 semaphore(%arg17 : memref<!tpu.dma_semaphore, #tpu.memory_space<semaphore_mem>>) src(%dma_wait3A_358 : memref<64x128xf32, #tpu.memory_space<vmem>>) dst(%dma_wait3A_351 : memref<64x128xf32, #tpu.memory_space<vmem_shared>>)
    %add3A_359 = arith.constant 256 : i32
    %add3A_360 = arith.addi %mul3A_65, %add3A_359 : i32
    %dma_wait3A_361 = arith.constant 3 : i32
    %dma_wait3A_362 = arith.constant 0 : i32
    %dma_wait3A_363 = arith.constant 0 : i32
    %dma_wait3A_364 = tpu.memref_slice %arg10[%dma_wait3A_361, %dma_wait3A_362, %dma_wait3A_363] : memref<4x64x128xf32, #tpu.memory_space<vmem>> -> memref<1x64x128xf32, #tpu.memory_space<vmem>>
    %dma_wait3A_365 = tpu.memref_squeeze %dma_wait3A_364 : memref<1x64x128xf32, #tpu.memory_space<vmem>> -> memref<64x128xf32, #tpu.memory_space<vmem>>
    %dma_wait3A_366 = arith.constant 0 : i32
    %dma_wait3A_367 = arith.constant 0 : i32
    %dma_wait3A_368 = tpu.memref_slice %dma_wait3A_365[%dma_wait3A_366, %dma_wait3A_367] : memref<64x128xf32, #tpu.memory_space<vmem>> -> memref<64x128xf32, #tpu.memory_space<vmem>>
    %dma_wait3A_369 = arith.constant 0 : i32
    %dma_wait3A_370 = tpu.memref_slice %arg7[%add3A_360, %dma_wait3A_369] : memref<10112x128xf32, #tpu.memory_space<vmem_shared>> -> memref<64x128xf32, #tpu.memory_space<vmem_shared>>
    %dma_wait3A_371 = arith.constant 0 : i32
    %dma_wait3A_372 = tpu.memref_slice %arg7[%add3A_360, %dma_wait3A_371] : memref<10112x128xf32, #tpu.memory_space<vmem_shared>> -> memref<64x128xf32, #tpu.memory_space<vmem_shared>>
    %dma_wait3A_373 = arith.constant 0 : i32
    %dma_wait3A_374 = arith.constant 0 : i32
    %dma_wait3A_375 = tpu.memref_slice %arg10[%dma_wait3A_361, %dma_wait3A_373, %dma_wait3A_374] : memref<4x64x128xf32, #tpu.memory_space<vmem>> -> memref<1x64x128xf32, #tpu.memory_space<vmem>>
    %dma_wait3A_376 = tpu.memref_squeeze %dma_wait3A_375 : memref<1x64x128xf32, #tpu.memory_space<vmem>> -> memref<64x128xf32, #tpu.memory_space<vmem>>
    %dma_wait3A_377 = arith.constant 0 : i32
    %dma_wait3A_378 = arith.constant 0 : i32
    %dma_wait3A_379 = tpu.memref_slice %dma_wait3A_376[%dma_wait3A_377, %dma_wait3A_378] : memref<64x128xf32, #tpu.memory_space<vmem>> -> memref<64x128xf32, #tpu.memory_space<vmem>>
    tpu.wait_dma2 semaphore(%arg17 : memref<!tpu.dma_semaphore, #tpu.memory_space<semaphore_mem>>) src(%dma_wait3A_379 : memref<64x128xf32, #tpu.memory_space<vmem>>) dst(%dma_wait3A_372 : memref<64x128xf32, #tpu.memory_space<vmem_shared>>)
    %add3A_380 = arith.constant 320 : i32
    %add3A_381 = arith.addi %mul3A_65, %add3A_380 : i32
    %dma_wait3A_382 = arith.constant 3 : i32
    %dma_wait3A_383 = arith.constant 0 : i32
    %dma_wait3A_384 = arith.constant 0 : i32
    %dma_wait3A_385 = tpu.memref_slice %arg10[%dma_wait3A_382, %dma_wait3A_383, %dma_wait3A_384] : memref<4x64x128xf32, #tpu.memory_space<vmem>> -> memref<1x64x128xf32, #tpu.memory_space<vmem>>
    %dma_wait3A_386 = tpu.memref_squeeze %dma_wait3A_385 : memref<1x64x128xf32, #tpu.memory_space<vmem>> -> memref<64x128xf32, #tpu.memory_space<vmem>>
    %dma_wait3A_387 = arith.constant 0 : i32
    %dma_wait3A_388 = arith.constant 0 : i32
    %dma_wait3A_389 = tpu.memref_slice %dma_wait3A_386[%dma_wait3A_387, %dma_wait3A_388] : memref<64x128xf32, #tpu.memory_space<vmem>> -> memref<64x128xf32, #tpu.memory_space<vmem>>
    %dma_wait3A_390 = arith.constant 0 : i32
    %dma_wait3A_391 = tpu.memref_slice %arg7[%add3A_381, %dma_wait3A_390] : memref<10112x128xf32, #tpu.memory_space<vmem_shared>> -> memref<64x128xf32, #tpu.memory_space<vmem_shared>>
    %dma_wait3A_392 = arith.constant 0 : i32
    %dma_wait3A_393 = tpu.memref_slice %arg7[%add3A_381, %dma_wait3A_392] : memref<10112x128xf32, #tpu.memory_space<vmem_shared>> -> memref<64x128xf32, #tpu.memory_space<vmem_shared>>
    %dma_wait3A_394 = arith.constant 0 : i32
    %dma_wait3A_395 = arith.constant 0 : i32
    %dma_wait3A_396 = tpu.memref_slice %arg10[%dma_wait3A_382, %dma_wait3A_394, %dma_wait3A_395] : memref<4x64x128xf32, #tpu.memory_space<vmem>> -> memref<1x64x128xf32, #tpu.memory_space<vmem>>
    %dma_wait3A_397 = tpu.memref_squeeze %dma_wait3A_396 : memref<1x64x128xf32, #tpu.memory_space<vmem>> -> memref<64x128xf32, #tpu.memory_space<vmem>>
    %dma_wait3A_398 = arith.constant 0 : i32
    %dma_wait3A_399 = arith.constant 0 : i32
    %dma_wait3A_400 = tpu.memref_slice %dma_wait3A_397[%dma_wait3A_398, %dma_wait3A_399] : memref<64x128xf32, #tpu.memory_space<vmem>> -> memref<64x128xf32, #tpu.memory_space<vmem>>
    tpu.wait_dma2 semaphore(%arg17 : memref<!tpu.dma_semaphore, #tpu.memory_space<semaphore_mem>>) src(%dma_wait3A_400 : memref<64x128xf32, #tpu.memory_space<vmem>>) dst(%dma_wait3A_393 : memref<64x128xf32, #tpu.memory_space<vmem_shared>>)
    %add3A_401 = arith.constant 384 : i32
    %add3A_402 = arith.addi %mul3A_65, %add3A_401 : i32
    %dma_wait3A_403 = arith.constant 3 : i32
    %dma_wait3A_404 = arith.constant 0 : i32
    %dma_wait3A_405 = arith.constant 0 : i32
    %dma_wait3A_406 = tpu.memref_slice %arg10[%dma_wait3A_403, %dma_wait3A_404, %dma_wait3A_405] : memref<4x64x128xf32, #tpu.memory_space<vmem>> -> memref<1x64x128xf32, #tpu.memory_space<vmem>>
    %dma_wait3A_407 = tpu.memref_squeeze %dma_wait3A_406 : memref<1x64x128xf32, #tpu.memory_space<vmem>> -> memref<64x128xf32, #tpu.memory_space<vmem>>
    %dma_wait3A_408 = arith.constant 0 : i32
    %dma_wait3A_409 = arith.constant 0 : i32
    %dma_wait3A_410 = tpu.memref_slice %dma_wait3A_407[%dma_wait3A_408, %dma_wait3A_409] : memref<64x128xf32, #tpu.memory_space<vmem>> -> memref<64x128xf32, #tpu.memory_space<vmem>>
    %dma_wait3A_411 = arith.constant 0 : i32
    %dma_wait3A_412 = tpu.memref_slice %arg7[%add3A_402, %dma_wait3A_411] : memref<10112x128xf32, #tpu.memory_space<vmem_shared>> -> memref<64x128xf32, #tpu.memory_space<vmem_shared>>
    %dma_wait3A_413 = arith.constant 0 : i32
    %dma_wait3A_414 = tpu.memref_slice %arg7[%add3A_402, %dma_wait3A_413] : memref<10112x128xf32, #tpu.memory_space<vmem_shared>> -> memref<64x128xf32, #tpu.memory_space<vmem_shared>>
    %dma_wait3A_415 = arith.constant 0 : i32
    %dma_wait3A_416 = arith.constant 0 : i32
    %dma_wait3A_417 = tpu.memref_slice %arg10[%dma_wait3A_403, %dma_wait3A_415, %dma_wait3A_416] : memref<4x64x128xf32, #tpu.memory_space<vmem>> -> memref<1x64x128xf32, #tpu.memory_space<vmem>>
    %dma_wait3A_418 = tpu.memref_squeeze %dma_wait3A_417 : memref<1x64x128xf32, #tpu.memory_space<vmem>> -> memref<64x128xf32, #tpu.memory_space<vmem>>
    %dma_wait3A_419 = arith.constant 0 : i32
    %dma_wait3A_420 = arith.constant 0 : i32
    %dma_wait3A_421 = tpu.memref_slice %dma_wait3A_418[%dma_wait3A_419, %dma_wait3A_420] : memref<64x128xf32, #tpu.memory_space<vmem>> -> memref<64x128xf32, #tpu.memory_space<vmem>>
    tpu.wait_dma2 semaphore(%arg17 : memref<!tpu.dma_semaphore, #tpu.memory_space<semaphore_mem>>) src(%dma_wait3A_421 : memref<64x128xf32, #tpu.memory_space<vmem>>) dst(%dma_wait3A_414 : memref<64x128xf32, #tpu.memory_space<vmem_shared>>)
    %add3A_422 = arith.constant 448 : i32
    %add3A_423 = arith.addi %mul3A_65, %add3A_422 : i32
    %dma_wait3A_424 = arith.constant 3 : i32
    %dma_wait3A_425 = arith.constant 0 : i32
    %dma_wait3A_426 = arith.constant 0 : i32
    %dma_wait3A_427 = tpu.memref_slice %arg10[%dma_wait3A_424, %dma_wait3A_425, %dma_wait3A_426] : memref<4x64x128xf32, #tpu.memory_space<vmem>> -> memref<1x64x128xf32, #tpu.memory_space<vmem>>
    %dma_wait3A_428 = tpu.memref_squeeze %dma_wait3A_427 : memref<1x64x128xf32, #tpu.memory_space<vmem>> -> memref<64x128xf32, #tpu.memory_space<vmem>>
    %dma_wait3A_429 = arith.constant 0 : i32
    %dma_wait3A_430 = arith.constant 0 : i32
    %dma_wait3A_431 = tpu.memref_slice %dma_wait3A_428[%dma_wait3A_429, %dma_wait3A_430] : memref<64x128xf32, #tpu.memory_space<vmem>> -> memref<64x128xf32, #tpu.memory_space<vmem>>
    %dma_wait3A_432 = arith.constant 0 : i32
    %dma_wait3A_433 = tpu.memref_slice %arg7[%add3A_423, %dma_wait3A_432] : memref<10112x128xf32, #tpu.memory_space<vmem_shared>> -> memref<64x128xf32, #tpu.memory_space<vmem_shared>>
    %dma_wait3A_434 = arith.constant 0 : i32
    %dma_wait3A_435 = tpu.memref_slice %arg7[%add3A_423, %dma_wait3A_434] : memref<10112x128xf32, #tpu.memory_space<vmem_shared>> -> memref<64x128xf32, #tpu.memory_space<vmem_shared>>
    %dma_wait3A_436 = arith.constant 0 : i32
    %dma_wait3A_437 = arith.constant 0 : i32
    %dma_wait3A_438 = tpu.memref_slice %arg10[%dma_wait3A_424, %dma_wait3A_436, %dma_wait3A_437] : memref<4x64x128xf32, #tpu.memory_space<vmem>> -> memref<1x64x128xf32, #tpu.memory_space<vmem>>
    %dma_wait3A_439 = tpu.memref_squeeze %dma_wait3A_438 : memref<1x64x128xf32, #tpu.memory_space<vmem>> -> memref<64x128xf32, #tpu.memory_space<vmem>>
    %dma_wait3A_440 = arith.constant 0 : i32
    %dma_wait3A_441 = arith.constant 0 : i32
    %dma_wait3A_442 = tpu.memref_slice %dma_wait3A_439[%dma_wait3A_440, %dma_wait3A_441] : memref<64x128xf32, #tpu.memory_space<vmem>> -> memref<64x128xf32, #tpu.memory_space<vmem>>
    tpu.wait_dma2 semaphore(%arg17 : memref<!tpu.dma_semaphore, #tpu.memory_space<semaphore_mem>>) src(%dma_wait3A_442 : memref<64x128xf32, #tpu.memory_space<vmem>>) dst(%dma_wait3A_435 : memref<64x128xf32, #tpu.memory_space<vmem_shared>>)
    %add3A_443 = arith.constant 512 : i32
    %add3A_444 = arith.addi %mul3A_65, %add3A_443 : i32
    %dma_wait3A_445 = arith.constant 3 : i32
    %dma_wait3A_446 = arith.constant 0 : i32
    %dma_wait3A_447 = arith.constant 0 : i32
    %dma_wait3A_448 = tpu.memref_slice %arg10[%dma_wait3A_445, %dma_wait3A_446, %dma_wait3A_447] : memref<4x64x128xf32, #tpu.memory_space<vmem>> -> memref<1x64x128xf32, #tpu.memory_space<vmem>>
    %dma_wait3A_449 = tpu.memref_squeeze %dma_wait3A_448 : memref<1x64x128xf32, #tpu.memory_space<vmem>> -> memref<64x128xf32, #tpu.memory_space<vmem>>
    %dma_wait3A_450 = arith.constant 0 : i32
    %dma_wait3A_451 = arith.constant 0 : i32
    %dma_wait3A_452 = tpu.memref_slice %dma_wait3A_449[%dma_wait3A_450, %dma_wait3A_451] : memref<64x128xf32, #tpu.memory_space<vmem>> -> memref<64x128xf32, #tpu.memory_space<vmem>>
    %dma_wait3A_453 = arith.constant 0 : i32
    %dma_wait3A_454 = tpu.memref_slice %arg7[%add3A_444, %dma_wait3A_453] : memref<10112x128xf32, #tpu.memory_space<vmem_shared>> -> memref<64x128xf32, #tpu.memory_space<vmem_shared>>
    %dma_wait3A_455 = arith.constant 0 : i32
    %dma_wait3A_456 = tpu.memref_slice %arg7[%add3A_444, %dma_wait3A_455] : memref<10112x128xf32, #tpu.memory_space<vmem_shared>> -> memref<64x128xf32, #tpu.memory_space<vmem_shared>>
    %dma_wait3A_457 = arith.constant 0 : i32
    %dma_wait3A_458 = arith.constant 0 : i32
    %dma_wait3A_459 = tpu.memref_slice %arg10[%dma_wait3A_445, %dma_wait3A_457, %dma_wait3A_458] : memref<4x64x128xf32, #tpu.memory_space<vmem>> -> memref<1x64x128xf32, #tpu.memory_space<vmem>>
    %dma_wait3A_460 = tpu.memref_squeeze %dma_wait3A_459 : memref<1x64x128xf32, #tpu.memory_space<vmem>> -> memref<64x128xf32, #tpu.memory_space<vmem>>
    %dma_wait3A_461 = arith.constant 0 : i32
    %dma_wait3A_462 = arith.constant 0 : i32
    %dma_wait3A_463 = tpu.memref_slice %dma_wait3A_460[%dma_wait3A_461, %dma_wait3A_462] : memref<64x128xf32, #tpu.memory_space<vmem>> -> memref<64x128xf32, #tpu.memory_space<vmem>>
    tpu.wait_dma2 semaphore(%arg17 : memref<!tpu.dma_semaphore, #tpu.memory_space<semaphore_mem>>) src(%dma_wait3A_463 : memref<64x128xf32, #tpu.memory_space<vmem>>) dst(%dma_wait3A_456 : memref<64x128xf32, #tpu.memory_space<vmem_shared>>)
    %add3A_464 = arith.constant 576 : i32
    %add3A_465 = arith.addi %mul3A_65, %add3A_464 : i32
    %dma_wait3A_466 = arith.constant 3 : i32
    %dma_wait3A_467 = arith.constant 0 : i32
    %dma_wait3A_468 = arith.constant 0 : i32
    %dma_wait3A_469 = tpu.memref_slice %arg10[%dma_wait3A_466, %dma_wait3A_467, %dma_wait3A_468] : memref<4x64x128xf32, #tpu.memory_space<vmem>> -> memref<1x64x128xf32, #tpu.memory_space<vmem>>
    %dma_wait3A_470 = tpu.memref_squeeze %dma_wait3A_469 : memref<1x64x128xf32, #tpu.memory_space<vmem>> -> memref<64x128xf32, #tpu.memory_space<vmem>>
    %dma_wait3A_471 = arith.constant 0 : i32
    %dma_wait3A_472 = arith.constant 0 : i32
    %dma_wait3A_473 = tpu.memref_slice %dma_wait3A_470[%dma_wait3A_471, %dma_wait3A_472] : memref<64x128xf32, #tpu.memory_space<vmem>> -> memref<56x128xf32, #tpu.memory_space<vmem>>
    %dma_wait3A_474 = arith.constant 0 : i32
    %dma_wait3A_475 = tpu.memref_slice %arg7[%add3A_465, %dma_wait3A_474] : memref<10112x128xf32, #tpu.memory_space<vmem_shared>> -> memref<56x128xf32, #tpu.memory_space<vmem_shared>>
    %dma_wait3A_476 = arith.constant 0 : i32
    %dma_wait3A_477 = tpu.memref_slice %arg7[%add3A_465, %dma_wait3A_476] : memref<10112x128xf32, #tpu.memory_space<vmem_shared>> -> memref<56x128xf32, #tpu.memory_space<vmem_shared>>
    %dma_wait3A_478 = arith.constant 0 : i32
    %dma_wait3A_479 = arith.constant 0 : i32
    %dma_wait3A_480 = tpu.memref_slice %arg10[%dma_wait3A_466, %dma_wait3A_478, %dma_wait3A_479] : memref<4x64x128xf32, #tpu.memory_space<vmem>> -> memref<1x64x128xf32, #tpu.memory_space<vmem>>
    %dma_wait3A_481 = tpu.memref_squeeze %dma_wait3A_480 : memref<1x64x128xf32, #tpu.memory_space<vmem>> -> memref<64x128xf32, #tpu.memory_space<vmem>>
    %dma_wait3A_482 = arith.constant 0 : i32
    %dma_wait3A_483 = arith.constant 0 : i32
    %dma_wait3A_484 = tpu.memref_slice %dma_wait3A_481[%dma_wait3A_482, %dma_wait3A_483] : memref<64x128xf32, #tpu.memory_space<vmem>> -> memref<56x128xf32, #tpu.memory_space<vmem>>
    tpu.wait_dma2 semaphore(%arg17 : memref<!tpu.dma_semaphore, #tpu.memory_space<semaphore_mem>>) src(%dma_wait3A_484 : memref<56x128xf32, #tpu.memory_space<vmem>>) dst(%dma_wait3A_477 : memref<56x128xf32, #tpu.memory_space<vmem_shared>>)
    %barrier3A = arith.constant 0 : index
    tpu.barrier barrier_id(%barrier3A)
    %scan3A_485 = arith.constant 0 : i32
    %scan3A_486 = arith.constant 20 : i32
    %scan3A_487 = arith.addi %scan3A_485, %scan3A_486 : i32
    %scan3A_488 = arith.constant 1 : i32
    scf.for %scan3A_536 = %scan3A_485 to %scan3A_487 step %scan3A_488  : i32 {
      %mul3A_537 = arith.constant 1 : i32
      %mul3A_538 = arith.muli %scan3A_536, %mul3A_537 : i32
      %add3A_539 = arith.constant 0 : i32
      %add3A_540 = arith.addi %add3A_539, %mul3A_538 : i32
      %rem3A = arith.constant 2 : i32
      %rem3A_541 = arith.remsi %add3A_540, %rem3A : i32
      %sub3A = arith.constant 1 : i32
      %sub3A_542 = arith.subi %sub3A, %rem3A_541 : i32
      %lt3A = arith.constant 19 : i32
      %lt3A_543 = arith.cmpi slt, %add3A_540, %lt3A : i32
      %convert_element_type3A = arith.extui %lt3A_543 : i1 to i32
      %cond3A = arith.constant 0 : i32
      %cond3A_544 = arith.cmpi ne, %convert_element_type3A, %cond3A : i32
      scf.if %cond3A_544 {
        %add3A_1178 = arith.constant 1 : i32
        %add3A_1179 = arith.addi %add3A_540, %add3A_1178 : i32
        %mul3A_1180 = arith.constant 8 : i32
        %mul3A_1181 = arith.muli %add3A_1179, %mul3A_1180 : i32
        %dma_start3A_1182 = arith.constant 0 : i32
        %dma_start3A_1183 = arith.constant 0 : i32
        %dma_start3A_1184 = tpu.memref_slice %arg8[%sub3A_542, %dma_start3A_1182, %dma_start3A_1183] : memref<2x8x64xi32, #tpu.memory_space<vmem>> -> memref<1x8x64xi32, #tpu.memory_space<vmem>>
        %dma_start3A_1185 = tpu.memref_squeeze %dma_start3A_1184 : memref<1x8x64xi32, #tpu.memory_space<vmem>> -> memref<8x64xi32, #tpu.memory_space<vmem>>
        %dma_start3A_1186 = arith.constant 0 : i32
        %dma_start3A_1187 = arith.constant 0 : i32
        %dma_start3A_1188 = tpu.memref_slice %arg3[%add3A, %dma_start3A_1186, %dma_start3A_1187] : memref<32x160x64xi32, #tpu.memory_space<hbm>> -> memref<1x160x64xi32, #tpu.memory_space<hbm>>
        %dma_start3A_1189 = tpu.memref_squeeze %dma_start3A_1188 : memref<1x160x64xi32, #tpu.memory_space<hbm>> -> memref<160x64xi32, #tpu.memory_space<hbm>>
        %dma_start3A_1190 = arith.constant 0 : i32
        %dma_start3A_1191 = tpu.memref_slice %dma_start3A_1189[%mul3A_1181, %dma_start3A_1190] : memref<160x64xi32, #tpu.memory_space<hbm>> -> memref<8x64xi32, #tpu.memory_space<hbm>>
        %dma_start3A_1192 = arith.constant 0 : i32
        %dma_start3A_1193 = arith.constant 0 : i32
        %dma_start3A_1194 = tpu.memref_slice %arg8[%sub3A_542, %dma_start3A_1192, %dma_start3A_1193] : memref<2x8x64xi32, #tpu.memory_space<vmem>> -> memref<1x8x64xi32, #tpu.memory_space<vmem>>
        %dma_start3A_1195 = tpu.memref_squeeze %dma_start3A_1194 : memref<1x8x64xi32, #tpu.memory_space<vmem>> -> memref<8x64xi32, #tpu.memory_space<vmem>>
        %dma_start3A_1196 = arith.constant 0 : i32
        %dma_start3A_1197 = arith.constant 0 : i32
        %dma_start3A_1198 = tpu.memref_slice %arg3[%add3A, %dma_start3A_1196, %dma_start3A_1197] : memref<32x160x64xi32, #tpu.memory_space<hbm>> -> memref<1x160x64xi32, #tpu.memory_space<hbm>>
        %dma_start3A_1199 = tpu.memref_squeeze %dma_start3A_1198 : memref<1x160x64xi32, #tpu.memory_space<hbm>> -> memref<160x64xi32, #tpu.memory_space<hbm>>
        %dma_start3A_1200 = arith.constant 0 : i32
        %dma_start3A_1201 = tpu.memref_slice %dma_start3A_1199[%mul3A_1181, %dma_start3A_1200] : memref<160x64xi32, #tpu.memory_space<hbm>> -> memref<8x64xi32, #tpu.memory_space<hbm>>
        tpu.enqueue_dma source(%dma_start3A_1201 : memref<8x64xi32, #tpu.memory_space<hbm>>) target(%dma_start3A_1195 : memref<8x64xi32, #tpu.memory_space<vmem>>) target_semaphore(%arg16 : memref<!tpu.dma_semaphore, #tpu.memory_space<semaphore_mem>>)
        %dma_start3A_1202 = arith.constant 0 : i32
        %dma_start3A_1203 = arith.constant 0 : i32
        %dma_start3A_1204 = tpu.memref_slice %arg9[%sub3A_542, %dma_start3A_1202, %dma_start3A_1203] : memref<2x8x64xi32, #tpu.memory_space<vmem>> -> memref<1x8x64xi32, #tpu.memory_space<vmem>>
        %dma_start3A_1205 = tpu.memref_squeeze %dma_start3A_1204 : memref<1x8x64xi32, #tpu.memory_space<vmem>> -> memref<8x64xi32, #tpu.memory_space<vmem>>
        %dma_start3A_1206 = arith.constant 0 : i32
        %dma_start3A_1207 = arith.constant 0 : i32
        %dma_start3A_1208 = tpu.memref_slice %arg4[%add3A, %dma_start3A_1206, %dma_start3A_1207] : memref<32x160x64xi32, #tpu.memory_space<hbm>> -> memref<1x160x64xi32, #tpu.memory_space<hbm>>
        %dma_start3A_1209 = tpu.memref_squeeze %dma_start3A_1208 : memref<1x160x64xi32, #tpu.memory_space<hbm>> -> memref<160x64xi32, #tpu.memory_space<hbm>>
        %dma_start3A_1210 = arith.constant 0 : i32
        %dma_start3A_1211 = tpu.memref_slice %dma_start3A_1209[%mul3A_1181, %dma_start3A_1210] : memref<160x64xi32, #tpu.memory_space<hbm>> -> memref<8x64xi32, #tpu.memory_space<hbm>>
        %dma_start3A_1212 = arith.constant 0 : i32
        %dma_start3A_1213 = arith.constant 0 : i32
        %dma_start3A_1214 = tpu.memref_slice %arg9[%sub3A_542, %dma_start3A_1212, %dma_start3A_1213] : memref<2x8x64xi32, #tpu.memory_space<vmem>> -> memref<1x8x64xi32, #tpu.memory_space<vmem>>
        %dma_start3A_1215 = tpu.memref_squeeze %dma_start3A_1214 : memref<1x8x64xi32, #tpu.memory_space<vmem>> -> memref<8x64xi32, #tpu.memory_space<vmem>>
        %dma_start3A_1216 = arith.constant 0 : i32
        %dma_start3A_1217 = arith.constant 0 : i32
        %dma_start3A_1218 = tpu.memref_slice %arg4[%add3A, %dma_start3A_1216, %dma_start3A_1217] : memref<32x160x64xi32, #tpu.memory_space<hbm>> -> memref<1x160x64xi32, #tpu.memory_space<hbm>>
        %dma_start3A_1219 = tpu.memref_squeeze %dma_start3A_1218 : memref<1x160x64xi32, #tpu.memory_space<hbm>> -> memref<160x64xi32, #tpu.memory_space<hbm>>
        %dma_start3A_1220 = arith.constant 0 : i32
        %dma_start3A_1221 = tpu.memref_slice %dma_start3A_1219[%mul3A_1181, %dma_start3A_1220] : memref<160x64xi32, #tpu.memory_space<hbm>> -> memref<8x64xi32, #tpu.memory_space<hbm>>
        tpu.enqueue_dma source(%dma_start3A_1221 : memref<8x64xi32, #tpu.memory_space<hbm>>) target(%dma_start3A_1215 : memref<8x64xi32, #tpu.memory_space<vmem>>) target_semaphore(%arg16 : memref<!tpu.dma_semaphore, #tpu.memory_space<semaphore_mem>>)
      } else {
      }
      %dma_wait3A_545 = arith.constant 0 : i32
      %dma_wait3A_546 = arith.constant 0 : i32
      %dma_wait3A_547 = arith.constant 0 : i32
      %dma_wait3A_548 = arith.constant 0 : i32
      %dma_wait3A_549 = tpu.memref_slice %arg10[%dma_wait3A_546, %dma_wait3A_547, %dma_wait3A_548] : memref<4x64x128xf32, #tpu.memory_space<vmem>> -> memref<1x64x128xf32, #tpu.memory_space<vmem>>
      %dma_wait3A_550 = tpu.memref_squeeze %dma_wait3A_549 : memref<1x64x128xf32, #tpu.memory_space<vmem>> -> memref<64x128xf32, #tpu.memory_space<vmem>>
      %dma_wait3A_551 = arith.constant 0 : i32
      %dma_wait3A_552 = arith.constant 0 : i32
      %dma_wait3A_553 = tpu.memref_slice %arg8[%rem3A_541, %dma_wait3A_551, %dma_wait3A_552] : memref<2x8x64xi32, #tpu.memory_space<vmem>> -> memref<1x8x64xi32, #tpu.memory_space<vmem>>
      %dma_wait3A_554 = tpu.memref_squeeze %dma_wait3A_553 : memref<1x8x64xi32, #tpu.memory_space<vmem>> -> memref<8x64xi32, #tpu.memory_space<vmem>>
      %dma_wait3A_555 = arith.constant 0 : i32
      %dma_wait3A_556 = tpu.memref_slice %dma_wait3A_554[%dma_wait3A_545, %dma_wait3A_555] : memref<8x64xi32, #tpu.memory_space<vmem>> -> memref<1x64xi32, #tpu.memory_space<vmem>>
      %dma_wait3A_557 = tpu.memref_squeeze %dma_wait3A_556 : memref<1x64xi32, #tpu.memory_space<vmem>> -> memref<64xi32, #tpu.memory_space<vmem>>
      %dma_wait3A_558 = arith.constant 0 : i32
      %dma_wait3A_559 = arith.constant 0 : i32
      %dma_wait3A_560 = tpu.memref_slice %arg2[%dma_wait3A_558, %dma_wait3A_559] : memref<10000x128xf32, #tpu.memory_space<hbm>> -> memref<10000x128xf32, #tpu.memory_space<hbm>>
      tpu.wait_indirect_dma semaphore(%arg12 : memref<!tpu.dma_semaphore, #tpu.memory_space<semaphore_mem>>) src(%dma_wait3A_560 : memref<10000x128xf32, #tpu.memory_space<hbm>>) dst(%dma_wait3A_550 : memref<64x128xf32, #tpu.memory_space<vmem>>)
      %gt3A = arith.constant 0 : i32
      %gt3A_561 = arith.cmpi sgt, %add3A_540, %gt3A : i32
      %convert_element_type3A_562 = arith.extui %gt3A_561 : i1 to i32
      %cond3A_563 = arith.constant 0 : i32
      %cond3A_564 = arith.cmpi ne, %convert_element_type3A_562, %cond3A_563 : i32
      scf.if %cond3A_564 {
        %dma_wait3A_1178 = arith.constant 0 : i32
        %dma_wait3A_1179 = arith.constant 0 : i32
        %dma_wait3A_1180 = arith.constant 0 : i32
        %dma_wait3A_1181 = arith.constant 0 : i32
        %dma_wait3A_1182 = arith.constant 0 : i32
        %dma_wait3A_1183 = tpu.memref_slice %arg10[%dma_wait3A_1178, %dma_wait3A_1181, %dma_wait3A_1182] : memref<4x64x128xf32, #tpu.memory_space<vmem>> -> memref<1x64x128xf32, #tpu.memory_space<vmem>>
        %dma_wait3A_1184 = tpu.memref_squeeze %dma_wait3A_1183 : memref<1x64x128xf32, #tpu.memory_space<vmem>> -> memref<64x128xf32, #tpu.memory_space<vmem>>
        %dma_wait3A_1185 = arith.constant 0 : i32
        %dma_wait3A_1186 = arith.constant 0 : i32
        %dma_wait3A_1187 = tpu.memref_slice %arg9[%dma_wait3A_1179, %dma_wait3A_1185, %dma_wait3A_1186] : memref<2x8x64xi32, #tpu.memory_space<vmem>> -> memref<1x8x64xi32, #tpu.memory_space<vmem>>
        %dma_wait3A_1188 = tpu.memref_squeeze %dma_wait3A_1187 : memref<1x8x64xi32, #tpu.memory_space<vmem>> -> memref<8x64xi32, #tpu.memory_space<vmem>>
        %dma_wait3A_1189 = arith.constant 0 : i32
        %dma_wait3A_1190 = tpu.memref_slice %dma_wait3A_1188[%dma_wait3A_1180, %dma_wait3A_1189] : memref<8x64xi32, #tpu.memory_space<vmem>> -> memref<1x64xi32, #tpu.memory_space<vmem>>
        %dma_wait3A_1191 = tpu.memref_squeeze %dma_wait3A_1190 : memref<1x64xi32, #tpu.memory_space<vmem>> -> memref<64xi32, #tpu.memory_space<vmem>>
        %dma_wait3A_1192 = arith.constant 0 : i32
        %dma_wait3A_1193 = arith.constant 0 : i32
        %dma_wait3A_1194 = tpu.memref_slice %arg7[%dma_wait3A_1192, %dma_wait3A_1193] : memref<10112x128xf32, #tpu.memory_space<vmem_shared>> -> memref<10112x128xf32, #tpu.memory_space<vmem_shared>>
        tpu.wait_indirect_dma semaphore(%arg17 : memref<!tpu.dma_semaphore, #tpu.memory_space<semaphore_mem>>) src(%dma_wait3A_1184 : memref<64x128xf32, #tpu.memory_space<vmem>>) dst(%dma_wait3A_1194 : memref<10112x128xf32, #tpu.memory_space<vmem_shared>>)
      } else {
      }
      %dma_start3A_565 = arith.constant 3 : i32
      %dma_start3A_566 = arith.constant 3 : i32
      %dma_start3A_567 = arith.constant 0 : i32
      %dma_start3A_568 = arith.constant 0 : i32
      %dma_start3A_569 = tpu.memref_slice %arg10[%dma_start3A_566, %dma_start3A_567, %dma_start3A_568] : memref<4x64x128xf32, #tpu.memory_space<vmem>> -> memref<1x64x128xf32, #tpu.memory_space<vmem>>
      %dma_start3A_570 = tpu.memref_squeeze %dma_start3A_569 : memref<1x64x128xf32, #tpu.memory_space<vmem>> -> memref<64x128xf32, #tpu.memory_space<vmem>>
      %dma_start3A_571 = arith.constant 0 : i32
      %dma_start3A_572 = arith.constant 0 : i32
      %dma_start3A_573 = tpu.memref_slice %arg8[%rem3A_541, %dma_start3A_571, %dma_start3A_572] : memref<2x8x64xi32, #tpu.memory_space<vmem>> -> memref<1x8x64xi32, #tpu.memory_space<vmem>>
      %dma_start3A_574 = tpu.memref_squeeze %dma_start3A_573 : memref<1x8x64xi32, #tpu.memory_space<vmem>> -> memref<8x64xi32, #tpu.memory_space<vmem>>
      %dma_start3A_575 = arith.constant 0 : i32
      %dma_start3A_576 = tpu.memref_slice %dma_start3A_574[%dma_start3A_565, %dma_start3A_575] : memref<8x64xi32, #tpu.memory_space<vmem>> -> memref<1x64xi32, #tpu.memory_space<vmem>>
      %dma_start3A_577 = tpu.memref_squeeze %dma_start3A_576 : memref<1x64xi32, #tpu.memory_space<vmem>> -> memref<64xi32, #tpu.memory_space<vmem>>
      %dma_start3A_578 = arith.constant 0 : i32
      %dma_start3A_579 = arith.constant 0 : i32
      %dma_start3A_580 = tpu.memref_slice %arg2[%dma_start3A_578, %dma_start3A_579] : memref<10000x128xf32, #tpu.memory_space<hbm>> -> memref<10000x128xf32, #tpu.memory_space<hbm>>
      tpu.enqueue_indirect_dma source(%dma_start3A_580 : memref<10000x128xf32, #tpu.memory_space<hbm>>) target(%dma_start3A_570 : memref<64x128xf32, #tpu.memory_space<vmem>>) offsets(%dma_start3A_577 : memref<64xi32, #tpu.memory_space<vmem>>) semaphore(%arg15 : memref<!tpu.dma_semaphore, #tpu.memory_space<semaphore_mem>>)
      %dma_start3A_581 = arith.constant 0 : i32
      %dma_start3A_582 = arith.constant 0 : i32
      %dma_start3A_583 = arith.constant 0 : i32
      %dma_start3A_584 = arith.constant 0 : i32
      %dma_start3A_585 = tpu.memref_slice %arg10[%dma_start3A_581, %dma_start3A_583, %dma_start3A_584] : memref<4x64x128xf32, #tpu.memory_space<vmem>> -> memref<1x64x128xf32, #tpu.memory_space<vmem>>
      %dma_start3A_586 = tpu.memref_squeeze %dma_start3A_585 : memref<1x64x128xf32, #tpu.memory_space<vmem>> -> memref<64x128xf32, #tpu.memory_space<vmem>>
      %dma_start3A_587 = arith.constant 0 : i32
      %dma_start3A_588 = arith.constant 0 : i32
      %dma_start3A_589 = tpu.memref_slice %arg9[%rem3A_541, %dma_start3A_587, %dma_start3A_588] : memref<2x8x64xi32, #tpu.memory_space<vmem>> -> memref<1x8x64xi32, #tpu.memory_space<vmem>>
      %dma_start3A_590 = tpu.memref_squeeze %dma_start3A_589 : memref<1x8x64xi32, #tpu.memory_space<vmem>> -> memref<8x64xi32, #tpu.memory_space<vmem>>
      %dma_start3A_591 = arith.constant 0 : i32
      %dma_start3A_592 = tpu.memref_slice %dma_start3A_590[%dma_start3A_582, %dma_start3A_591] : memref<8x64xi32, #tpu.memory_space<vmem>> -> memref<1x64xi32, #tpu.memory_space<vmem>>
      %dma_start3A_593 = tpu.memref_squeeze %dma_start3A_592 : memref<1x64xi32, #tpu.memory_space<vmem>> -> memref<64xi32, #tpu.memory_space<vmem>>
      %dma_start3A_594 = arith.constant 0 : i32
      %dma_start3A_595 = arith.constant 0 : i32
      %dma_start3A_596 = tpu.memref_slice %arg7[%dma_start3A_594, %dma_start3A_595] : memref<10112x128xf32, #tpu.memory_space<vmem_shared>> -> memref<10112x128xf32, #tpu.memory_space<vmem_shared>>
      tpu.enqueue_indirect_dma source(%dma_start3A_586 : memref<64x128xf32, #tpu.memory_space<vmem>>) target(%dma_start3A_596 : memref<10112x128xf32, #tpu.memory_space<vmem_shared>>) offsets(%dma_start3A_593 : memref<64xi32, #tpu.memory_space<vmem>>) semaphore(%arg17 : memref<!tpu.dma_semaphore, #tpu.memory_space<semaphore_mem>>) {add = true}
      %get3A = arith.constant 0 : i32
      %get3A_597 = arith.index_cast %rem3A_541 : i32 to index
      %get3A_598 = arith.index_cast %get3A : i32 to index
      %get3A_599 = arith.constant 0 : index
      %get3A_600 = tpu.vector_load %arg9[%get3A_597, %get3A_598, %get3A_599] {strides = array<i32>} : memref<2x8x64xi32, #tpu.memory_space<vmem>>, vector<16xi32>,
      tpu.vector_store_idx %arg11[%get3A_600], %broadcast_in_dim3A_3 {add = true} : memref<10112xf32, #tpu.memory_space<vmem>>[vector<16xi32>], vector<16xf32>,
      %get3A_601 = arith.constant 0 : i32
      %get3A_602 = arith.index_cast %rem3A_541 : i32 to index
      %get3A_603 = arith.index_cast %get3A_601 : i32 to index
      %get3A_604 = arith.constant 16 : index
      %get3A_605 = tpu.vector_load %arg9[%get3A_602, %get3A_603, %get3A_604] {strides = array<i32>} : memref<2x8x64xi32, #tpu.memory_space<vmem>>, vector<16xi32>,
      tpu.vector_store_idx %arg11[%get3A_605], %broadcast_in_dim3A_3 {add = true} : memref<10112xf32, #tpu.memory_space<vmem>>[vector<16xi32>], vector<16xf32>,
      %get3A_606 = arith.constant 0 : i32
      %get3A_607 = arith.index_cast %rem3A_541 : i32 to index
      %get3A_608 = arith.index_cast %get3A_606 : i32 to index
      %get3A_609 = arith.constant 32 : index
      %get3A_610 = tpu.vector_load %arg9[%get3A_607, %get3A_608, %get3A_609] {strides = array<i32>} : memref<2x8x64xi32, #tpu.memory_space<vmem>>, vector<16xi32>,
      tpu.vector_store_idx %arg11[%get3A_610], %broadcast_in_dim3A_3 {add = true} : memref<10112xf32, #tpu.memory_space<vmem>>[vector<16xi32>], vector<16xf32>,
      %get3A_611 = arith.constant 0 : i32
      %get3A_612 = arith.index_cast %rem3A_541 : i32 to index
      %get3A_613 = arith.index_cast %get3A_611 : i32 to index
      %get3A_614 = arith.constant 48 : index
      %get3A_615 = tpu.vector_load %arg9[%get3A_612, %get3A_613, %get3A_614] {strides = array<i32>} : memref<2x8x64xi32, #tpu.memory_space<vmem>>, vector<16xi32>,
      tpu.vector_store_idx %arg11[%get3A_615], %broadcast_in_dim3A_3 {add = true} : memref<10112xf32, #tpu.memory_space<vmem>>[vector<16xi32>], vector<16xf32>,
      %dma_wait3A_616 = arith.constant 1 : i32
      %dma_wait3A_617 = arith.constant 1 : i32
      %dma_wait3A_618 = arith.constant 0 : i32
      %dma_wait3A_619 = arith.constant 0 : i32
      %dma_wait3A_620 = tpu.memref_slice %arg10[%dma_wait3A_617, %dma_wait3A_618, %dma_wait3A_619] : memref<4x64x128xf32, #tpu.memory_space<vmem>> -> memref<1x64x128xf32, #tpu.memory_space<vmem>>
      %dma_wait3A_621 = tpu.memref_squeeze %dma_wait3A_620 : memref<1x64x128xf32, #tpu.memory_space<vmem>> -> memref<64x128xf32, #tpu.memory_space<vmem>>
      %dma_wait3A_622 = arith.constant 0 : i32
      %dma_wait3A_623 = arith.constant 0 : i32
      %dma_wait3A_624 = tpu.memref_slice %arg8[%rem3A_541, %dma_wait3A_622, %dma_wait3A_623] : memref<2x8x64xi32, #tpu.memory_space<vmem>> -> memref<1x8x64xi32, #tpu.memory_space<vmem>>
      %dma_wait3A_625 = tpu.memref_squeeze %dma_wait3A_624 : memref<1x8x64xi32, #tpu.memory_space<vmem>> -> memref<8x64xi32, #tpu.memory_space<vmem>>
      %dma_wait3A_626 = arith.constant 0 : i32
      %dma_wait3A_627 = tpu.memref_slice %dma_wait3A_625[%dma_wait3A_616, %dma_wait3A_626] : memref<8x64xi32, #tpu.memory_space<vmem>> -> memref<1x64xi32, #tpu.memory_space<vmem>>
      %dma_wait3A_628 = tpu.memref_squeeze %dma_wait3A_627 : memref<1x64xi32, #tpu.memory_space<vmem>> -> memref<64xi32, #tpu.memory_space<vmem>>
      %dma_wait3A_629 = arith.constant 0 : i32
      %dma_wait3A_630 = arith.constant 0 : i32
      %dma_wait3A_631 = tpu.memref_slice %arg2[%dma_wait3A_629, %dma_wait3A_630] : memref<10000x128xf32, #tpu.memory_space<hbm>> -> memref<10000x128xf32, #tpu.memory_space<hbm>>
      tpu.wait_indirect_dma semaphore(%arg13 : memref<!tpu.dma_semaphore, #tpu.memory_space<semaphore_mem>>) src(%dma_wait3A_631 : memref<10000x128xf32, #tpu.memory_space<hbm>>) dst(%dma_wait3A_621 : memref<64x128xf32, #tpu.memory_space<vmem>>)
      %dma_wait3A_632 = arith.constant 0 : i32
      %dma_wait3A_633 = arith.constant 0 : i32
      %dma_wait3A_634 = arith.constant 0 : i32
      %dma_wait3A_635 = arith.constant 0 : i32
      %dma_wait3A_636 = arith.constant 0 : i32
      %dma_wait3A_637 = tpu.memref_slice %arg10[%dma_wait3A_632, %dma_wait3A_635, %dma_wait3A_636] : memref<4x64x128xf32, #tpu.memory_space<vmem>> -> memref<1x64x128xf32, #tpu.memory_space<vmem>>
      %dma_wait3A_638 = tpu.memref_squeeze %dma_wait3A_637 : memref<1x64x128xf32, #tpu.memory_space<vmem>> -> memref<64x128xf32, #tpu.memory_space<vmem>>
      %dma_wait3A_639 = arith.constant 0 : i32
      %dma_wait3A_640 = arith.constant 0 : i32
      %dma_wait3A_641 = tpu.memref_slice %arg9[%dma_wait3A_633, %dma_wait3A_639, %dma_wait3A_640] : memref<2x8x64xi32, #tpu.memory_space<vmem>> -> memref<1x8x64xi32, #tpu.memory_space<vmem>>
      %dma_wait3A_642 = tpu.memref_squeeze %dma_wait3A_641 : memref<1x8x64xi32, #tpu.memory_space<vmem>> -> memref<8x64xi32, #tpu.memory_space<vmem>>
      %dma_wait3A_643 = arith.constant 0 : i32
      %dma_wait3A_644 = tpu.memref_slice %dma_wait3A_642[%dma_wait3A_634, %dma_wait3A_643] : memref<8x64xi32, #tpu.memory_space<vmem>> -> memref<1x64xi32, #tpu.memory_space<vmem>>
      %dma_wait3A_645 = tpu.memref_squeeze %dma_wait3A_644 : memref<1x64xi32, #tpu.memory_space<vmem>> -> memref<64xi32, #tpu.memory_space<vmem>>
      %dma_wait3A_646 = arith.constant 0 : i32
      %dma_wait3A_647 = arith.constant 0 : i32
      %dma_wait3A_648 = tpu.memref_slice %arg7[%dma_wait3A_646, %dma_wait3A_647] : memref<10112x128xf32, #tpu.memory_space<vmem_shared>> -> memref<10112x128xf32, #tpu.memory_space<vmem_shared>>
      tpu.wait_indirect_dma semaphore(%arg17 : memref<!tpu.dma_semaphore, #tpu.memory_space<semaphore_mem>>) src(%dma_wait3A_638 : memref<64x128xf32, #tpu.memory_space<vmem>>) dst(%dma_wait3A_648 : memref<10112x128xf32, #tpu.memory_space<vmem_shared>>)
      %dma_start3A_649 = arith.constant 4 : i32
      %dma_start3A_650 = arith.constant 0 : i32
      %dma_start3A_651 = arith.constant 0 : i32
      %dma_start3A_652 = arith.constant 0 : i32
      %dma_start3A_653 = tpu.memref_slice %arg10[%dma_start3A_650, %dma_start3A_651, %dma_start3A_652] : memref<4x64x128xf32, #tpu.memory_space<vmem>> -> memref<1x64x128xf32, #tpu.memory_space<vmem>>
      %dma_start3A_654 = tpu.memref_squeeze %dma_start3A_653 : memref<1x64x128xf32, #tpu.memory_space<vmem>> -> memref<64x128xf32, #tpu.memory_space<vmem>>
      %dma_start3A_655 = arith.constant 0 : i32
      %dma_start3A_656 = arith.constant 0 : i32
      %dma_start3A_657 = tpu.memref_slice %arg8[%rem3A_541, %dma_start3A_655, %dma_start3A_656] : memref<2x8x64xi32, #tpu.memory_space<vmem>> -> memref<1x8x64xi32, #tpu.memory_space<vmem>>
      %dma_start3A_658 = tpu.memref_squeeze %dma_start3A_657 : memref<1x8x64xi32, #tpu.memory_space<vmem>> -> memref<8x64xi32, #tpu.memory_space<vmem>>
      %dma_start3A_659 = arith.constant 0 : i32
      %dma_start3A_660 = tpu.memref_slice %dma_start3A_658[%dma_start3A_649, %dma_start3A_659] : memref<8x64xi32, #tpu.memory_space<vmem>> -> memref<1x64xi32, #tpu.memory_space<vmem>>
      %dma_start3A_661 = tpu.memref_squeeze %dma_start3A_660 : memref<1x64xi32, #tpu.memory_space<vmem>> -> memref<64xi32, #tpu.memory_space<vmem>>
      %dma_start3A_662 = arith.constant 0 : i32
      %dma_start3A_663 = arith.constant 0 : i32
      %dma_start3A_664 = tpu.memref_slice %arg2[%dma_start3A_662, %dma_start3A_663] : memref<10000x128xf32, #tpu.memory_space<hbm>> -> memref<10000x128xf32, #tpu.memory_space<hbm>>
      tpu.enqueue_indirect_dma source(%dma_start3A_664 : memref<10000x128xf32, #tpu.memory_space<hbm>>) target(%dma_start3A_654 : memref<64x128xf32, #tpu.memory_space<vmem>>) offsets(%dma_start3A_661 : memref<64xi32, #tpu.memory_space<vmem>>) semaphore(%arg12 : memref<!tpu.dma_semaphore, #tpu.memory_space<semaphore_mem>>)
      %dma_start3A_665 = arith.constant 1 : i32
      %dma_start3A_666 = arith.constant 1 : i32
      %dma_start3A_667 = arith.constant 0 : i32
      %dma_start3A_668 = arith.constant 0 : i32
      %dma_start3A_669 = tpu.memref_slice %arg10[%dma_start3A_665, %dma_start3A_667, %dma_start3A_668] : memref<4x64x128xf32, #tpu.memory_space<vmem>> -> memref<1x64x128xf32, #tpu.memory_space<vmem>>
      %dma_start3A_670 = tpu.memref_squeeze %dma_start3A_669 : memref<1x64x128xf32, #tpu.memory_space<vmem>> -> memref<64x128xf32, #tpu.memory_space<vmem>>
      %dma_start3A_671 = arith.constant 0 : i32
      %dma_start3A_672 = arith.constant 0 : i32
      %dma_start3A_673 = tpu.memref_slice %arg9[%rem3A_541, %dma_start3A_671, %dma_start3A_672] : memref<2x8x64xi32, #tpu.memory_space<vmem>> -> memref<1x8x64xi32, #tpu.memory_space<vmem>>
      %dma_start3A_674 = tpu.memref_squeeze %dma_start3A_673 : memref<1x8x64xi32, #tpu.memory_space<vmem>> -> memref<8x64xi32, #tpu.memory_space<vmem>>
      %dma_start3A_675 = arith.constant 0 : i32
      %dma_start3A_676 = tpu.memref_slice %dma_start3A_674[%dma_start3A_666, %dma_start3A_675] : memref<8x64xi32, #tpu.memory_space<vmem>> -> memref<1x64xi32, #tpu.memory_space<vmem>>
      %dma_start3A_677 = tpu.memref_squeeze %dma_start3A_676 : memref<1x64xi32, #tpu.memory_space<vmem>> -> memref<64xi32, #tpu.memory_space<vmem>>
      %dma_start3A_678 = arith.constant 0 : i32
      %dma_start3A_679 = arith.constant 0 : i32
      %dma_start3A_680 = tpu.memref_slice %arg7[%dma_start3A_678, %dma_start3A_679] : memref<10112x128xf32, #tpu.memory_space<vmem_shared>> -> memref<10112x128xf32, #tpu.memory_space<vmem_shared>>
      tpu.enqueue_indirect_dma source(%dma_start3A_670 : memref<64x128xf32, #tpu.memory_space<vmem>>) target(%dma_start3A_680 : memref<10112x128xf32, #tpu.memory_space<vmem_shared>>) offsets(%dma_start3A_677 : memref<64xi32, #tpu.memory_space<vmem>>) semaphore(%arg17 : memref<!tpu.dma_semaphore, #tpu.memory_space<semaphore_mem>>) {add = true}
      %get3A_681 = arith.constant 1 : i32
      %get3A_682 = arith.index_cast %rem3A_541 : i32 to index
      %get3A_683 = arith.index_cast %get3A_681 : i32 to index
      %get3A_684 = arith.constant 0 : index
      %get3A_685 = tpu.vector_load %arg9[%get3A_682, %get3A_683, %get3A_684] {strides = array<i32>} : memref<2x8x64xi32, #tpu.memory_space<vmem>>, vector<16xi32>,
      tpu.vector_store_idx %arg11[%get3A_685], %broadcast_in_dim3A_3 {add = true} : memref<10112xf32, #tpu.memory_space<vmem>>[vector<16xi32>], vector<16xf32>,
      %get3A_686 = arith.constant 1 : i32
      %get3A_687 = arith.index_cast %rem3A_541 : i32 to index
      %get3A_688 = arith.index_cast %get3A_686 : i32 to index
      %get3A_689 = arith.constant 16 : index
      %get3A_690 = tpu.vector_load %arg9[%get3A_687, %get3A_688, %get3A_689] {strides = array<i32>} : memref<2x8x64xi32, #tpu.memory_space<vmem>>, vector<16xi32>,
      tpu.vector_store_idx %arg11[%get3A_690], %broadcast_in_dim3A_3 {add = true} : memref<10112xf32, #tpu.memory_space<vmem>>[vector<16xi32>], vector<16xf32>,
      %get3A_691 = arith.constant 1 : i32
      %get3A_692 = arith.index_cast %rem3A_541 : i32 to index
      %get3A_693 = arith.index_cast %get3A_691 : i32 to index
      %get3A_694 = arith.constant 32 : index
      %get3A_695 = tpu.vector_load %arg9[%get3A_692, %get3A_693, %get3A_694] {strides = array<i32>} : memref<2x8x64xi32, #tpu.memory_space<vmem>>, vector<16xi32>,
      tpu.vector_store_idx %arg11[%get3A_695], %broadcast_in_dim3A_3 {add = true} : memref<10112xf32, #tpu.memory_space<vmem>>[vector<16xi32>], vector<16xf32>,
      %get3A_696 = arith.constant 1 : i32
      %get3A_697 = arith.index_cast %rem3A_541 : i32 to index
      %get3A_698 = arith.index_cast %get3A_696 : i32 to index
      %get3A_699 = arith.constant 48 : index
      %get3A_700 = tpu.vector_load %arg9[%get3A_697, %get3A_698, %get3A_699] {strides = array<i32>} : memref<2x8x64xi32, #tpu.memory_space<vmem>>, vector<16xi32>,
      tpu.vector_store_idx %arg11[%get3A_700], %broadcast_in_dim3A_3 {add = true} : memref<10112xf32, #tpu.memory_space<vmem>>[vector<16xi32>], vector<16xf32>,
      %dma_wait3A_701 = arith.constant 2 : i32
      %dma_wait3A_702 = arith.constant 2 : i32
      %dma_wait3A_703 = arith.constant 0 : i32
      %dma_wait3A_704 = arith.constant 0 : i32
      %dma_wait3A_705 = tpu.memref_slice %arg10[%dma_wait3A_702, %dma_wait3A_703, %dma_wait3A_704] : memref<4x64x128xf32, #tpu.memory_space<vmem>> -> memref<1x64x128xf32, #tpu.memory_space<vmem>>
      %dma_wait3A_706 = tpu.memref_squeeze %dma_wait3A_705 : memref<1x64x128xf32, #tpu.memory_space<vmem>> -> memref<64x128xf32, #tpu.memory_space<vmem>>
      %dma_wait3A_707 = arith.constant 0 : i32
      %dma_wait3A_708 = arith.constant 0 : i32
      %dma_wait3A_709 = tpu.memref_slice %arg8[%rem3A_541, %dma_wait3A_707, %dma_wait3A_708] : memref<2x8x64xi32, #tpu.memory_space<vmem>> -> memref<1x8x64xi32, #tpu.memory_space<vmem>>
      %dma_wait3A_710 = tpu.memref_squeeze %dma_wait3A_709 : memref<1x8x64xi32, #tpu.memory_space<vmem>> -> memref<8x64xi32, #tpu.memory_space<vmem>>
      %dma_wait3A_711 = arith.constant 0 : i32
      %dma_wait3A_712 = tpu.memref_slice %dma_wait3A_710[%dma_wait3A_701, %dma_wait3A_711] : memref<8x64xi32, #tpu.memory_space<vmem>> -> memref<1x64xi32, #tpu.memory_space<vmem>>
      %dma_wait3A_713 = tpu.memref_squeeze %dma_wait3A_712 : memref<1x64xi32, #tpu.memory_space<vmem>> -> memref<64xi32, #tpu.memory_space<vmem>>
      %dma_wait3A_714 = arith.constant 0 : i32
      %dma_wait3A_715 = arith.constant 0 : i32
      %dma_wait3A_716 = tpu.memref_slice %arg2[%dma_wait3A_714, %dma_wait3A_715] : memref<10000x128xf32, #tpu.memory_space<hbm>> -> memref<10000x128xf32, #tpu.memory_space<hbm>>
      tpu.wait_indirect_dma semaphore(%arg14 : memref<!tpu.dma_semaphore, #tpu.memory_space<semaphore_mem>>) src(%dma_wait3A_716 : memref<10000x128xf32, #tpu.memory_space<hbm>>) dst(%dma_wait3A_706 : memref<64x128xf32, #tpu.memory_space<vmem>>)
      %dma_wait3A_717 = arith.constant 0 : i32
      %dma_wait3A_718 = arith.constant 0 : i32
      %dma_wait3A_719 = arith.constant 0 : i32
      %dma_wait3A_720 = arith.constant 0 : i32
      %dma_wait3A_721 = arith.constant 0 : i32
      %dma_wait3A_722 = tpu.memref_slice %arg10[%dma_wait3A_717, %dma_wait3A_720, %dma_wait3A_721] : memref<4x64x128xf32, #tpu.memory_space<vmem>> -> memref<1x64x128xf32, #tpu.memory_space<vmem>>
      %dma_wait3A_723 = tpu.memref_squeeze %dma_wait3A_722 : memref<1x64x128xf32, #tpu.memory_space<vmem>> -> memref<64x128xf32, #tpu.memory_space<vmem>>
      %dma_wait3A_724 = arith.constant 0 : i32
      %dma_wait3A_725 = arith.constant 0 : i32
      %dma_wait3A_726 = tpu.memref_slice %arg9[%dma_wait3A_718, %dma_wait3A_724, %dma_wait3A_725] : memref<2x8x64xi32, #tpu.memory_space<vmem>> -> memref<1x8x64xi32, #tpu.memory_space<vmem>>
      %dma_wait3A_727 = tpu.memref_squeeze %dma_wait3A_726 : memref<1x8x64xi32, #tpu.memory_space<vmem>> -> memref<8x64xi32, #tpu.memory_space<vmem>>
      %dma_wait3A_728 = arith.constant 0 : i32
      %dma_wait3A_729 = tpu.memref_slice %dma_wait3A_727[%dma_wait3A_719, %dma_wait3A_728] : memref<8x64xi32, #tpu.memory_space<vmem>> -> memref<1x64xi32, #tpu.memory_space<vmem>>
      %dma_wait3A_730 = tpu.memref_squeeze %dma_wait3A_729 : memref<1x64xi32, #tpu.memory_space<vmem>> -> memref<64xi32, #tpu.memory_space<vmem>>
      %dma_wait3A_731 = arith.constant 0 : i32
      %dma_wait3A_732 = arith.constant 0 : i32
      %dma_wait3A_733 = tpu.memref_slice %arg7[%dma_wait3A_731, %dma_wait3A_732] : memref<10112x128xf32, #tpu.memory_space<vmem_shared>> -> memref<10112x128xf32, #tpu.memory_space<vmem_shared>>
      tpu.wait_indirect_dma semaphore(%arg17 : memref<!tpu.dma_semaphore, #tpu.memory_space<semaphore_mem>>) src(%dma_wait3A_723 : memref<64x128xf32, #tpu.memory_space<vmem>>) dst(%dma_wait3A_733 : memref<10112x128xf32, #tpu.memory_space<vmem_shared>>)
      %dma_start3A_734 = arith.constant 5 : i32
      %dma_start3A_735 = arith.constant 1 : i32
      %dma_start3A_736 = arith.constant 0 : i32
      %dma_start3A_737 = arith.constant 0 : i32
      %dma_start3A_738 = tpu.memref_slice %arg10[%dma_start3A_735, %dma_start3A_736, %dma_start3A_737] : memref<4x64x128xf32, #tpu.memory_space<vmem>> -> memref<1x64x128xf32, #tpu.memory_space<vmem>>
      %dma_start3A_739 = tpu.memref_squeeze %dma_start3A_738 : memref<1x64x128xf32, #tpu.memory_space<vmem>> -> memref<64x128xf32, #tpu.memory_space<vmem>>
      %dma_start3A_740 = arith.constant 0 : i32
      %dma_start3A_741 = arith.constant 0 : i32
      %dma_start3A_742 = tpu.memref_slice %arg8[%rem3A_541, %dma_start3A_740, %dma_start3A_741] : memref<2x8x64xi32, #tpu.memory_space<vmem>> -> memref<1x8x64xi32, #tpu.memory_space<vmem>>
      %dma_start3A_743 = tpu.memref_squeeze %dma_start3A_742 : memref<1x8x64xi32, #tpu.memory_space<vmem>> -> memref<8x64xi32, #tpu.memory_space<vmem>>
      %dma_start3A_744 = arith.constant 0 : i32
      %dma_start3A_745 = tpu.memref_slice %dma_start3A_743[%dma_start3A_734, %dma_start3A_744] : memref<8x64xi32, #tpu.memory_space<vmem>> -> memref<1x64xi32, #tpu.memory_space<vmem>>
      %dma_start3A_746 = tpu.memref_squeeze %dma_start3A_745 : memref<1x64xi32, #tpu.memory_space<vmem>> -> memref<64xi32, #tpu.memory_space<vmem>>
      %dma_start3A_747 = arith.constant 0 : i32
      %dma_start3A_748 = arith.constant 0 : i32
      %dma_start3A_749 = tpu.memref_slice %arg2[%dma_start3A_747, %dma_start3A_748] : memref<10000x128xf32, #tpu.memory_space<hbm>> -> memref<10000x128xf32, #tpu.memory_space<hbm>>
      tpu.enqueue_indirect_dma source(%dma_start3A_749 : memref<10000x128xf32, #tpu.memory_space<hbm>>) target(%dma_start3A_739 : memref<64x128xf32, #tpu.memory_space<vmem>>) offsets(%dma_start3A_746 : memref<64xi32, #tpu.memory_space<vmem>>) semaphore(%arg13 : memref<!tpu.dma_semaphore, #tpu.memory_space<semaphore_mem>>)
      %dma_start3A_750 = arith.constant 2 : i32
      %dma_start3A_751 = arith.constant 2 : i32
      %dma_start3A_752 = arith.constant 0 : i32
      %dma_start3A_753 = arith.constant 0 : i32
      %dma_start3A_754 = tpu.memref_slice %arg10[%dma_start3A_750, %dma_start3A_752, %dma_start3A_753] : memref<4x64x128xf32, #tpu.memory_space<vmem>> -> memref<1x64x128xf32, #tpu.memory_space<vmem>>
      %dma_start3A_755 = tpu.memref_squeeze %dma_start3A_754 : memref<1x64x128xf32, #tpu.memory_space<vmem>> -> memref<64x128xf32, #tpu.memory_space<vmem>>
      %dma_start3A_756 = arith.constant 0 : i32
      %dma_start3A_757 = arith.constant 0 : i32
      %dma_start3A_758 = tpu.memref_slice %arg9[%rem3A_541, %dma_start3A_756, %dma_start3A_757] : memref<2x8x64xi32, #tpu.memory_space<vmem>> -> memref<1x8x64xi32, #tpu.memory_space<vmem>>
      %dma_start3A_759 = tpu.memref_squeeze %dma_start3A_758 : memref<1x8x64xi32, #tpu.memory_space<vmem>> -> memref<8x64xi32, #tpu.memory_space<vmem>>
      %dma_start3A_760 = arith.constant 0 : i32
      %dma_start3A_761 = tpu.memref_slice %dma_start3A_759[%dma_start3A_751, %dma_start3A_760] : memref<8x64xi32, #tpu.memory_space<vmem>> -> memref<1x64xi32, #tpu.memory_space<vmem>>
      %dma_start3A_762 = tpu.memref_squeeze %dma_start3A_761 : memref<1x64xi32, #tpu.memory_space<vmem>> -> memref<64xi32, #tpu.memory_space<vmem>>
      %dma_start3A_763 = arith.constant 0 : i32
      %dma_start3A_764 = arith.constant 0 : i32
      %dma_start3A_765 = tpu.memref_slice %arg7[%dma_start3A_763, %dma_start3A_764] : memref<10112x128xf32, #tpu.memory_space<vmem_shared>> -> memref<10112x128xf32, #tpu.memory_space<vmem_shared>>
      tpu.enqueue_indirect_dma source(%dma_start3A_755 : memref<64x128xf32, #tpu.memory_space<vmem>>) target(%dma_start3A_765 : memref<10112x128xf32, #tpu.memory_space<vmem_shared>>) offsets(%dma_start3A_762 : memref<64xi32, #tpu.memory_space<vmem>>) semaphore(%arg17 : memref<!tpu.dma_semaphore, #tpu.memory_space<semaphore_mem>>) {add = true}
      %get3A_766 = arith.constant 2 : i32
      %get3A_767 = arith.index_cast %rem3A_541 : i32 to index
      %get3A_768 = arith.index_cast %get3A_766 : i32 to index
      %get3A_769 = arith.constant 0 : index
      %get3A_770 = tpu.vector_load %arg9[%get3A_767, %get3A_768, %get3A_769] {strides = array<i32>} : memref<2x8x64xi32, #tpu.memory_space<vmem>>, vector<16xi32>,
      tpu.vector_store_idx %arg11[%get3A_770], %broadcast_in_dim3A_3 {add = true} : memref<10112xf32, #tpu.memory_space<vmem>>[vector<16xi32>], vector<16xf32>,
      %get3A_771 = arith.constant 2 : i32
      %get3A_772 = arith.index_cast %rem3A_541 : i32 to index
      %get3A_773 = arith.index_cast %get3A_771 : i32 to index
      %get3A_774 = arith.constant 16 : index
      %get3A_775 = tpu.vector_load %arg9[%get3A_772, %get3A_773, %get3A_774] {strides = array<i32>} : memref<2x8x64xi32, #tpu.memory_space<vmem>>, vector<16xi32>,
      tpu.vector_store_idx %arg11[%get3A_775], %broadcast_in_dim3A_3 {add = true} : memref<10112xf32, #tpu.memory_space<vmem>>[vector<16xi32>], vector<16xf32>,
      %get3A_776 = arith.constant 2 : i32
      %get3A_777 = arith.index_cast %rem3A_541 : i32 to index
      %get3A_778 = arith.index_cast %get3A_776 : i32 to index
      %get3A_779 = arith.constant 32 : index
      %get3A_780 = tpu.vector_load %arg9[%get3A_777, %get3A_778, %get3A_779] {strides = array<i32>} : memref<2x8x64xi32, #tpu.memory_space<vmem>>, vector<16xi32>,
      tpu.vector_store_idx %arg11[%get3A_780], %broadcast_in_dim3A_3 {add = true} : memref<10112xf32, #tpu.memory_space<vmem>>[vector<16xi32>], vector<16xf32>,
      %get3A_781 = arith.constant 2 : i32
      %get3A_782 = arith.index_cast %rem3A_541 : i32 to index
      %get3A_783 = arith.index_cast %get3A_781 : i32 to index
      %get3A_784 = arith.constant 48 : index
      %get3A_785 = tpu.vector_load %arg9[%get3A_782, %get3A_783, %get3A_784] {strides = array<i32>} : memref<2x8x64xi32, #tpu.memory_space<vmem>>, vector<16xi32>,
      tpu.vector_store_idx %arg11[%get3A_785], %broadcast_in_dim3A_3 {add = true} : memref<10112xf32, #tpu.memory_space<vmem>>[vector<16xi32>], vector<16xf32>,
      %dma_wait3A_786 = arith.constant 3 : i32
      %dma_wait3A_787 = arith.constant 3 : i32
      %dma_wait3A_788 = arith.constant 0 : i32
      %dma_wait3A_789 = arith.constant 0 : i32
      %dma_wait3A_790 = tpu.memref_slice %arg10[%dma_wait3A_787, %dma_wait3A_788, %dma_wait3A_789] : memref<4x64x128xf32, #tpu.memory_space<vmem>> -> memref<1x64x128xf32, #tpu.memory_space<vmem>>
      %dma_wait3A_791 = tpu.memref_squeeze %dma_wait3A_790 : memref<1x64x128xf32, #tpu.memory_space<vmem>> -> memref<64x128xf32, #tpu.memory_space<vmem>>
      %dma_wait3A_792 = arith.constant 0 : i32
      %dma_wait3A_793 = arith.constant 0 : i32
      %dma_wait3A_794 = tpu.memref_slice %arg8[%rem3A_541, %dma_wait3A_792, %dma_wait3A_793] : memref<2x8x64xi32, #tpu.memory_space<vmem>> -> memref<1x8x64xi32, #tpu.memory_space<vmem>>
      %dma_wait3A_795 = tpu.memref_squeeze %dma_wait3A_794 : memref<1x8x64xi32, #tpu.memory_space<vmem>> -> memref<8x64xi32, #tpu.memory_space<vmem>>
      %dma_wait3A_796 = arith.constant 0 : i32
      %dma_wait3A_797 = tpu.memref_slice %dma_wait3A_795[%dma_wait3A_786, %dma_wait3A_796] : memref<8x64xi32, #tpu.memory_space<vmem>> -> memref<1x64xi32, #tpu.memory_space<vmem>>
      %dma_wait3A_798 = tpu.memref_squeeze %dma_wait3A_797 : memref<1x64xi32, #tpu.memory_space<vmem>> -> memref<64xi32, #tpu.memory_space<vmem>>
      %dma_wait3A_799 = arith.constant 0 : i32
      %dma_wait3A_800 = arith.constant 0 : i32
      %dma_wait3A_801 = tpu.memref_slice %arg2[%dma_wait3A_799, %dma_wait3A_800] : memref<10000x128xf32, #tpu.memory_space<hbm>> -> memref<10000x128xf32, #tpu.memory_space<hbm>>
      tpu.wait_indirect_dma semaphore(%arg15 : memref<!tpu.dma_semaphore, #tpu.memory_space<semaphore_mem>>) src(%dma_wait3A_801 : memref<10000x128xf32, #tpu.memory_space<hbm>>) dst(%dma_wait3A_791 : memref<64x128xf32, #tpu.memory_space<vmem>>)
      %dma_wait3A_802 = arith.constant 0 : i32
      %dma_wait3A_803 = arith.constant 0 : i32
      %dma_wait3A_804 = arith.constant 0 : i32
      %dma_wait3A_805 = arith.constant 0 : i32
      %dma_wait3A_806 = arith.constant 0 : i32
      %dma_wait3A_807 = tpu.memref_slice %arg10[%dma_wait3A_802, %dma_wait3A_805, %dma_wait3A_806] : memref<4x64x128xf32, #tpu.memory_space<vmem>> -> memref<1x64x128xf32, #tpu.memory_space<vmem>>
      %dma_wait3A_808 = tpu.memref_squeeze %dma_wait3A_807 : memref<1x64x128xf32, #tpu.memory_space<vmem>> -> memref<64x128xf32, #tpu.memory_space<vmem>>
      %dma_wait3A_809 = arith.constant 0 : i32
      %dma_wait3A_810 = arith.constant 0 : i32
      %dma_wait3A_811 = tpu.memref_slice %arg9[%dma_wait3A_803, %dma_wait3A_809, %dma_wait3A_810] : memref<2x8x64xi32, #tpu.memory_space<vmem>> -> memref<1x8x64xi32, #tpu.memory_space<vmem>>
      %dma_wait3A_812 = tpu.memref_squeeze %dma_wait3A_811 : memref<1x8x64xi32, #tpu.memory_space<vmem>> -> memref<8x64xi32, #tpu.memory_space<vmem>>
      %dma_wait3A_813 = arith.constant 0 : i32
      %dma_wait3A_814 = tpu.memref_slice %dma_wait3A_812[%dma_wait3A_804, %dma_wait3A_813] : memref<8x64xi32, #tpu.memory_space<vmem>> -> memref<1x64xi32, #tpu.memory_space<vmem>>
      %dma_wait3A_815 = tpu.memref_squeeze %dma_wait3A_814 : memref<1x64xi32, #tpu.memory_space<vmem>> -> memref<64xi32, #tpu.memory_space<vmem>>
      %dma_wait3A_816 = arith.constant 0 : i32
      %dma_wait3A_817 = arith.constant 0 : i32
      %dma_wait3A_818 = tpu.memref_slice %arg7[%dma_wait3A_816, %dma_wait3A_817] : memref<10112x128xf32, #tpu.memory_space<vmem_shared>> -> memref<10112x128xf32, #tpu.memory_space<vmem_shared>>
      tpu.wait_indirect_dma semaphore(%arg17 : memref<!tpu.dma_semaphore, #tpu.memory_space<semaphore_mem>>) src(%dma_wait3A_808 : memref<64x128xf32, #tpu.memory_space<vmem>>) dst(%dma_wait3A_818 : memref<10112x128xf32, #tpu.memory_space<vmem_shared>>)
      %dma_start3A_819 = arith.constant 6 : i32
      %dma_start3A_820 = arith.constant 2 : i32
      %dma_start3A_821 = arith.constant 0 : i32
      %dma_start3A_822 = arith.constant 0 : i32
      %dma_start3A_823 = tpu.memref_slice %arg10[%dma_start3A_820, %dma_start3A_821, %dma_start3A_822] : memref<4x64x128xf32, #tpu.memory_space<vmem>> -> memref<1x64x128xf32, #tpu.memory_space<vmem>>
      %dma_start3A_824 = tpu.memref_squeeze %dma_start3A_823 : memref<1x64x128xf32, #tpu.memory_space<vmem>> -> memref<64x128xf32, #tpu.memory_space<vmem>>
      %dma_start3A_825 = arith.constant 0 : i32
      %dma_start3A_826 = arith.constant 0 : i32
      %dma_start3A_827 = tpu.memref_slice %arg8[%rem3A_541, %dma_start3A_825, %dma_start3A_826] : memref<2x8x64xi32, #tpu.memory_space<vmem>> -> memref<1x8x64xi32, #tpu.memory_space<vmem>>
      %dma_start3A_828 = tpu.memref_squeeze %dma_start3A_827 : memref<1x8x64xi32, #tpu.memory_space<vmem>> -> memref<8x64xi32, #tpu.memory_space<vmem>>
      %dma_start3A_829 = arith.constant 0 : i32
      %dma_start3A_830 = tpu.memref_slice %dma_start3A_828[%dma_start3A_819, %dma_start3A_829] : memref<8x64xi32, #tpu.memory_space<vmem>> -> memref<1x64xi32, #tpu.memory_space<vmem>>
      %dma_start3A_831 = tpu.memref_squeeze %dma_start3A_830 : memref<1x64xi32, #tpu.memory_space<vmem>> -> memref<64xi32, #tpu.memory_space<vmem>>
      %dma_start3A_832 = arith.constant 0 : i32
      %dma_start3A_833 = arith.constant 0 : i32
      %dma_start3A_834 = tpu.memref_slice %arg2[%dma_start3A_832, %dma_start3A_833] : memref<10000x128xf32, #tpu.memory_space<hbm>> -> memref<10000x128xf32, #tpu.memory_space<hbm>>
      tpu.enqueue_indirect_dma source(%dma_start3A_834 : memref<10000x128xf32, #tpu.memory_space<hbm>>) target(%dma_start3A_824 : memref<64x128xf32, #tpu.memory_space<vmem>>) offsets(%dma_start3A_831 : memref<64xi32, #tpu.memory_space<vmem>>) semaphore(%arg14 : memref<!tpu.dma_semaphore, #tpu.memory_space<semaphore_mem>>)
      %dma_start3A_835 = arith.constant 3 : i32
      %dma_start3A_836 = arith.constant 3 : i32
      %dma_start3A_837 = arith.constant 0 : i32
      %dma_start3A_838 = arith.constant 0 : i32
      %dma_start3A_839 = tpu.memref_slice %arg10[%dma_start3A_835, %dma_start3A_837, %dma_start3A_838] : memref<4x64x128xf32, #tpu.memory_space<vmem>> -> memref<1x64x128xf32, #tpu.memory_space<vmem>>
      %dma_start3A_840 = tpu.memref_squeeze %dma_start3A_839 : memref<1x64x128xf32, #tpu.memory_space<vmem>> -> memref<64x128xf32, #tpu.memory_space<vmem>>
      %dma_start3A_841 = arith.constant 0 : i32
      %dma_start3A_842 = arith.constant 0 : i32
      %dma_start3A_843 = tpu.memref_slice %arg9[%rem3A_541, %dma_start3A_841, %dma_start3A_842] : memref<2x8x64xi32, #tpu.memory_space<vmem>> -> memref<1x8x64xi32, #tpu.memory_space<vmem>>
      %dma_start3A_844 = tpu.memref_squeeze %dma_start3A_843 : memref<1x8x64xi32, #tpu.memory_space<vmem>> -> memref<8x64xi32, #tpu.memory_space<vmem>>
      %dma_start3A_845 = arith.constant 0 : i32
      %dma_start3A_846 = tpu.memref_slice %dma_start3A_844[%dma_start3A_836, %dma_start3A_845] : memref<8x64xi32, #tpu.memory_space<vmem>> -> memref<1x64xi32, #tpu.memory_space<vmem>>
      %dma_start3A_847 = tpu.memref_squeeze %dma_start3A_846 : memref<1x64xi32, #tpu.memory_space<vmem>> -> memref<64xi32, #tpu.memory_space<vmem>>
      %dma_start3A_848 = arith.constant 0 : i32
      %dma_start3A_849 = arith.constant 0 : i32
      %dma_start3A_850 = tpu.memref_slice %arg7[%dma_start3A_848, %dma_start3A_849] : memref<10112x128xf32, #tpu.memory_space<vmem_shared>> -> memref<10112x128xf32, #tpu.memory_space<vmem_shared>>
      tpu.enqueue_indirect_dma source(%dma_start3A_840 : memref<64x128xf32, #tpu.memory_space<vmem>>) target(%dma_start3A_850 : memref<10112x128xf32, #tpu.memory_space<vmem_shared>>) offsets(%dma_start3A_847 : memref<64xi32, #tpu.memory_space<vmem>>) semaphore(%arg17 : memref<!tpu.dma_semaphore, #tpu.memory_space<semaphore_mem>>) {add = true}
      %get3A_851 = arith.constant 3 : i32
      %get3A_852 = arith.index_cast %rem3A_541 : i32 to index
      %get3A_853 = arith.index_cast %get3A_851 : i32 to index
      %get3A_854 = arith.constant 0 : index
      %get3A_855 = tpu.vector_load %arg9[%get3A_852, %get3A_853, %get3A_854] {strides = array<i32>} : memref<2x8x64xi32, #tpu.memory_space<vmem>>, vector<16xi32>,
      tpu.vector_store_idx %arg11[%get3A_855], %broadcast_in_dim3A_3 {add = true} : memref<10112xf32, #tpu.memory_space<vmem>>[vector<16xi32>], vector<16xf32>,
      %get3A_856 = arith.constant 3 : i32
      %get3A_857 = arith.index_cast %rem3A_541 : i32 to index
      %get3A_858 = arith.index_cast %get3A_856 : i32 to index
      %get3A_859 = arith.constant 16 : index
      %get3A_860 = tpu.vector_load %arg9[%get3A_857, %get3A_858, %get3A_859] {strides = array<i32>} : memref<2x8x64xi32, #tpu.memory_space<vmem>>, vector<16xi32>,
      tpu.vector_store_idx %arg11[%get3A_860], %broadcast_in_dim3A_3 {add = true} : memref<10112xf32, #tpu.memory_space<vmem>>[vector<16xi32>], vector<16xf32>,
      %get3A_861 = arith.constant 3 : i32
      %get3A_862 = arith.index_cast %rem3A_541 : i32 to index
      %get3A_863 = arith.index_cast %get3A_861 : i32 to index
      %get3A_864 = arith.constant 32 : index
      %get3A_865 = tpu.vector_load %arg9[%get3A_862, %get3A_863, %get3A_864] {strides = array<i32>} : memref<2x8x64xi32, #tpu.memory_space<vmem>>, vector<16xi32>,
      tpu.vector_store_idx %arg11[%get3A_865], %broadcast_in_dim3A_3 {add = true} : memref<10112xf32, #tpu.memory_space<vmem>>[vector<16xi32>], vector<16xf32>,
      %get3A_866 = arith.constant 3 : i32
      %get3A_867 = arith.index_cast %rem3A_541 : i32 to index
      %get3A_868 = arith.index_cast %get3A_866 : i32 to index
      %get3A_869 = arith.constant 48 : index
      %get3A_870 = tpu.vector_load %arg9[%get3A_867, %get3A_868, %get3A_869] {strides = array<i32>} : memref<2x8x64xi32, #tpu.memory_space<vmem>>, vector<16xi32>,
      tpu.vector_store_idx %arg11[%get3A_870], %broadcast_in_dim3A_3 {add = true} : memref<10112xf32, #tpu.memory_space<vmem>>[vector<16xi32>], vector<16xf32>,
      %dma_wait3A_871 = arith.constant 4 : i32
      %dma_wait3A_872 = arith.constant 0 : i32
      %dma_wait3A_873 = arith.constant 0 : i32
      %dma_wait3A_874 = arith.constant 0 : i32
      %dma_wait3A_875 = tpu.memref_slice %arg10[%dma_wait3A_872, %dma_wait3A_873, %dma_wait3A_874] : memref<4x64x128xf32, #tpu.memory_space<vmem>> -> memref<1x64x128xf32, #tpu.memory_space<vmem>>
      %dma_wait3A_876 = tpu.memref_squeeze %dma_wait3A_875 : memref<1x64x128xf32, #tpu.memory_space<vmem>> -> memref<64x128xf32, #tpu.memory_space<vmem>>
      %dma_wait3A_877 = arith.constant 0 : i32
      %dma_wait3A_878 = arith.constant 0 : i32
      %dma_wait3A_879 = tpu.memref_slice %arg8[%rem3A_541, %dma_wait3A_877, %dma_wait3A_878] : memref<2x8x64xi32, #tpu.memory_space<vmem>> -> memref<1x8x64xi32, #tpu.memory_space<vmem>>
      %dma_wait3A_880 = tpu.memref_squeeze %dma_wait3A_879 : memref<1x8x64xi32, #tpu.memory_space<vmem>> -> memref<8x64xi32, #tpu.memory_space<vmem>>
      %dma_wait3A_881 = arith.constant 0 : i32
      %dma_wait3A_882 = tpu.memref_slice %dma_wait3A_880[%dma_wait3A_871, %dma_wait3A_881] : memref<8x64xi32, #tpu.memory_space<vmem>> -> memref<1x64xi32, #tpu.memory_space<vmem>>
      %dma_wait3A_883 = tpu.memref_squeeze %dma_wait3A_882 : memref<1x64xi32, #tpu.memory_space<vmem>> -> memref<64xi32, #tpu.memory_space<vmem>>
      %dma_wait3A_884 = arith.constant 0 : i32
      %dma_wait3A_885 = arith.constant 0 : i32
      %dma_wait3A_886 = tpu.memref_slice %arg2[%dma_wait3A_884, %dma_wait3A_885] : memref<10000x128xf32, #tpu.memory_space<hbm>> -> memref<10000x128xf32, #tpu.memory_space<hbm>>
      tpu.wait_indirect_dma semaphore(%arg12 : memref<!tpu.dma_semaphore, #tpu.memory_space<semaphore_mem>>) src(%dma_wait3A_886 : memref<10000x128xf32, #tpu.memory_space<hbm>>) dst(%dma_wait3A_876 : memref<64x128xf32, #tpu.memory_space<vmem>>)
      %dma_wait3A_887 = arith.constant 0 : i32
      %dma_wait3A_888 = arith.constant 0 : i32
      %dma_wait3A_889 = arith.constant 0 : i32
      %dma_wait3A_890 = arith.constant 0 : i32
      %dma_wait3A_891 = arith.constant 0 : i32
      %dma_wait3A_892 = tpu.memref_slice %arg10[%dma_wait3A_887, %dma_wait3A_890, %dma_wait3A_891] : memref<4x64x128xf32, #tpu.memory_space<vmem>> -> memref<1x64x128xf32, #tpu.memory_space<vmem>>
      %dma_wait3A_893 = tpu.memref_squeeze %dma_wait3A_892 : memref<1x64x128xf32, #tpu.memory_space<vmem>> -> memref<64x128xf32, #tpu.memory_space<vmem>>
      %dma_wait3A_894 = arith.constant 0 : i32
      %dma_wait3A_895 = arith.constant 0 : i32
      %dma_wait3A_896 = tpu.memref_slice %arg9[%dma_wait3A_888, %dma_wait3A_894, %dma_wait3A_895] : memref<2x8x64xi32, #tpu.memory_space<vmem>> -> memref<1x8x64xi32, #tpu.memory_space<vmem>>
      %dma_wait3A_897 = tpu.memref_squeeze %dma_wait3A_896 : memref<1x8x64xi32, #tpu.memory_space<vmem>> -> memref<8x64xi32, #tpu.memory_space<vmem>>
      %dma_wait3A_898 = arith.constant 0 : i32
      %dma_wait3A_899 = tpu.memref_slice %dma_wait3A_897[%dma_wait3A_889, %dma_wait3A_898] : memref<8x64xi32, #tpu.memory_space<vmem>> -> memref<1x64xi32, #tpu.memory_space<vmem>>
      %dma_wait3A_900 = tpu.memref_squeeze %dma_wait3A_899 : memref<1x64xi32, #tpu.memory_space<vmem>> -> memref<64xi32, #tpu.memory_space<vmem>>
      %dma_wait3A_901 = arith.constant 0 : i32
      %dma_wait3A_902 = arith.constant 0 : i32
      %dma_wait3A_903 = tpu.memref_slice %arg7[%dma_wait3A_901, %dma_wait3A_902] : memref<10112x128xf32, #tpu.memory_space<vmem_shared>> -> memref<10112x128xf32, #tpu.memory_space<vmem_shared>>
      tpu.wait_indirect_dma semaphore(%arg17 : memref<!tpu.dma_semaphore, #tpu.memory_space<semaphore_mem>>) src(%dma_wait3A_893 : memref<64x128xf32, #tpu.memory_space<vmem>>) dst(%dma_wait3A_903 : memref<10112x128xf32, #tpu.memory_space<vmem_shared>>)
      %dma_start3A_904 = arith.constant 7 : i32
      %dma_start3A_905 = arith.constant 3 : i32
      %dma_start3A_906 = arith.constant 0 : i32
      %dma_start3A_907 = arith.constant 0 : i32
      %dma_start3A_908 = tpu.memref_slice %arg10[%dma_start3A_905, %dma_start3A_906, %dma_start3A_907] : memref<4x64x128xf32, #tpu.memory_space<vmem>> -> memref<1x64x128xf32, #tpu.memory_space<vmem>>
      %dma_start3A_909 = tpu.memref_squeeze %dma_start3A_908 : memref<1x64x128xf32, #tpu.memory_space<vmem>> -> memref<64x128xf32, #tpu.memory_space<vmem>>
      %dma_start3A_910 = arith.constant 0 : i32
      %dma_start3A_911 = arith.constant 0 : i32
      %dma_start3A_912 = tpu.memref_slice %arg8[%rem3A_541, %dma_start3A_910, %dma_start3A_911] : memref<2x8x64xi32, #tpu.memory_space<vmem>> -> memref<1x8x64xi32, #tpu.memory_space<vmem>>
      %dma_start3A_913 = tpu.memref_squeeze %dma_start3A_912 : memref<1x8x64xi32, #tpu.memory_space<vmem>> -> memref<8x64xi32, #tpu.memory_space<vmem>>
      %dma_start3A_914 = arith.constant 0 : i32
      %dma_start3A_915 = tpu.memref_slice %dma_start3A_913[%dma_start3A_904, %dma_start3A_914] : memref<8x64xi32, #tpu.memory_space<vmem>> -> memref<1x64xi32, #tpu.memory_space<vmem>>
      %dma_start3A_916 = tpu.memref_squeeze %dma_start3A_915 : memref<1x64xi32, #tpu.memory_space<vmem>> -> memref<64xi32, #tpu.memory_space<vmem>>
      %dma_start3A_917 = arith.constant 0 : i32
      %dma_start3A_918 = arith.constant 0 : i32
      %dma_start3A_919 = tpu.memref_slice %arg2[%dma_start3A_917, %dma_start3A_918] : memref<10000x128xf32, #tpu.memory_space<hbm>> -> memref<10000x128xf32, #tpu.memory_space<hbm>>
      tpu.enqueue_indirect_dma source(%dma_start3A_919 : memref<10000x128xf32, #tpu.memory_space<hbm>>) target(%dma_start3A_909 : memref<64x128xf32, #tpu.memory_space<vmem>>) offsets(%dma_start3A_916 : memref<64xi32, #tpu.memory_space<vmem>>) semaphore(%arg15 : memref<!tpu.dma_semaphore, #tpu.memory_space<semaphore_mem>>)
      %dma_start3A_920 = arith.constant 0 : i32
      %dma_start3A_921 = arith.constant 4 : i32
      %dma_start3A_922 = arith.constant 0 : i32
      %dma_start3A_923 = arith.constant 0 : i32
      %dma_start3A_924 = tpu.memref_slice %arg10[%dma_start3A_920, %dma_start3A_922, %dma_start3A_923] : memref<4x64x128xf32, #tpu.memory_space<vmem>> -> memref<1x64x128xf32, #tpu.memory_space<vmem>>
      %dma_start3A_925 = tpu.memref_squeeze %dma_start3A_924 : memref<1x64x128xf32, #tpu.memory_space<vmem>> -> memref<64x128xf32, #tpu.memory_space<vmem>>
      %dma_start3A_926 = arith.constant 0 : i32
      %dma_start3A_927 = arith.constant 0 : i32
      %dma_start3A_928 = tpu.memref_slice %arg9[%rem3A_541, %dma_start3A_926, %dma_start3A_927] : memref<2x8x64xi32, #tpu.memory_space<vmem>> -> memref<1x8x64xi32, #tpu.memory_space<vmem>>
      %dma_start3A_929 = tpu.memref_squeeze %dma_start3A_928 : memref<1x8x64xi32, #tpu.memory_space<vmem>> -> memref<8x64xi32, #tpu.memory_space<vmem>>
      %dma_start3A_930 = arith.constant 0 : i32
      %dma_start3A_931 = tpu.memref_slice %dma_start3A_929[%dma_start3A_921, %dma_start3A_930] : memref<8x64xi32, #tpu.memory_space<vmem>> -> memref<1x64xi32, #tpu.memory_space<vmem>>
      %dma_start3A_932 = tpu.memref_squeeze %dma_start3A_931 : memref<1x64xi32, #tpu.memory_space<vmem>> -> memref<64xi32, #tpu.memory_space<vmem>>
      %dma_start3A_933 = arith.constant 0 : i32
      %dma_start3A_934 = arith.constant 0 : i32
      %dma_start3A_935 = tpu.memref_slice %arg7[%dma_start3A_933, %dma_start3A_934] : memref<10112x128xf32, #tpu.memory_space<vmem_shared>> -> memref<10112x128xf32, #tpu.memory_space<vmem_shared>>
      tpu.enqueue_indirect_dma source(%dma_start3A_925 : memref<64x128xf32, #tpu.memory_space<vmem>>) target(%dma_start3A_935 : memref<10112x128xf32, #tpu.memory_space<vmem_shared>>) offsets(%dma_start3A_932 : memref<64xi32, #tpu.memory_space<vmem>>) semaphore(%arg17 : memref<!tpu.dma_semaphore, #tpu.memory_space<semaphore_mem>>) {add = true}
      %get3A_936 = arith.constant 4 : i32
      %get3A_937 = arith.index_cast %rem3A_541 : i32 to index
      %get3A_938 = arith.index_cast %get3A_936 : i32 to index
      %get3A_939 = arith.constant 0 : index
      %get3A_940 = tpu.vector_load %arg9[%get3A_937, %get3A_938, %get3A_939] {strides = array<i32>} : memref<2x8x64xi32, #tpu.memory_space<vmem>>, vector<16xi32>,
      tpu.vector_store_idx %arg11[%get3A_940], %broadcast_in_dim3A_3 {add = true} : memref<10112xf32, #tpu.memory_space<vmem>>[vector<16xi32>], vector<16xf32>,
      %get3A_941 = arith.constant 4 : i32
      %get3A_942 = arith.index_cast %rem3A_541 : i32 to index
      %get3A_943 = arith.index_cast %get3A_941 : i32 to index
      %get3A_944 = arith.constant 16 : index
      %get3A_945 = tpu.vector_load %arg9[%get3A_942, %get3A_943, %get3A_944] {strides = array<i32>} : memref<2x8x64xi32, #tpu.memory_space<vmem>>, vector<16xi32>,
      tpu.vector_store_idx %arg11[%get3A_945], %broadcast_in_dim3A_3 {add = true} : memref<10112xf32, #tpu.memory_space<vmem>>[vector<16xi32>], vector<16xf32>,
      %get3A_946 = arith.constant 4 : i32
      %get3A_947 = arith.index_cast %rem3A_541 : i32 to index
      %get3A_948 = arith.index_cast %get3A_946 : i32 to index
      %get3A_949 = arith.constant 32 : index
      %get3A_950 = tpu.vector_load %arg9[%get3A_947, %get3A_948, %get3A_949] {strides = array<i32>} : memref<2x8x64xi32, #tpu.memory_space<vmem>>, vector<16xi32>,
      tpu.vector_store_idx %arg11[%get3A_950], %broadcast_in_dim3A_3 {add = true} : memref<10112xf32, #tpu.memory_space<vmem>>[vector<16xi32>], vector<16xf32>,
      %get3A_951 = arith.constant 4 : i32
      %get3A_952 = arith.index_cast %rem3A_541 : i32 to index
      %get3A_953 = arith.index_cast %get3A_951 : i32 to index
      %get3A_954 = arith.constant 48 : index
      %get3A_955 = tpu.vector_load %arg9[%get3A_952, %get3A_953, %get3A_954] {strides = array<i32>} : memref<2x8x64xi32, #tpu.memory_space<vmem>>, vector<16xi32>,
      tpu.vector_store_idx %arg11[%get3A_955], %broadcast_in_dim3A_3 {add = true} : memref<10112xf32, #tpu.memory_space<vmem>>[vector<16xi32>], vector<16xf32>,
      %dma_wait3A_956 = arith.constant 5 : i32
      %dma_wait3A_957 = arith.constant 1 : i32
      %dma_wait3A_958 = arith.constant 0 : i32
      %dma_wait3A_959 = arith.constant 0 : i32
      %dma_wait3A_960 = tpu.memref_slice %arg10[%dma_wait3A_957, %dma_wait3A_958, %dma_wait3A_959] : memref<4x64x128xf32, #tpu.memory_space<vmem>> -> memref<1x64x128xf32, #tpu.memory_space<vmem>>
      %dma_wait3A_961 = tpu.memref_squeeze %dma_wait3A_960 : memref<1x64x128xf32, #tpu.memory_space<vmem>> -> memref<64x128xf32, #tpu.memory_space<vmem>>
      %dma_wait3A_962 = arith.constant 0 : i32
      %dma_wait3A_963 = arith.constant 0 : i32
      %dma_wait3A_964 = tpu.memref_slice %arg8[%rem3A_541, %dma_wait3A_962, %dma_wait3A_963] : memref<2x8x64xi32, #tpu.memory_space<vmem>> -> memref<1x8x64xi32, #tpu.memory_space<vmem>>
      %dma_wait3A_965 = tpu.memref_squeeze %dma_wait3A_964 : memref<1x8x64xi32, #tpu.memory_space<vmem>> -> memref<8x64xi32, #tpu.memory_space<vmem>>
      %dma_wait3A_966 = arith.constant 0 : i32
      %dma_wait3A_967 = tpu.memref_slice %dma_wait3A_965[%dma_wait3A_956, %dma_wait3A_966] : memref<8x64xi32, #tpu.memory_space<vmem>> -> memref<1x64xi32, #tpu.memory_space<vmem>>
      %dma_wait3A_968 = tpu.memref_squeeze %dma_wait3A_967 : memref<1x64xi32, #tpu.memory_space<vmem>> -> memref<64xi32, #tpu.memory_space<vmem>>
      %dma_wait3A_969 = arith.constant 0 : i32
      %dma_wait3A_970 = arith.constant 0 : i32
      %dma_wait3A_971 = tpu.memref_slice %arg2[%dma_wait3A_969, %dma_wait3A_970] : memref<10000x128xf32, #tpu.memory_space<hbm>> -> memref<10000x128xf32, #tpu.memory_space<hbm>>
      tpu.wait_indirect_dma semaphore(%arg13 : memref<!tpu.dma_semaphore, #tpu.memory_space<semaphore_mem>>) src(%dma_wait3A_971 : memref<10000x128xf32, #tpu.memory_space<hbm>>) dst(%dma_wait3A_961 : memref<64x128xf32, #tpu.memory_space<vmem>>)
      %dma_wait3A_972 = arith.constant 0 : i32
      %dma_wait3A_973 = arith.constant 0 : i32
      %dma_wait3A_974 = arith.constant 0 : i32
      %dma_wait3A_975 = arith.constant 0 : i32
      %dma_wait3A_976 = arith.constant 0 : i32
      %dma_wait3A_977 = tpu.memref_slice %arg10[%dma_wait3A_972, %dma_wait3A_975, %dma_wait3A_976] : memref<4x64x128xf32, #tpu.memory_space<vmem>> -> memref<1x64x128xf32, #tpu.memory_space<vmem>>
      %dma_wait3A_978 = tpu.memref_squeeze %dma_wait3A_977 : memref<1x64x128xf32, #tpu.memory_space<vmem>> -> memref<64x128xf32, #tpu.memory_space<vmem>>
      %dma_wait3A_979 = arith.constant 0 : i32
      %dma_wait3A_980 = arith.constant 0 : i32
      %dma_wait3A_981 = tpu.memref_slice %arg9[%dma_wait3A_973, %dma_wait3A_979, %dma_wait3A_980] : memref<2x8x64xi32, #tpu.memory_space<vmem>> -> memref<1x8x64xi32, #tpu.memory_space<vmem>>
      %dma_wait3A_982 = tpu.memref_squeeze %dma_wait3A_981 : memref<1x8x64xi32, #tpu.memory_space<vmem>> -> memref<8x64xi32, #tpu.memory_space<vmem>>
      %dma_wait3A_983 = arith.constant 0 : i32
      %dma_wait3A_984 = tpu.memref_slice %dma_wait3A_982[%dma_wait3A_974, %dma_wait3A_983] : memref<8x64xi32, #tpu.memory_space<vmem>> -> memref<1x64xi32, #tpu.memory_space<vmem>>
      %dma_wait3A_985 = tpu.memref_squeeze %dma_wait3A_984 : memref<1x64xi32, #tpu.memory_space<vmem>> -> memref<64xi32, #tpu.memory_space<vmem>>
      %dma_wait3A_986 = arith.constant 0 : i32
      %dma_wait3A_987 = arith.constant 0 : i32
      %dma_wait3A_988 = tpu.memref_slice %arg7[%dma_wait3A_986, %dma_wait3A_987] : memref<10112x128xf32, #tpu.memory_space<vmem_shared>> -> memref<10112x128xf32, #tpu.memory_space<vmem_shared>>
      tpu.wait_indirect_dma semaphore(%arg17 : memref<!tpu.dma_semaphore, #tpu.memory_space<semaphore_mem>>) src(%dma_wait3A_978 : memref<64x128xf32, #tpu.memory_space<vmem>>) dst(%dma_wait3A_988 : memref<10112x128xf32, #tpu.memory_space<vmem_shared>>)
      %lt3A_989 = arith.constant 19 : i32
      %lt3A_990 = arith.cmpi slt, %add3A_540, %lt3A_989 : i32
      %convert_element_type3A_991 = arith.extui %lt3A_990 : i1 to i32
      %cond3A_992 = arith.constant 0 : i32
      %cond3A_993 = arith.cmpi ne, %convert_element_type3A_991, %cond3A_992 : i32
      scf.if %cond3A_993 {
        %dma_wait3A_1178 = arith.constant 0 : i32
        %dma_wait3A_1179 = arith.constant 0 : i32
        %dma_wait3A_1180 = tpu.memref_slice %arg8[%sub3A_542, %dma_wait3A_1178, %dma_wait3A_1179] : memref<2x8x64xi32, #tpu.memory_space<vmem>> -> memref<1x8x64xi32, #tpu.memory_space<vmem>>
        %dma_wait3A_1181 = tpu.memref_squeeze %dma_wait3A_1180 : memref<1x8x64xi32, #tpu.memory_space<vmem>> -> memref<8x64xi32, #tpu.memory_space<vmem>>
        %dma_wait3A_1182 = arith.constant 0 : i32
        %dma_wait3A_1183 = arith.constant 0 : i32
        %dma_wait3A_1184 = tpu.memref_slice %arg3[%add3A, %dma_wait3A_1182, %dma_wait3A_1183] : memref<32x160x64xi32, #tpu.memory_space<hbm>> -> memref<1x160x64xi32, #tpu.memory_space<hbm>>
        %dma_wait3A_1185 = tpu.memref_squeeze %dma_wait3A_1184 : memref<1x160x64xi32, #tpu.memory_space<hbm>> -> memref<160x64xi32, #tpu.memory_space<hbm>>
        %dma_wait3A_1186 = arith.constant 0 : i32
        %dma_wait3A_1187 = arith.constant 0 : i32
        %dma_wait3A_1188 = tpu.memref_slice %dma_wait3A_1185[%dma_wait3A_1186, %dma_wait3A_1187] : memref<160x64xi32, #tpu.memory_space<hbm>> -> memref<8x64xi32, #tpu.memory_space<hbm>>
        %dma_wait3A_1189 = arith.constant 0 : i32
        %dma_wait3A_1190 = arith.constant 0 : i32
        %dma_wait3A_1191 = tpu.memref_slice %arg8[%sub3A_542, %dma_wait3A_1189, %dma_wait3A_1190] : memref<2x8x64xi32, #tpu.memory_space<vmem>> -> memref<1x8x64xi32, #tpu.memory_space<vmem>>
        %dma_wait3A_1192 = tpu.memref_squeeze %dma_wait3A_1191 : memref<1x8x64xi32, #tpu.memory_space<vmem>> -> memref<8x64xi32, #tpu.memory_space<vmem>>
        %dma_wait3A_1193 = arith.constant 0 : i32
        %dma_wait3A_1194 = arith.constant 0 : i32
        %dma_wait3A_1195 = tpu.memref_slice %arg3[%add3A, %dma_wait3A_1193, %dma_wait3A_1194] : memref<32x160x64xi32, #tpu.memory_space<hbm>> -> memref<1x160x64xi32, #tpu.memory_space<hbm>>
        %dma_wait3A_1196 = tpu.memref_squeeze %dma_wait3A_1195 : memref<1x160x64xi32, #tpu.memory_space<hbm>> -> memref<160x64xi32, #tpu.memory_space<hbm>>
        %dma_wait3A_1197 = arith.constant 0 : i32
        %dma_wait3A_1198 = arith.constant 0 : i32
        %dma_wait3A_1199 = tpu.memref_slice %dma_wait3A_1196[%dma_wait3A_1197, %dma_wait3A_1198] : memref<160x64xi32, #tpu.memory_space<hbm>> -> memref<8x64xi32, #tpu.memory_space<hbm>>
        tpu.wait_dma2 semaphore(%arg16 : memref<!tpu.dma_semaphore, #tpu.memory_space<semaphore_mem>>) src(%dma_wait3A_1199 : memref<8x64xi32, #tpu.memory_space<hbm>>) dst(%dma_wait3A_1192 : memref<8x64xi32, #tpu.memory_space<vmem>>)
        %dma_wait3A_1200 = arith.constant 0 : i32
        %dma_wait3A_1201 = arith.constant 0 : i32
        %dma_wait3A_1202 = tpu.memref_slice %arg9[%sub3A_542, %dma_wait3A_1200, %dma_wait3A_1201] : memref<2x8x64xi32, #tpu.memory_space<vmem>> -> memref<1x8x64xi32, #tpu.memory_space<vmem>>
        %dma_wait3A_1203 = tpu.memref_squeeze %dma_wait3A_1202 : memref<1x8x64xi32, #tpu.memory_space<vmem>> -> memref<8x64xi32, #tpu.memory_space<vmem>>
        %dma_wait3A_1204 = arith.constant 0 : i32
        %dma_wait3A_1205 = arith.constant 0 : i32
        %dma_wait3A_1206 = tpu.memref_slice %arg4[%add3A, %dma_wait3A_1204, %dma_wait3A_1205] : memref<32x160x64xi32, #tpu.memory_space<hbm>> -> memref<1x160x64xi32, #tpu.memory_space<hbm>>
        %dma_wait3A_1207 = tpu.memref_squeeze %dma_wait3A_1206 : memref<1x160x64xi32, #tpu.memory_space<hbm>> -> memref<160x64xi32, #tpu.memory_space<hbm>>
        %dma_wait3A_1208 = arith.constant 0 : i32
        %dma_wait3A_1209 = arith.constant 0 : i32
        %dma_wait3A_1210 = tpu.memref_slice %dma_wait3A_1207[%dma_wait3A_1208, %dma_wait3A_1209] : memref<160x64xi32, #tpu.memory_space<hbm>> -> memref<8x64xi32, #tpu.memory_space<hbm>>
        %dma_wait3A_1211 = arith.constant 0 : i32
        %dma_wait3A_1212 = arith.constant 0 : i32
        %dma_wait3A_1213 = tpu.memref_slice %arg9[%sub3A_542, %dma_wait3A_1211, %dma_wait3A_1212] : memref<2x8x64xi32, #tpu.memory_space<vmem>> -> memref<1x8x64xi32, #tpu.memory_space<vmem>>
        %dma_wait3A_1214 = tpu.memref_squeeze %dma_wait3A_1213 : memref<1x8x64xi32, #tpu.memory_space<vmem>> -> memref<8x64xi32, #tpu.memory_space<vmem>>
        %dma_wait3A_1215 = arith.constant 0 : i32
        %dma_wait3A_1216 = arith.constant 0 : i32
        %dma_wait3A_1217 = tpu.memref_slice %arg4[%add3A, %dma_wait3A_1215, %dma_wait3A_1216] : memref<32x160x64xi32, #tpu.memory_space<hbm>> -> memref<1x160x64xi32, #tpu.memory_space<hbm>>
        %dma_wait3A_1218 = tpu.memref_squeeze %dma_wait3A_1217 : memref<1x160x64xi32, #tpu.memory_space<hbm>> -> memref<160x64xi32, #tpu.memory_space<hbm>>
        %dma_wait3A_1219 = arith.constant 0 : i32
        %dma_wait3A_1220 = arith.constant 0 : i32
        %dma_wait3A_1221 = tpu.memref_slice %dma_wait3A_1218[%dma_wait3A_1219, %dma_wait3A_1220] : memref<160x64xi32, #tpu.memory_space<hbm>> -> memref<8x64xi32, #tpu.memory_space<hbm>>
        tpu.wait_dma2 semaphore(%arg16 : memref<!tpu.dma_semaphore, #tpu.memory_space<semaphore_mem>>) src(%dma_wait3A_1221 : memref<8x64xi32, #tpu.memory_space<hbm>>) dst(%dma_wait3A_1214 : memref<8x64xi32, #tpu.memory_space<vmem>>)
        %dma_start3A_1222 = arith.constant 0 : i32
        %dma_start3A_1223 = arith.constant 0 : i32
        %dma_start3A_1224 = arith.constant 0 : i32
        %dma_start3A_1225 = arith.constant 0 : i32
        %dma_start3A_1226 = tpu.memref_slice %arg10[%dma_start3A_1223, %dma_start3A_1224, %dma_start3A_1225] : memref<4x64x128xf32, #tpu.memory_space<vmem>> -> memref<1x64x128xf32, #tpu.memory_space<vmem>>
        %dma_start3A_1227 = tpu.memref_squeeze %dma_start3A_1226 : memref<1x64x128xf32, #tpu.memory_space<vmem>> -> memref<64x128xf32, #tpu.memory_space<vmem>>
        %dma_start3A_1228 = arith.constant 0 : i32
        %dma_start3A_1229 = arith.constant 0 : i32
        %dma_start3A_1230 = tpu.memref_slice %arg8[%sub3A_542, %dma_start3A_1228, %dma_start3A_1229] : memref<2x8x64xi32, #tpu.memory_space<vmem>> -> memref<1x8x64xi32, #tpu.memory_space<vmem>>
        %dma_start3A_1231 = tpu.memref_squeeze %dma_start3A_1230 : memref<1x8x64xi32, #tpu.memory_space<vmem>> -> memref<8x64xi32, #tpu.memory_space<vmem>>
        %dma_start3A_1232 = arith.constant 0 : i32
        %dma_start3A_1233 = tpu.memref_slice %dma_start3A_1231[%dma_start3A_1222, %dma_start3A_1232] : memref<8x64xi32, #tpu.memory_space<vmem>> -> memref<1x64xi32, #tpu.memory_space<vmem>>
        %dma_start3A_1234 = tpu.memref_squeeze %dma_start3A_1233 : memref<1x64xi32, #tpu.memory_space<vmem>> -> memref<64xi32, #tpu.memory_space<vmem>>
        %dma_start3A_1235 = arith.constant 0 : i32
        %dma_start3A_1236 = arith.constant 0 : i32
        %dma_start3A_1237 = tpu.memref_slice %arg2[%dma_start3A_1235, %dma_start3A_1236] : memref<10000x128xf32, #tpu.memory_space<hbm>> -> memref<10000x128xf32, #tpu.memory_space<hbm>>
        tpu.enqueue_indirect_dma source(%dma_start3A_1237 : memref<10000x128xf32, #tpu.memory_space<hbm>>) target(%dma_start3A_1227 : memref<64x128xf32, #tpu.memory_space<vmem>>) offsets(%dma_start3A_1234 : memref<64xi32, #tpu.memory_space<vmem>>) semaphore(%arg12 : memref<!tpu.dma_semaphore, #tpu.memory_space<semaphore_mem>>)
      } else {
      }
      %dma_start3A_994 = arith.constant 1 : i32
      %dma_start3A_995 = arith.constant 5 : i32
      %dma_start3A_996 = arith.constant 0 : i32
      %dma_start3A_997 = arith.constant 0 : i32
      %dma_start3A_998 = tpu.memref_slice %arg10[%dma_start3A_994, %dma_start3A_996, %dma_start3A_997] : memref<4x64x128xf32, #tpu.memory_space<vmem>> -> memref<1x64x128xf32, #tpu.memory_space<vmem>>
      %dma_start3A_999 = tpu.memref_squeeze %dma_start3A_998 : memref<1x64x128xf32, #tpu.memory_space<vmem>> -> memref<64x128xf32, #tpu.memory_space<vmem>>
      %dma_start3A_1000 = arith.constant 0 : i32
      %dma_start3A_1001 = arith.constant 0 : i32
      %dma_start3A_1002 = tpu.memref_slice %arg9[%rem3A_541, %dma_start3A_1000, %dma_start3A_1001] : memref<2x8x64xi32, #tpu.memory_space<vmem>> -> memref<1x8x64xi32, #tpu.memory_space<vmem>>
      %dma_start3A_1003 = tpu.memref_squeeze %dma_start3A_1002 : memref<1x8x64xi32, #tpu.memory_space<vmem>> -> memref<8x64xi32, #tpu.memory_space<vmem>>
      %dma_start3A_1004 = arith.constant 0 : i32
      %dma_start3A_1005 = tpu.memref_slice %dma_start3A_1003[%dma_start3A_995, %dma_start3A_1004] : memref<8x64xi32, #tpu.memory_space<vmem>> -> memref<1x64xi32, #tpu.memory_space<vmem>>
      %dma_start3A_1006 = tpu.memref_squeeze %dma_start3A_1005 : memref<1x64xi32, #tpu.memory_space<vmem>> -> memref<64xi32, #tpu.memory_space<vmem>>
      %dma_start3A_1007 = arith.constant 0 : i32
      %dma_start3A_1008 = arith.constant 0 : i32
      %dma_start3A_1009 = tpu.memref_slice %arg7[%dma_start3A_1007, %dma_start3A_1008] : memref<10112x128xf32, #tpu.memory_space<vmem_shared>> -> memref<10112x128xf32, #tpu.memory_space<vmem_shared>>
      tpu.enqueue_indirect_dma source(%dma_start3A_999 : memref<64x128xf32, #tpu.memory_space<vmem>>) target(%dma_start3A_1009 : memref<10112x128xf32, #tpu.memory_space<vmem_shared>>) offsets(%dma_start3A_1006 : memref<64xi32, #tpu.memory_space<vmem>>) semaphore(%arg17 : memref<!tpu.dma_semaphore, #tpu.memory_space<semaphore_mem>>) {add = true}
      %get3A_1010 = arith.constant 5 : i32
      %get3A_1011 = arith.index_cast %rem3A_541 : i32 to index
      %get3A_1012 = arith.index_cast %get3A_1010 : i32 to index
      %get3A_1013 = arith.constant 0 : index
      %get3A_1014 = tpu.vector_load %arg9[%get3A_1011, %get3A_1012, %get3A_1013] {strides = array<i32>} : memref<2x8x64xi32, #tpu.memory_space<vmem>>, vector<16xi32>,
      tpu.vector_store_idx %arg11[%get3A_1014], %broadcast_in_dim3A_3 {add = true} : memref<10112xf32, #tpu.memory_space<vmem>>[vector<16xi32>], vector<16xf32>,
      %get3A_1015 = arith.constant 5 : i32
      %get3A_1016 = arith.index_cast %rem3A_541 : i32 to index
      %get3A_1017 = arith.index_cast %get3A_1015 : i32 to index
      %get3A_1018 = arith.constant 16 : index
      %get3A_1019 = tpu.vector_load %arg9[%get3A_1016, %get3A_1017, %get3A_1018] {strides = array<i32>} : memref<2x8x64xi32, #tpu.memory_space<vmem>>, vector<16xi32>,
      tpu.vector_store_idx %arg11[%get3A_1019], %broadcast_in_dim3A_3 {add = true} : memref<10112xf32, #tpu.memory_space<vmem>>[vector<16xi32>], vector<16xf32>,
      %get3A_1020 = arith.constant 5 : i32
      %get3A_1021 = arith.index_cast %rem3A_541 : i32 to index
      %get3A_1022 = arith.index_cast %get3A_1020 : i32 to index
      %get3A_1023 = arith.constant 32 : index
      %get3A_1024 = tpu.vector_load %arg9[%get3A_1021, %get3A_1022, %get3A_1023] {strides = array<i32>} : memref<2x8x64xi32, #tpu.memory_space<vmem>>, vector<16xi32>,
      tpu.vector_store_idx %arg11[%get3A_1024], %broadcast_in_dim3A_3 {add = true} : memref<10112xf32, #tpu.memory_space<vmem>>[vector<16xi32>], vector<16xf32>,
      %get3A_1025 = arith.constant 5 : i32
      %get3A_1026 = arith.index_cast %rem3A_541 : i32 to index
      %get3A_1027 = arith.index_cast %get3A_1025 : i32 to index
      %get3A_1028 = arith.constant 48 : index
      %get3A_1029 = tpu.vector_load %arg9[%get3A_1026, %get3A_1027, %get3A_1028] {strides = array<i32>} : memref<2x8x64xi32, #tpu.memory_space<vmem>>, vector<16xi32>,
      tpu.vector_store_idx %arg11[%get3A_1029], %broadcast_in_dim3A_3 {add = true} : memref<10112xf32, #tpu.memory_space<vmem>>[vector<16xi32>], vector<16xf32>,
      %dma_wait3A_1030 = arith.constant 6 : i32
      %dma_wait3A_1031 = arith.constant 2 : i32
      %dma_wait3A_1032 = arith.constant 0 : i32
      %dma_wait3A_1033 = arith.constant 0 : i32
      %dma_wait3A_1034 = tpu.memref_slice %arg10[%dma_wait3A_1031, %dma_wait3A_1032, %dma_wait3A_1033] : memref<4x64x128xf32, #tpu.memory_space<vmem>> -> memref<1x64x128xf32, #tpu.memory_space<vmem>>
      %dma_wait3A_1035 = tpu.memref_squeeze %dma_wait3A_1034 : memref<1x64x128xf32, #tpu.memory_space<vmem>> -> memref<64x128xf32, #tpu.memory_space<vmem>>
      %dma_wait3A_1036 = arith.constant 0 : i32
      %dma_wait3A_1037 = arith.constant 0 : i32
      %dma_wait3A_1038 = tpu.memref_slice %arg8[%rem3A_541, %dma_wait3A_1036, %dma_wait3A_1037] : memref<2x8x64xi32, #tpu.memory_space<vmem>> -> memref<1x8x64xi32, #tpu.memory_space<vmem>>
      %dma_wait3A_1039 = tpu.memref_squeeze %dma_wait3A_1038 : memref<1x8x64xi32, #tpu.memory_space<vmem>> -> memref<8x64xi32, #tpu.memory_space<vmem>>
      %dma_wait3A_1040 = arith.constant 0 : i32
      %dma_wait3A_1041 = tpu.memref_slice %dma_wait3A_1039[%dma_wait3A_1030, %dma_wait3A_1040] : memref<8x64xi32, #tpu.memory_space<vmem>> -> memref<1x64xi32, #tpu.memory_space<vmem>>
      %dma_wait3A_1042 = tpu.memref_squeeze %dma_wait3A_1041 : memref<1x64xi32, #tpu.memory_space<vmem>> -> memref<64xi32, #tpu.memory_space<vmem>>
      %dma_wait3A_1043 = arith.constant 0 : i32
      %dma_wait3A_1044 = arith.constant 0 : i32
      %dma_wait3A_1045 = tpu.memref_slice %arg2[%dma_wait3A_1043, %dma_wait3A_1044] : memref<10000x128xf32, #tpu.memory_space<hbm>> -> memref<10000x128xf32, #tpu.memory_space<hbm>>
      tpu.wait_indirect_dma semaphore(%arg14 : memref<!tpu.dma_semaphore, #tpu.memory_space<semaphore_mem>>) src(%dma_wait3A_1045 : memref<10000x128xf32, #tpu.memory_space<hbm>>) dst(%dma_wait3A_1035 : memref<64x128xf32, #tpu.memory_space<vmem>>)
      %dma_wait3A_1046 = arith.constant 0 : i32
      %dma_wait3A_1047 = arith.constant 0 : i32
      %dma_wait3A_1048 = arith.constant 0 : i32
      %dma_wait3A_1049 = arith.constant 0 : i32
      %dma_wait3A_1050 = arith.constant 0 : i32
      %dma_wait3A_1051 = tpu.memref_slice %arg10[%dma_wait3A_1046, %dma_wait3A_1049, %dma_wait3A_1050] : memref<4x64x128xf32, #tpu.memory_space<vmem>> -> memref<1x64x128xf32, #tpu.memory_space<vmem>>
      %dma_wait3A_1052 = tpu.memref_squeeze %dma_wait3A_1051 : memref<1x64x128xf32, #tpu.memory_space<vmem>> -> memref<64x128xf32, #tpu.memory_space<vmem>>
      %dma_wait3A_1053 = arith.constant 0 : i32
      %dma_wait3A_1054 = arith.constant 0 : i32
      %dma_wait3A_1055 = tpu.memref_slice %arg9[%dma_wait3A_1047, %dma_wait3A_1053, %dma_wait3A_1054] : memref<2x8x64xi32, #tpu.memory_space<vmem>> -> memref<1x8x64xi32, #tpu.memory_space<vmem>>
      %dma_wait3A_1056 = tpu.memref_squeeze %dma_wait3A_1055 : memref<1x8x64xi32, #tpu.memory_space<vmem>> -> memref<8x64xi32, #tpu.memory_space<vmem>>
      %dma_wait3A_1057 = arith.constant 0 : i32
      %dma_wait3A_1058 = tpu.memref_slice %dma_wait3A_1056[%dma_wait3A_1048, %dma_wait3A_1057] : memref<8x64xi32, #tpu.memory_space<vmem>> -> memref<1x64xi32, #tpu.memory_space<vmem>>
      %dma_wait3A_1059 = tpu.memref_squeeze %dma_wait3A_1058 : memref<1x64xi32, #tpu.memory_space<vmem>> -> memref<64xi32, #tpu.memory_space<vmem>>
      %dma_wait3A_1060 = arith.constant 0 : i32
      %dma_wait3A_1061 = arith.constant 0 : i32
      %dma_wait3A_1062 = tpu.memref_slice %arg7[%dma_wait3A_1060, %dma_wait3A_1061] : memref<10112x128xf32, #tpu.memory_space<vmem_shared>> -> memref<10112x128xf32, #tpu.memory_space<vmem_shared>>
      tpu.wait_indirect_dma semaphore(%arg17 : memref<!tpu.dma_semaphore, #tpu.memory_space<semaphore_mem>>) src(%dma_wait3A_1052 : memref<64x128xf32, #tpu.memory_space<vmem>>) dst(%dma_wait3A_1062 : memref<10112x128xf32, #tpu.memory_space<vmem_shared>>)
      %lt3A_1063 = arith.constant 19 : i32
      %lt3A_1064 = arith.cmpi slt, %add3A_540, %lt3A_1063 : i32
      %convert_element_type3A_1065 = arith.extui %lt3A_1064 : i1 to i32
      %cond3A_1066 = arith.constant 0 : i32
      %cond3A_1067 = arith.cmpi ne, %convert_element_type3A_1065, %cond3A_1066 : i32
      scf.if %cond3A_1067 {
        %dma_start3A_1178 = arith.constant 1 : i32
        %dma_start3A_1179 = arith.constant 1 : i32
        %dma_start3A_1180 = arith.constant 0 : i32
        %dma_start3A_1181 = arith.constant 0 : i32
        %dma_start3A_1182 = tpu.memref_slice %arg10[%dma_start3A_1179, %dma_start3A_1180, %dma_start3A_1181] : memref<4x64x128xf32, #tpu.memory_space<vmem>> -> memref<1x64x128xf32, #tpu.memory_space<vmem>>
        %dma_start3A_1183 = tpu.memref_squeeze %dma_start3A_1182 : memref<1x64x128xf32, #tpu.memory_space<vmem>> -> memref<64x128xf32, #tpu.memory_space<vmem>>
        %dma_start3A_1184 = arith.constant 0 : i32
        %dma_start3A_1185 = arith.constant 0 : i32
        %dma_start3A_1186 = tpu.memref_slice %arg8[%sub3A_542, %dma_start3A_1184, %dma_start3A_1185] : memref<2x8x64xi32, #tpu.memory_space<vmem>> -> memref<1x8x64xi32, #tpu.memory_space<vmem>>
        %dma_start3A_1187 = tpu.memref_squeeze %dma_start3A_1186 : memref<1x8x64xi32, #tpu.memory_space<vmem>> -> memref<8x64xi32, #tpu.memory_space<vmem>>
        %dma_start3A_1188 = arith.constant 0 : i32
        %dma_start3A_1189 = tpu.memref_slice %dma_start3A_1187[%dma_start3A_1178, %dma_start3A_1188] : memref<8x64xi32, #tpu.memory_space<vmem>> -> memref<1x64xi32, #tpu.memory_space<vmem>>
        %dma_start3A_1190 = tpu.memref_squeeze %dma_start3A_1189 : memref<1x64xi32, #tpu.memory_space<vmem>> -> memref<64xi32, #tpu.memory_space<vmem>>
        %dma_start3A_1191 = arith.constant 0 : i32
        %dma_start3A_1192 = arith.constant 0 : i32
        %dma_start3A_1193 = tpu.memref_slice %arg2[%dma_start3A_1191, %dma_start3A_1192] : memref<10000x128xf32, #tpu.memory_space<hbm>> -> memref<10000x128xf32, #tpu.memory_space<hbm>>
        tpu.enqueue_indirect_dma source(%dma_start3A_1193 : memref<10000x128xf32, #tpu.memory_space<hbm>>) target(%dma_start3A_1183 : memref<64x128xf32, #tpu.memory_space<vmem>>) offsets(%dma_start3A_1190 : memref<64xi32, #tpu.memory_space<vmem>>) semaphore(%arg13 : memref<!tpu.dma_semaphore, #tpu.memory_space<semaphore_mem>>)
      } else {
      }
      %dma_start3A_1068 = arith.constant 2 : i32
      %dma_start3A_1069 = arith.constant 6 : i32
      %dma_start3A_1070 = arith.constant 0 : i32
      %dma_start3A_1071 = arith.constant 0 : i32
      %dma_start3A_1072 = tpu.memref_slice %arg10[%dma_start3A_1068, %dma_start3A_1070, %dma_start3A_1071] : memref<4x64x128xf32, #tpu.memory_space<vmem>> -> memref<1x64x128xf32, #tpu.memory_space<vmem>>
      %dma_start3A_1073 = tpu.memref_squeeze %dma_start3A_1072 : memref<1x64x128xf32, #tpu.memory_space<vmem>> -> memref<64x128xf32, #tpu.memory_space<vmem>>
      %dma_start3A_1074 = arith.constant 0 : i32
      %dma_start3A_1075 = arith.constant 0 : i32
      %dma_start3A_1076 = tpu.memref_slice %arg9[%rem3A_541, %dma_start3A_1074, %dma_start3A_1075] : memref<2x8x64xi32, #tpu.memory_space<vmem>> -> memref<1x8x64xi32, #tpu.memory_space<vmem>>
      %dma_start3A_1077 = tpu.memref_squeeze %dma_start3A_1076 : memref<1x8x64xi32, #tpu.memory_space<vmem>> -> memref<8x64xi32, #tpu.memory_space<vmem>>
      %dma_start3A_1078 = arith.constant 0 : i32
      %dma_start3A_1079 = tpu.memref_slice %dma_start3A_1077[%dma_start3A_1069, %dma_start3A_1078] : memref<8x64xi32, #tpu.memory_space<vmem>> -> memref<1x64xi32, #tpu.memory_space<vmem>>
      %dma_start3A_1080 = tpu.memref_squeeze %dma_start3A_1079 : memref<1x64xi32, #tpu.memory_space<vmem>> -> memref<64xi32, #tpu.memory_space<vmem>>
      %dma_start3A_1081 = arith.constant 0 : i32
      %dma_start3A_1082 = arith.constant 0 : i32
      %dma_start3A_1083 = tpu.memref_slice %arg7[%dma_start3A_1081, %dma_start3A_1082] : memref<10112x128xf32, #tpu.memory_space<vmem_shared>> -> memref<10112x128xf32, #tpu.memory_space<vmem_shared>>
      tpu.enqueue_indirect_dma source(%dma_start3A_1073 : memref<64x128xf32, #tpu.memory_space<vmem>>) target(%dma_start3A_1083 : memref<10112x128xf32, #tpu.memory_space<vmem_shared>>) offsets(%dma_start3A_1080 : memref<64xi32, #tpu.memory_space<vmem>>) semaphore(%arg17 : memref<!tpu.dma_semaphore, #tpu.memory_space<semaphore_mem>>) {add = true}
      %get3A_1084 = arith.constant 6 : i32
      %get3A_1085 = arith.index_cast %rem3A_541 : i32 to index
      %get3A_1086 = arith.index_cast %get3A_1084 : i32 to index
      %get3A_1087 = arith.constant 0 : index
      %get3A_1088 = tpu.vector_load %arg9[%get3A_1085, %get3A_1086, %get3A_1087] {strides = array<i32>} : memref<2x8x64xi32, #tpu.memory_space<vmem>>, vector<16xi32>,
      tpu.vector_store_idx %arg11[%get3A_1088], %broadcast_in_dim3A_3 {add = true} : memref<10112xf32, #tpu.memory_space<vmem>>[vector<16xi32>], vector<16xf32>,
      %get3A_1089 = arith.constant 6 : i32
      %get3A_1090 = arith.index_cast %rem3A_541 : i32 to index
      %get3A_1091 = arith.index_cast %get3A_1089 : i32 to index
      %get3A_1092 = arith.constant 16 : index
      %get3A_1093 = tpu.vector_load %arg9[%get3A_1090, %get3A_1091, %get3A_1092] {strides = array<i32>} : memref<2x8x64xi32, #tpu.memory_space<vmem>>, vector<16xi32>,
      tpu.vector_store_idx %arg11[%get3A_1093], %broadcast_in_dim3A_3 {add = true} : memref<10112xf32, #tpu.memory_space<vmem>>[vector<16xi32>], vector<16xf32>,
      %get3A_1094 = arith.constant 6 : i32
      %get3A_1095 = arith.index_cast %rem3A_541 : i32 to index
      %get3A_1096 = arith.index_cast %get3A_1094 : i32 to index
      %get3A_1097 = arith.constant 32 : index
      %get3A_1098 = tpu.vector_load %arg9[%get3A_1095, %get3A_1096, %get3A_1097] {strides = array<i32>} : memref<2x8x64xi32, #tpu.memory_space<vmem>>, vector<16xi32>,
      tpu.vector_store_idx %arg11[%get3A_1098], %broadcast_in_dim3A_3 {add = true} : memref<10112xf32, #tpu.memory_space<vmem>>[vector<16xi32>], vector<16xf32>,
      %get3A_1099 = arith.constant 6 : i32
      %get3A_1100 = arith.index_cast %rem3A_541 : i32 to index
      %get3A_1101 = arith.index_cast %get3A_1099 : i32 to index
      %get3A_1102 = arith.constant 48 : index
      %get3A_1103 = tpu.vector_load %arg9[%get3A_1100, %get3A_1101, %get3A_1102] {strides = array<i32>} : memref<2x8x64xi32, #tpu.memory_space<vmem>>, vector<16xi32>,
      tpu.vector_store_idx %arg11[%get3A_1103], %broadcast_in_dim3A_3 {add = true} : memref<10112xf32, #tpu.memory_space<vmem>>[vector<16xi32>], vector<16xf32>,
      %dma_wait3A_1104 = arith.constant 7 : i32
      %dma_wait3A_1105 = arith.constant 3 : i32
      %dma_wait3A_1106 = arith.constant 0 : i32
      %dma_wait3A_1107 = arith.constant 0 : i32
      %dma_wait3A_1108 = tpu.memref_slice %arg10[%dma_wait3A_1105, %dma_wait3A_1106, %dma_wait3A_1107] : memref<4x64x128xf32, #tpu.memory_space<vmem>> -> memref<1x64x128xf32, #tpu.memory_space<vmem>>
      %dma_wait3A_1109 = tpu.memref_squeeze %dma_wait3A_1108 : memref<1x64x128xf32, #tpu.memory_space<vmem>> -> memref<64x128xf32, #tpu.memory_space<vmem>>
      %dma_wait3A_1110 = arith.constant 0 : i32
      %dma_wait3A_1111 = arith.constant 0 : i32
      %dma_wait3A_1112 = tpu.memref_slice %arg8[%rem3A_541, %dma_wait3A_1110, %dma_wait3A_1111] : memref<2x8x64xi32, #tpu.memory_space<vmem>> -> memref<1x8x64xi32, #tpu.memory_space<vmem>>
      %dma_wait3A_1113 = tpu.memref_squeeze %dma_wait3A_1112 : memref<1x8x64xi32, #tpu.memory_space<vmem>> -> memref<8x64xi32, #tpu.memory_space<vmem>>
      %dma_wait3A_1114 = arith.constant 0 : i32
      %dma_wait3A_1115 = tpu.memref_slice %dma_wait3A_1113[%dma_wait3A_1104, %dma_wait3A_1114] : memref<8x64xi32, #tpu.memory_space<vmem>> -> memref<1x64xi32, #tpu.memory_space<vmem>>
      %dma_wait3A_1116 = tpu.memref_squeeze %dma_wait3A_1115 : memref<1x64xi32, #tpu.memory_space<vmem>> -> memref<64xi32, #tpu.memory_space<vmem>>
      %dma_wait3A_1117 = arith.constant 0 : i32
      %dma_wait3A_1118 = arith.constant 0 : i32
      %dma_wait3A_1119 = tpu.memref_slice %arg2[%dma_wait3A_1117, %dma_wait3A_1118] : memref<10000x128xf32, #tpu.memory_space<hbm>> -> memref<10000x128xf32, #tpu.memory_space<hbm>>
      tpu.wait_indirect_dma semaphore(%arg15 : memref<!tpu.dma_semaphore, #tpu.memory_space<semaphore_mem>>) src(%dma_wait3A_1119 : memref<10000x128xf32, #tpu.memory_space<hbm>>) dst(%dma_wait3A_1109 : memref<64x128xf32, #tpu.memory_space<vmem>>)
      %dma_wait3A_1120 = arith.constant 0 : i32
      %dma_wait3A_1121 = arith.constant 0 : i32
      %dma_wait3A_1122 = arith.constant 0 : i32
      %dma_wait3A_1123 = arith.constant 0 : i32
      %dma_wait3A_1124 = arith.constant 0 : i32
      %dma_wait3A_1125 = tpu.memref_slice %arg10[%dma_wait3A_1120, %dma_wait3A_1123, %dma_wait3A_1124] : memref<4x64x128xf32, #tpu.memory_space<vmem>> -> memref<1x64x128xf32, #tpu.memory_space<vmem>>
      %dma_wait3A_1126 = tpu.memref_squeeze %dma_wait3A_1125 : memref<1x64x128xf32, #tpu.memory_space<vmem>> -> memref<64x128xf32, #tpu.memory_space<vmem>>
      %dma_wait3A_1127 = arith.constant 0 : i32
      %dma_wait3A_1128 = arith.constant 0 : i32
      %dma_wait3A_1129 = tpu.memref_slice %arg9[%dma_wait3A_1121, %dma_wait3A_1127, %dma_wait3A_1128] : memref<2x8x64xi32, #tpu.memory_space<vmem>> -> memref<1x8x64xi32, #tpu.memory_space<vmem>>
      %dma_wait3A_1130 = tpu.memref_squeeze %dma_wait3A_1129 : memref<1x8x64xi32, #tpu.memory_space<vmem>> -> memref<8x64xi32, #tpu.memory_space<vmem>>
      %dma_wait3A_1131 = arith.constant 0 : i32
      %dma_wait3A_1132 = tpu.memref_slice %dma_wait3A_1130[%dma_wait3A_1122, %dma_wait3A_1131] : memref<8x64xi32, #tpu.memory_space<vmem>> -> memref<1x64xi32, #tpu.memory_space<vmem>>
      %dma_wait3A_1133 = tpu.memref_squeeze %dma_wait3A_1132 : memref<1x64xi32, #tpu.memory_space<vmem>> -> memref<64xi32, #tpu.memory_space<vmem>>
      %dma_wait3A_1134 = arith.constant 0 : i32
      %dma_wait3A_1135 = arith.constant 0 : i32
      %dma_wait3A_1136 = tpu.memref_slice %arg7[%dma_wait3A_1134, %dma_wait3A_1135] : memref<10112x128xf32, #tpu.memory_space<vmem_shared>> -> memref<10112x128xf32, #tpu.memory_space<vmem_shared>>
      tpu.wait_indirect_dma semaphore(%arg17 : memref<!tpu.dma_semaphore, #tpu.memory_space<semaphore_mem>>) src(%dma_wait3A_1126 : memref<64x128xf32, #tpu.memory_space<vmem>>) dst(%dma_wait3A_1136 : memref<10112x128xf32, #tpu.memory_space<vmem_shared>>)
      %lt3A_1137 = arith.constant 19 : i32
      %lt3A_1138 = arith.cmpi slt, %add3A_540, %lt3A_1137 : i32
      %convert_element_type3A_1139 = arith.extui %lt3A_1138 : i1 to i32
      %cond3A_1140 = arith.constant 0 : i32
      %cond3A_1141 = arith.cmpi ne, %convert_element_type3A_1139, %cond3A_1140 : i32
      scf.if %cond3A_1141 {
        %dma_start3A_1178 = arith.constant 2 : i32
        %dma_start3A_1179 = arith.constant 2 : i32
        %dma_start3A_1180 = arith.constant 0 : i32
        %dma_start3A_1181 = arith.constant 0 : i32
        %dma_start3A_1182 = tpu.memref_slice %arg10[%dma_start3A_1179, %dma_start3A_1180, %dma_start3A_1181] : memref<4x64x128xf32, #tpu.memory_space<vmem>> -> memref<1x64x128xf32, #tpu.memory_space<vmem>>
        %dma_start3A_1183 = tpu.memref_squeeze %dma_start3A_1182 : memref<1x64x128xf32, #tpu.memory_space<vmem>> -> memref<64x128xf32, #tpu.memory_space<vmem>>
        %dma_start3A_1184 = arith.constant 0 : i32
        %dma_start3A_1185 = arith.constant 0 : i32
        %dma_start3A_1186 = tpu.memref_slice %arg8[%sub3A_542, %dma_start3A_1184, %dma_start3A_1185] : memref<2x8x64xi32, #tpu.memory_space<vmem>> -> memref<1x8x64xi32, #tpu.memory_space<vmem>>
        %dma_start3A_1187 = tpu.memref_squeeze %dma_start3A_1186 : memref<1x8x64xi32, #tpu.memory_space<vmem>> -> memref<8x64xi32, #tpu.memory_space<vmem>>
        %dma_start3A_1188 = arith.constant 0 : i32
        %dma_start3A_1189 = tpu.memref_slice %dma_start3A_1187[%dma_start3A_1178, %dma_start3A_1188] : memref<8x64xi32, #tpu.memory_space<vmem>> -> memref<1x64xi32, #tpu.memory_space<vmem>>
        %dma_start3A_1190 = tpu.memref_squeeze %dma_start3A_1189 : memref<1x64xi32, #tpu.memory_space<vmem>> -> memref<64xi32, #tpu.memory_space<vmem>>
        %dma_start3A_1191 = arith.constant 0 : i32
        %dma_start3A_1192 = arith.constant 0 : i32
        %dma_start3A_1193 = tpu.memref_slice %arg2[%dma_start3A_1191, %dma_start3A_1192] : memref<10000x128xf32, #tpu.memory_space<hbm>> -> memref<10000x128xf32, #tpu.memory_space<hbm>>
        tpu.enqueue_indirect_dma source(%dma_start3A_1193 : memref<10000x128xf32, #tpu.memory_space<hbm>>) target(%dma_start3A_1183 : memref<64x128xf32, #tpu.memory_space<vmem>>) offsets(%dma_start3A_1190 : memref<64xi32, #tpu.memory_space<vmem>>) semaphore(%arg14 : memref<!tpu.dma_semaphore, #tpu.memory_space<semaphore_mem>>)
      } else {
      }
      %dma_start3A_1142 = arith.constant 3 : i32
      %dma_start3A_1143 = arith.constant 7 : i32
      %dma_start3A_1144 = arith.constant 0 : i32
      %dma_start3A_1145 = arith.constant 0 : i32
      %dma_start3A_1146 = tpu.memref_slice %arg10[%dma_start3A_1142, %dma_start3A_1144, %dma_start3A_1145] : memref<4x64x128xf32, #tpu.memory_space<vmem>> -> memref<1x64x128xf32, #tpu.memory_space<vmem>>
      %dma_start3A_1147 = tpu.memref_squeeze %dma_start3A_1146 : memref<1x64x128xf32, #tpu.memory_space<vmem>> -> memref<64x128xf32, #tpu.memory_space<vmem>>
      %dma_start3A_1148 = arith.constant 0 : i32
      %dma_start3A_1149 = arith.constant 0 : i32
      %dma_start3A_1150 = tpu.memref_slice %arg9[%rem3A_541, %dma_start3A_1148, %dma_start3A_1149] : memref<2x8x64xi32, #tpu.memory_space<vmem>> -> memref<1x8x64xi32, #tpu.memory_space<vmem>>
      %dma_start3A_1151 = tpu.memref_squeeze %dma_start3A_1150 : memref<1x8x64xi32, #tpu.memory_space<vmem>> -> memref<8x64xi32, #tpu.memory_space<vmem>>
      %dma_start3A_1152 = arith.constant 0 : i32
      %dma_start3A_1153 = tpu.memref_slice %dma_start3A_1151[%dma_start3A_1143, %dma_start3A_1152] : memref<8x64xi32, #tpu.memory_space<vmem>> -> memref<1x64xi32, #tpu.memory_space<vmem>>
      %dma_start3A_1154 = tpu.memref_squeeze %dma_start3A_1153 : memref<1x64xi32, #tpu.memory_space<vmem>> -> memref<64xi32, #tpu.memory_space<vmem>>
      %dma_start3A_1155 = arith.constant 0 : i32
      %dma_start3A_1156 = arith.constant 0 : i32
      %dma_start3A_1157 = tpu.memref_slice %arg7[%dma_start3A_1155, %dma_start3A_1156] : memref<10112x128xf32, #tpu.memory_space<vmem_shared>> -> memref<10112x128xf32, #tpu.memory_space<vmem_shared>>
      tpu.enqueue_indirect_dma source(%dma_start3A_1147 : memref<64x128xf32, #tpu.memory_space<vmem>>) target(%dma_start3A_1157 : memref<10112x128xf32, #tpu.memory_space<vmem_shared>>) offsets(%dma_start3A_1154 : memref<64xi32, #tpu.memory_space<vmem>>) semaphore(%arg17 : memref<!tpu.dma_semaphore, #tpu.memory_space<semaphore_mem>>) {add = true}
      %get3A_1158 = arith.constant 7 : i32
      %get3A_1159 = arith.index_cast %rem3A_541 : i32 to index
      %get3A_1160 = arith.index_cast %get3A_1158 : i32 to index
      %get3A_1161 = arith.constant 0 : index
      %get3A_1162 = tpu.vector_load %arg9[%get3A_1159, %get3A_1160, %get3A_1161] {strides = array<i32>} : memref<2x8x64xi32, #tpu.memory_space<vmem>>, vector<16xi32>,
      tpu.vector_store_idx %arg11[%get3A_1162], %broadcast_in_dim3A_3 {add = true} : memref<10112xf32, #tpu.memory_space<vmem>>[vector<16xi32>], vector<16xf32>,
      %get3A_1163 = arith.constant 7 : i32
      %get3A_1164 = arith.index_cast %rem3A_541 : i32 to index
      %get3A_1165 = arith.index_cast %get3A_1163 : i32 to index
      %get3A_1166 = arith.constant 16 : index
      %get3A_1167 = tpu.vector_load %arg9[%get3A_1164, %get3A_1165, %get3A_1166] {strides = array<i32>} : memref<2x8x64xi32, #tpu.memory_space<vmem>>, vector<16xi32>,
      tpu.vector_store_idx %arg11[%get3A_1167], %broadcast_in_dim3A_3 {add = true} : memref<10112xf32, #tpu.memory_space<vmem>>[vector<16xi32>], vector<16xf32>,
      %get3A_1168 = arith.constant 7 : i32
      %get3A_1169 = arith.index_cast %rem3A_541 : i32 to index
      %get3A_1170 = arith.index_cast %get3A_1168 : i32 to index
      %get3A_1171 = arith.constant 32 : index
      %get3A_1172 = tpu.vector_load %arg9[%get3A_1169, %get3A_1170, %get3A_1171] {strides = array<i32>} : memref<2x8x64xi32, #tpu.memory_space<vmem>>, vector<16xi32>,
      tpu.vector_store_idx %arg11[%get3A_1172], %broadcast_in_dim3A_3 {add = true} : memref<10112xf32, #tpu.memory_space<vmem>>[vector<16xi32>], vector<16xf32>,
      %get3A_1173 = arith.constant 7 : i32
      %get3A_1174 = arith.index_cast %rem3A_541 : i32 to index
      %get3A_1175 = arith.index_cast %get3A_1173 : i32 to index
      %get3A_1176 = arith.constant 48 : index
      %get3A_1177 = tpu.vector_load %arg9[%get3A_1174, %get3A_1175, %get3A_1176] {strides = array<i32>} : memref<2x8x64xi32, #tpu.memory_space<vmem>>, vector<16xi32>,
      tpu.vector_store_idx %arg11[%get3A_1177], %broadcast_in_dim3A_3 {add = true} : memref<10112xf32, #tpu.memory_space<vmem>>[vector<16xi32>], vector<16xf32>,
    }
    %scan3A_489 = arith.constant 20 : i32
    %dma_wait3A_490 = arith.constant 0 : i32
    %dma_wait3A_491 = arith.constant 0 : i32
    %dma_wait3A_492 = arith.constant 0 : i32
    %dma_wait3A_493 = arith.constant 0 : i32
    %dma_wait3A_494 = arith.constant 0 : i32
    %dma_wait3A_495 = tpu.memref_slice %arg10[%dma_wait3A_490, %dma_wait3A_493, %dma_wait3A_494] : memref<4x64x128xf32, #tpu.memory_space<vmem>> -> memref<1x64x128xf32, #tpu.memory_space<vmem>>
    %dma_wait3A_496 = tpu.memref_squeeze %dma_wait3A_495 : memref<1x64x128xf32, #tpu.memory_space<vmem>> -> memref<64x128xf32, #tpu.memory_space<vmem>>
    %dma_wait3A_497 = arith.constant 0 : i32
    %dma_wait3A_498 = arith.constant 0 : i32
    %dma_wait3A_499 = tpu.memref_slice %arg9[%dma_wait3A_491, %dma_wait3A_497, %dma_wait3A_498] : memref<2x8x64xi32, #tpu.memory_space<vmem>> -> memref<1x8x64xi32, #tpu.memory_space<vmem>>
    %dma_wait3A_500 = tpu.memref_squeeze %dma_wait3A_499 : memref<1x8x64xi32, #tpu.memory_space<vmem>> -> memref<8x64xi32, #tpu.memory_space<vmem>>
    %dma_wait3A_501 = arith.constant 0 : i32
    %dma_wait3A_502 = tpu.memref_slice %dma_wait3A_500[%dma_wait3A_492, %dma_wait3A_501] : memref<8x64xi32, #tpu.memory_space<vmem>> -> memref<1x64xi32, #tpu.memory_space<vmem>>
    %dma_wait3A_503 = tpu.memref_squeeze %dma_wait3A_502 : memref<1x64xi32, #tpu.memory_space<vmem>> -> memref<64xi32, #tpu.memory_space<vmem>>
    %dma_wait3A_504 = arith.constant 0 : i32
    %dma_wait3A_505 = arith.constant 0 : i32
    %dma_wait3A_506 = tpu.memref_slice %arg7[%dma_wait3A_504, %dma_wait3A_505] : memref<10112x128xf32, #tpu.memory_space<vmem_shared>> -> memref<10112x128xf32, #tpu.memory_space<vmem_shared>>
    tpu.wait_indirect_dma semaphore(%arg17 : memref<!tpu.dma_semaphore, #tpu.memory_space<semaphore_mem>>) src(%dma_wait3A_496 : memref<64x128xf32, #tpu.memory_space<vmem>>) dst(%dma_wait3A_506 : memref<10112x128xf32, #tpu.memory_space<vmem_shared>>)
    %barrier3A_507 = arith.constant 0 : index
    tpu.barrier barrier_id(%barrier3A_507)
    %dma_start3A_508 = arith.constant 0 : i32
    %dma_start3A_509 = arith.constant 0 : i32
    %dma_start3A_510 = tpu.memref_slice %arg5[%arg0, %dma_start3A_508, %dma_start3A_509] : memref<2x10112x128xf32, #tpu.memory_space<hbm>> -> memref<1x10112x128xf32, #tpu.memory_space<hbm>>
    %dma_start3A_511 = tpu.memref_squeeze %dma_start3A_510 : memref<1x10112x128xf32, #tpu.memory_space<hbm>> -> memref<10112x128xf32, #tpu.memory_space<hbm>>
    %dma_start3A_512 = arith.constant 0 : i32
    %dma_start3A_513 = tpu.memref_slice %dma_start3A_511[%mul3A_65, %dma_start3A_512] : memref<10112x128xf32, #tpu.memory_space<hbm>> -> memref<632x128xf32, #tpu.memory_space<hbm>>
    %dma_start3A_514 = arith.constant 0 : i32
    %dma_start3A_515 = tpu.memref_slice %arg7[%mul3A_65, %dma_start3A_514] : memref<10112x128xf32, #tpu.memory_space<vmem_shared>> -> memref<632x128xf32, #tpu.memory_space<vmem_shared>>
    tpu.enqueue_dma source(%dma_start3A_515 : memref<632x128xf32, #tpu.memory_space<vmem_shared>>) target(%dma_start3A_513 : memref<632x128xf32, #tpu.memory_space<hbm>>) target_semaphore(%arg17 : memref<!tpu.dma_semaphore, #tpu.memory_space<semaphore_mem>>)
    %dma_start3A_516 = arith.constant 0 : i32
    %dma_start3A_517 = tpu.memref_slice %arg6[%add3A, %dma_start3A_516] : memref<32x10112xf32, #tpu.memory_space<hbm>> -> memref<1x10112xf32, #tpu.memory_space<hbm>>
    %dma_start3A_518 = tpu.memref_squeeze %dma_start3A_517 : memref<1x10112xf32, #tpu.memory_space<hbm>> -> memref<10112xf32, #tpu.memory_space<hbm>>
    %dma_start3A_519 = arith.constant 0 : i32
    %dma_start3A_520 = tpu.memref_slice %arg6[%add3A, %dma_start3A_519] : memref<32x10112xf32, #tpu.memory_space<hbm>> -> memref<1x10112xf32, #tpu.memory_space<hbm>>
    %dma_start3A_521 = tpu.memref_squeeze %dma_start3A_520 : memref<1x10112xf32, #tpu.memory_space<hbm>> -> memref<10112xf32, #tpu.memory_space<hbm>>
    tpu.enqueue_dma source(%arg11 : memref<10112xf32, #tpu.memory_space<vmem>>) target(%dma_start3A_521 : memref<10112xf32, #tpu.memory_space<hbm>>) target_semaphore(%arg12 : memref<!tpu.dma_semaphore, #tpu.memory_space<semaphore_mem>>)
    %dma_wait3A_522 = arith.constant 0 : i32
    %dma_wait3A_523 = arith.constant 0 : i32
    %dma_wait3A_524 = tpu.memref_slice %arg5[%arg0, %dma_wait3A_522, %dma_wait3A_523] : memref<2x10112x128xf32, #tpu.memory_space<hbm>> -> memref<1x10112x128xf32, #tpu.memory_space<hbm>>
    %dma_wait3A_525 = tpu.memref_squeeze %dma_wait3A_524 : memref<1x10112x128xf32, #tpu.memory_space<hbm>> -> memref<10112x128xf32, #tpu.memory_space<hbm>>
    %dma_wait3A_526 = arith.constant 0 : i32
    %dma_wait3A_527 = tpu.memref_slice %dma_wait3A_525[%mul3A_65, %dma_wait3A_526] : memref<10112x128xf32, #tpu.memory_space<hbm>> -> memref<632x128xf32, #tpu.memory_space<hbm>>
    %dma_wait3A_528 = arith.constant 0 : i32
    %dma_wait3A_529 = tpu.memref_slice %arg7[%mul3A_65, %dma_wait3A_528] : memref<10112x128xf32, #tpu.memory_space<vmem_shared>> -> memref<632x128xf32, #tpu.memory_space<vmem_shared>>
    tpu.wait_dma2 semaphore(%arg17 : memref<!tpu.dma_semaphore, #tpu.memory_space<semaphore_mem>>) src(%dma_wait3A_529 : memref<632x128xf32, #tpu.memory_space<vmem_shared>>) dst(%dma_wait3A_527 : memref<632x128xf32, #tpu.memory_space<hbm>>)
    %dma_wait3A_530 = arith.constant 0 : i32
    %dma_wait3A_531 = tpu.memref_slice %arg6[%add3A, %dma_wait3A_530] : memref<32x10112xf32, #tpu.memory_space<hbm>> -> memref<1x10112xf32, #tpu.memory_space<hbm>>
    %dma_wait3A_532 = tpu.memref_squeeze %dma_wait3A_531 : memref<1x10112xf32, #tpu.memory_space<hbm>> -> memref<10112xf32, #tpu.memory_space<hbm>>
    %dma_wait3A_533 = arith.constant 0 : i32
    %dma_wait3A_534 = tpu.memref_slice %arg6[%add3A, %dma_wait3A_533] : memref<32x10112xf32, #tpu.memory_space<hbm>> -> memref<1x10112xf32, #tpu.memory_space<hbm>>
    %dma_wait3A_535 = tpu.memref_squeeze %dma_wait3A_534 : memref<1x10112xf32, #tpu.memory_space<hbm>> -> memref<10112xf32, #tpu.memory_space<hbm>>
    tpu.wait_dma2 semaphore(%arg12 : memref<!tpu.dma_semaphore, #tpu.memory_space<semaphore_mem>>) src(%arg11 : memref<10112xf32, #tpu.memory_space<vmem>>) dst(%dma_wait3A_535 : memref<10112xf32, #tpu.memory_space<hbm>>)
    return
  }
}

module attributes {stable_mosaic.version = 14 : i64} {
  func.func @_tc_finish_body(%arg0: i32, %arg1: memref<2x2048x128xf32, #tpu.memory_space<vmem>>, %arg2: memref<32x2048xf32, #tpu.memory_space<vmem>>, %arg3: memref<128x128xf32, #tpu.memory_space<vmem>>, %arg4: memref<1x128xf32, #tpu.memory_space<vmem>>, %arg5: memref<2048x128xf32, #tpu.memory_space<vmem>>) attributes {dimension_semantics = [#tpu.dimension_semantics<arbitrary>], iteration_bounds = array<i64: 5>, scalar_prefetch = 0 : i64, scratch_operands = 0 : i64, tpu.core_type = #tpu.core_type<tc>, window_params = [{transform_indices = @transform_0, window_bounds = array<i64: 2, 2048, 128>}, {transform_indices = @transform_1, window_bounds = array<i64: 32, 2048>}, {pipeline_mode = #tpu.pipeline_mode<synchronous>, transform_indices = @transform_2, window_bounds = array<i64: 128, 128>}, {pipeline_mode = #tpu.pipeline_mode<synchronous>, transform_indices = @transform_3, window_bounds = array<i64: 1, 128>}, {transform_indices = @transform_4, window_bounds = array<i64: 2048, 128>}]} {
    %get3A = arith.constant 0 : index
    %get3A_0 = arith.constant 0 : index
    %get3A_1 = arith.constant 0 : index
    %get3A_2 = vector.load %arg1[%get3A, %get3A_0, %get3A_1] : memref<2x2048x128xf32, #tpu.memory_space<vmem>>, vector<1x2048x128xf32>
    %get3A_3 = vector.shape_cast %get3A_2 : vector<1x2048x128xf32> to vector<2048x128xf32>
    %get3A_4 = arith.constant 1 : index
    %get3A_5 = arith.constant 0 : index
    %get3A_6 = arith.constant 0 : index
    %get3A_7 = vector.load %arg1[%get3A_4, %get3A_5, %get3A_6] : memref<2x2048x128xf32, #tpu.memory_space<vmem>>, vector<1x2048x128xf32>
    %get3A_8 = vector.shape_cast %get3A_7 : vector<1x2048x128xf32> to vector<2048x128xf32>
    %add3A = arith.addf %get3A_3, %get3A_8 : vector<2048x128xf32>
    %get3A_9 = arith.constant 0 : index
    %get3A_10 = arith.constant 0 : index
    %get3A_11 = vector.load %arg2[%get3A_9, %get3A_10] : memref<32x2048xf32, #tpu.memory_space<vmem>>, vector<32x2048xf32>
    %reduce_sum3A = arith.constant dense<0.000000e+00> : vector<2048xf32>
    %reduce_sum3A_12 = vector.multi_reduction <add>, %get3A_11, %reduce_sum3A [0] : vector<32x2048xf32> to vector<2048xf32>
    %max3A = arith.constant 1.000000e+00 : f32
    %max3A_13 = vector.broadcast %max3A : f32 to vector<2048xf32>
    %max3A_14 = arith.maximumf %reduce_sum3A_12, %max3A_13 : vector<2048xf32>
    %broadcast_in_dim3A = vector.shape_cast %max3A_14 : vector<2048xf32> to vector<2048x1xf32>
    %div3A = vector.broadcast %broadcast_in_dim3A : vector<2048x1xf32> to vector<2048x128xf32>
    %div3A_15 = arith.divf %add3A, %div3A : vector<2048x128xf32>
    %get3A_16 = arith.constant 0 : index
    %get3A_17 = arith.constant 0 : index
    %get3A_18 = vector.load %arg3[%get3A_16, %get3A_17] : memref<128x128xf32, #tpu.memory_space<vmem>>, vector<128x128xf32>
    %dot_general3A = arith.constant dense<0.000000e+00> : vector<2048x128xf32>
    %dot_general3A_19 = tpu.matmul %div3A_15, %get3A_18, %dot_general3A {dimension_numbers = #tpu.dot_dimension_numbers<[1], [0], [0], [1], [0, 0, 1, 1], [], []>, transpose_lhs_hint = false} : vector<2048x128xf32>, vector<128x128xf32>, vector<2048x128xf32> -> vector<2048x128xf32>
    %get3A_20 = arith.constant 0 : index
    %get3A_21 = arith.constant 0 : index
    %get3A_22 = vector.load %arg4[%get3A_20, %get3A_21] : memref<1x128xf32, #tpu.memory_space<vmem>>, vector<1x128xf32>
    %add3A_23 = vector.broadcast %get3A_22 : vector<1x128xf32> to vector<2048x128xf32>
    %add3A_24 = arith.addf %dot_general3A_19, %add3A_23 : vector<2048x128xf32>
    %swap3A = arith.constant 0 : index
    %swap3A_25 = arith.constant 0 : index
    %swap3A_26 = vector.load %arg5[%swap3A, %swap3A_25] : memref<2048x128xf32, #tpu.memory_space<vmem>>, vector<2048x128xf32>
    tpu.vector_store %arg5[%swap3A, %swap3A_25], %add3A_24 {strides = array<i32>} : memref<2048x128xf32, #tpu.memory_space<vmem>>, vector<2048x128xf32>,
    return
  }
  func.func @transform_0(%arg0: i32) -> (i32, i32, i32) {
    %c0_i32 = arith.constant 0 : i32
    %c0_i32_0 = arith.constant 0 : i32
    %c0_i32_1 = arith.constant 0 : i32
    return %c0_i32, %arg0, %c0_i32_0 : i32, i32, i32
  }
  func.func @transform_1(%arg0: i32) -> (i32, i32) {
    %c0_i32 = arith.constant 0 : i32
    %c0_i32_0 = arith.constant 0 : i32
    return %c0_i32, %arg0 : i32, i32
  }
  func.func @transform_2(%arg0: i32) -> (i32, i32) {
    %c0_i32 = arith.constant 0 : i32
    %c0_i32_0 = arith.constant 0 : i32
    %c0_i32_1 = arith.constant 0 : i32
    return %c0_i32, %c0_i32_0 : i32, i32
  }
  func.func @transform_3(%arg0: i32) -> (i32, i32) {
    %c0_i32 = arith.constant 0 : i32
    %c0_i32_0 = arith.constant 0 : i32
    %c0_i32_1 = arith.constant 0 : i32
    return %c0_i32, %c0_i32_0 : i32, i32
  }
  func.func @transform_4(%arg0: i32) -> (i32, i32) {
    %c0_i32 = arith.constant 0 : i32
    %c0_i32_0 = arith.constant 0 : i32
    return %arg0, %c0_i32 : i32, i32
  }
}

</mosaic_0001>

<sc_bundles>
// kernel: kernel.4.cloned.1.call-start
scs
__scs_entry_jumppad:
0x0: {  	(pc) =	sbr.rel $0x88, $3  }
0x1: {  	(tag) =	ssettag $0x0;
	lr =	simm.s32 $0x1  }
0x2: {  	[smem:$0x3F9C] =	sst lr;
	_ =	strace $0xD0000000  }
0x3: {  	_ = 	snop  }
0x4: {  	_ = 	snop  }
0x5: {  	_ = 	snop  }
0x6: {  	_ = 	snop  }
0x7: {  	_ = 	snop  }
__scs_overlays_trampoline_lowered:
0x8: {  	[smem:$0x3FAB] =	sst s0  }
0x9: {  	[smem:$0x3FAC] =	sst s1  }
0xa: {  	[smem:$0x3FAD] =	sst s2  }
0xb: {  	[smem:$0x3FAE] =	sst s3  }
0xc: {  	[smem:$0x3FAF] =	sst s4  }
0xd: {  	[smem:$0x3FB0] =	sst s5  }
0xe: {  	[smem:$0x3FB1] =	sst s6  }
0xf: {  	[smem:$0x3FB2] =	sst s7  }
0x10: {  	[smem:$0x3FB3] =	sst s8  }
0x11: {  	[smem:$0x3FB4] =	sst s9;
	s0 =	simm.s32 @!p0 $0x0  }
0x12: {  	s1 =	sld [smem:$0x3F9A];
	s0 =	simm.s32 @p0 $0x1  }
0x13: {  	[smem:$0x3FB5] =	sst s0;
	s0 =	simm.s32 @!p1 $0x0  }
0x14: {  	s2 =	sld [smem:$0x3F99];
	s0 =	simm.s32 @p1 $0x1  }
0x15: {  	[smem:$0x3FB6] =	sst s0;
	s0 =	simm.s32 @!p2 $0x0  }
0x16: {  	s3 =	sld [smem:$0x3FDB];
	s0 =	simm.s32 @p2 $0x1  }
0x17: {  	s4 =	simm.s32 $0x1BF5;
	[smem:$0x3FB8] =	sst s0  }
0x18: {  	s0 =	sld [smem:$0x3F9B];
	_ =	swait.ge [sflag:s4], $0x0  }
0x19: {  	s7 =	sld [smem:$0x3F9C]  }
0x1a: {  	s8 =	sadd.s32 $0xFFFFE003, lr  }
0x1b: {  	s9 =	sadd.s32 $0xFFFFFEF7, lr;
	s5 =	simm.s32 $0xFFFFFFFF;
	p2 =	slt.u32 s8, $0xFFFFF086  }
0x1c: {  	p1 =	slt.u32 s9, $0xF7A;
	s5 =	simm.s32 @!p2 $0x0  }
0x1d: {  	s5 =	simm.s32 @p1 $0x1;
	p0 =	seq.s32 s7, s2  }
0x1e: {  	s7 =	smul.u32 @!p0 $0xF7A, s2;
	p2 =	seq.s32 @!p0 s5, $0x0  }
0x1f: {  	s9 =	smul.u32 $0xF7A, s1;
	s8 =	simm.s32 @!p0 $0x1BF5;
	p2 =	por !p2, p0  }
0x20: {  	[sflag:s8] =	ssyncset.s32 @!p0 $0xFFFFF086;
	s6 =	sadd.s32 @!p0 s3, s7;
	s7 =	simm.s32 @!p0 $0x108  }
0x21: {  	s3 =	sadd.s32 s3, s9;
	s6 =	sadd.s32 @!p0 $0x88, s6;
	s7 =	simm.s32 @p2 $0x1082  }
0x22: {  	[simem:s7], [sflag:s8] =	dma.local @!p0 [hbm:s6], $0xF7A  }
0x23: {  	s9 =	sor.u32 $0xD0000000, s2;
	s6 =	simm.s32 $0x108;
	_ =	swait.ge @!p0 [sflag:s8], $0x0  }
0x24: {  	s3 =	sadd.s32 $0x88, s3;
	s6 =	simm.s32 @!p1 $0x1082;
	[sflag:s4] =	ssyncset.s32 $0xFFFFF086  }
0x25: {  	[simem:s6], [sflag:s4] =	dma.local [hbm:s3], $0xF7A  }
0x26: {  	[smem:$0x3F9C] =	sst s1;
	(tag) =	ssettag s2;
	_ =	strace s9  }
0x27: {  	s1 =	sld [smem:$0x3FAC]  }
0x28: {  	s2 =	sld [smem:$0x3FAD]  }
0x29: {  	s4 =	sld [smem:$0x3FAF]  }
0x2a: {  	p0 =	seq.s32 s5, $0x0;
	s5 =	sld [smem:$0x3FB0]  }
0x2b: {  	s6 =	sld [smem:$0x3FB1]  }
0x2c: {  	s7 =	sld [smem:$0x3FB2]  }
0x2d: {  	s3 =	simm.s32 $0x108;
	s8 =	sld [smem:$0x3FB3]  }
0x2e: {  	s3 =	simm.s32 @!p0 $0x1082;
	s9 =	sld [smem:$0x3FB4]  }
0x2f: {  	lr =	sadd.s32 s0, s3;
	s0 =	sld [smem:$0x3FAB]  }
0x30: {  	s3 =	sld [smem:$0x3FAE]  }
0x31: {  	[smem:$0x3FB7] =	sst s10  }
0x32: {  	s10 =	sld [smem:$0x3FB5];
	_ =	sdelay $0x3  }
0x33: {  	p0 =	seq.s32 s10, $0x1;
	s10 =	sld [smem:$0x3FB7];
	_ =	sdelay $0x3  }
0x34: {  	[smem:$0x3FB7] =	sst s10  }
0x35: {  	s10 =	sld [smem:$0x3FB6];
	_ =	sdelay $0x3  }
0x36: {  	p1 =	seq.s32 s10, $0x1;
	s10 =	sld [smem:$0x3FB7];
	_ =	sdelay $0x3  }
0x37: {  	[smem:$0x3FB7] =	sst s10  }
0x38: {  	s10 =	sld [smem:$0x3FB8]  }
0x39: {  	_ = 	snop;
	(pc) =	sbr.ind lr, $3  }
0x3a: {  	_ = 	snop  }
0x3b: {  	_ = 	snop  }
0x3c: {  	p2 =	seq.s32 s10, $0x1;
	s10 =	sld [smem:$0x3FB7]  }
0x3d: {  	_ =	shalt  }
0x3e: {  	_ =	shalt  }
0x3f: {  	_ =	shalt  }
0x40: {  	_ =	shalt  }
0x41: {  	_ =	shalt  }
0x42: {  	_ =	shalt  }
0x43: {  	_ =	shalt  }
0x44: {  	_ =	shalt  }
0x45: {  	_ =	shalt  }
0x46: {  	_ =	shalt  }
0x47: {  	_ =	shalt  }
0x48: {  	_ =	shalt  }
0x49: {  	_ =	shalt  }
0x4a: {  	_ =	shalt  }
0x4b: {  	_ =	shalt  }
0x4c: {  	_ =	shalt  }
0x4d: {  	_ =	shalt  }
0x4e: {  	_ =	shalt  }
0x4f: {  	_ =	shalt  }
0x50: {  	_ =	shalt  }
0x51: {  	_ =	shalt  }
0x52: {  	_ =	shalt  }
0x53: {  	_ =	shalt  }
0x54: {  	_ =	shalt  }
0x55: {  	_ =	shalt  }
0x56: {  	_ =	shalt  }
0x57: {  	_ =	shalt  }
0x58: {  	_ =	shalt  }
0x59: {  	_ =	shalt  }
0x5a: {  	_ =	shalt  }
0x5b: {  	_ =	shalt  }
0x5c: {  	_ =	shalt  }
0x5d: {  	_ =	shalt  }
0x5e: {  	_ =	shalt  }
0x5f: {  	_ =	shalt  }
0x60: {  	_ =	shalt  }
0x61: {  	_ =	shalt  }
0x62: {  	_ =	shalt  }
0x63: {  	_ =	shalt  }
0x64: {  	_ =	shalt  }
0x65: {  	_ =	shalt  }
0x66: {  	_ =	shalt  }
0x67: {  	_ =	shalt  }
0x68: {  	_ =	shalt  }
0x69: {  	_ =	shalt  }
0x6a: {  	_ =	shalt  }
0x6b: {  	_ =	shalt  }
0x6c: {  	_ =	shalt  }
0x6d: {  	_ =	shalt  }
0x6e: {  	_ =	shalt  }
0x6f: {  	_ =	shalt  }
0x70: {  	_ =	shalt  }
0x71: {  	_ =	shalt  }
0x72: {  	_ =	shalt  }
0x73: {  	_ =	shalt  }
0x74: {  	_ =	shalt  }
0x75: {  	_ =	shalt  }
0x76: {  	_ =	shalt  }
0x77: {  	_ =	shalt  }
0x78: {  	_ =	shalt  }
0x79: {  	_ =	shalt  }
0x7a: {  	_ =	shalt  }
0x7b: {  	_ =	shalt  }
0x7c: {  	_ =	shalt  }
0x7d: {  	_ =	shalt  }
0x7e: {  	_ =	shalt  }
0x7f: {  	_ =	shalt  }
0x80: {  	_ =	shalt  }
0x81: {  	_ =	shalt  }
0x82: {  	_ =	shalt  }
0x83: {  	_ =	shalt  }
0x84: {  	_ =	shalt  }
0x85: {  	_ =	shalt  }
0x86: {  	_ =	shalt  }
0x87: {  	_ =	shalt  }
.Lfunc_end0:
.L_simem_size_0:
called_computation_lowered:
.L_overlay_start_0:
0x88: {  	s2 =	sld [smem:$0x3FD9]  }
0x89: {  	s3 =	sld [smem:$0x3FFE];
	_ =	sdelay $0x1  }
0x8a: {  	s1 =	srdreg.scid  }
0x8b: {  	s0 =	sand.u32 $0x1, s1  }
0x8c: {  	s17 =	sshll.u32 s0, $0xA;
	s2 =	sadd.s32 s3, s2  }
0x8d: {  	s2 =	sadd.s32 s2, s17  }
0x8e: {  	[smem:$0x3FC3] =	sst s2  }
0x8f: {  	_ = 	snop  }
0x90: {  	s2 =	sld [smem:$0x3FC9]  }
0x91: {  	s18 =	sld [smem:$0x3FD0];
	(tm) =	ssettm $0x1  }
0x92: {  	s4 =	sld [smem:$0x3FFB];
	_ =	sdelay $0x3  }
0x93: {  	_ =	strace s4  }
0x94: {  	s4 =	sld [smem:$0x3FFC];
	_ =	sdelay $0x3  }
0x95: {  	_ =	strace s4  }
0x96: {  	s4 =	sld [smem:$0x3FFD];
	_ =	sdelay $0x3  }
0x97: {  	_ =	strace s4  }
0x98: {  	_ =	strace $0x8FFFFFFF  }
0x99: {  	s19 =	sld [smem:$0x3FDB];
	_ =	sdelay $0x1  }
0x9a: {  	s5 =	simm.s32 $_scs_section_size  }
0x9b: {  	s6 =	simm.s32 $_size__tile_overlayer_lowered;
	s7 =	simm.s32 $_tile_overlayer_lowered  }
0x9c: {  	s22 =	simm.s32 $0x1BFF;
	s21 =	sshll.u32 s7, $0x1;
	s4 =	sadd.s32 s5, s19  }
0x9d: {  	s8 =	simm.s32 $0x0;
	s20 =	sshll.u32 s6, $0x1;
	s6 =	sadd.s32 s21, s4  }
0x9e: {  	[timem:s8], [sflag:s22] =	dma.local [hbm:s6], s20  }
0x9f: {  	_ =	swait.ge [sflag:s22], s20  }
0xa0: {  	s5 =	ssub.s32 $0x0, s20;
	[sflag:s22] =	ssyncset.done $0x0  }
0xa1: {  	[sflag:s22] =	ssyncadd.s32 s5;
	_ =	sdelay $0x1  }
0xa2: {  	s23 =	simm.s32 $0x1B8B  }
0xa3: {  	_ =	swait.ge [sflag:s23], $0x1  }
0xa4: {  	[sflag:s23] =	ssyncset.done $0x0  }
0xa5: {  	s25 =	simm.s32 $0x1B8E;
	s24 =	sld [smem:$0x3FFE];
	[sflag:s23] =	ssyncadd.s32 $0xFFFFFFFF  }
0xa6: {  	s26 =	simm.s32 $execute0_lowered;
	[smem:$0x3FD2] =	sst s25  }
0xa7: {  	s6 =	sshll.u32 s26, $0x1;
	_ =	strace $0x80000046;
	[dreg:$0x1] =	wrdreg $0xFFFFFFFF  }
0xa8: {  	s28 =	simm.s32 $_size_execute0_lowered;
	s4 =	sadd.s32 s4, s6;
	[dreg:$0x0] =	wrdreg $0x0  }
0xa9: {  	s6 =	sshll.u32 s28, $0x1;
	[dreg:$0x2] =	wrdreg s4  }
0xaa: {  	[dreg:$0x3] =	wrdreg s6  }
0xab: {  	[dreg:$0x4] =	wrdreg $0xC0  }
0xac: {  	_ =	task [dreg:s8], $0x5FFFF  }
0xad: {  	[dreg:$0x1] =	wrdreg $0xFFFFFFFF  }
0xae: {  	[dreg:$0x0] =	wrdreg $0x60  }
0xaf: {  	[dreg:$0x2] =	wrdreg s2  }
0xb0: {  	[dreg:$0x3] =	wrdreg s18  }
0xb1: {  	[dreg:$0x4] =	wrdreg s24  }
0xb2: {  	[dreg:$0x5] =	wrdreg $0x0  }
0xb3: {  	[dreg:$0x6] =	wrdreg $0x9  }
0xb4: {  	_ =	task.clear_ibuf [dreg:s8], $0x7FFFF;
	_ =	strace $0x90000046  }
0xb5: {  	s29 =	simm.s32 $0x9;
	_ =	strace $0x80000048  }
0xb6: {  	_ =	swait.ge [sflag:s29], $0x1  }
0xb7: {  	[sflag:s29] =	ssyncadd.s32 $0xFFFFFFFF  }
0xb8: {  	_ =	strace $0x90000048  }
0xb9: {  	_ =	sfence  }
0xba: {  	s30 =	sld [smem:$0x0];
	_ =	sdelay $0x2  }
0xbb: {  	s31 =	sshll.u32 s1, $0xD;
	s1 =	sshrl.u32 s1, $0x2  }
0xbc: {  	s3 =	sand.u32 $0x4000, s31;
	s1 =	sadd.s32 s1, s30  }
0xbd: {  	s0 =	sor.u32 s3, s0;
	s1 =	sshll.u32 s1, $0x11  }
0xbe: {  	s0 =	sor.u32 s1, s0  }
0xbf: {  	s0 =	sadd.s32 $0x8F2B, s0  }
0xc0: {  	[sflag:s0] =	ssyncadd.remote.s32 $0x1  }
0xc1: {  	_ =	sfence.sel $0xFFFF  }
0xc2: {  	[dreg:$0x0] =	wrdreg $0xFFFFFFFF;
	(pc) =	sbr.abs _section_cstart, $3  }
0xc3: {  	[dreg:$0x1] =	wrdreg $0xFFFFFFFF  }
0xc4: {  	_ =	task.clear_ibuf [dreg:s8], $0x2FFFF;
	_ =	strace $0x9FFFFFFF  }
0xc5: {  	(tm) =	ssettm $0x7FFFFFFF  }
tec
execute0_lowered:
.L_overlay_start_1:
0x0: {  	(tag) =	ssettag $0x1  }
0x1: {  	s0 =	rddreg [dreg:$0x0]  }
0x2: {  	s2 =	rddreg [dreg:$0x1]  }
0x3: {  	s1 =	srdreg.scid;
	s4 =	rddreg [dreg:$0x2]  }
0x4: {  	s12 =	stileid.u32;
	s3 =	rddreg [dreg:$0x3];
	s1 =	sand.u32 $0x1, s1  }
0x5: {  	s7 =	simm.s32 $0x0;
	s28 =	simm.s32 $0x16C00;
	s5 =	sshll.u32 s1, $0x4  }
0x6: {  	s30 =	simm.s32 $0x18C00;
	s10 =	smul.u32 $0x4F000, s12;
	s5 =	sor.u32 s12, s5  }
0x7: {  	s31 =	simm.s32 $0x1AC00;
	s6 =	smul.u32 $0xA00, s5;
	s5 =	sshrl.u32 s5, $0x3  }
0x8: {  	s29 =	simm.s32 $0x2;
	s8 =	sshll.u32 s12, $0x7;
	s5 =	smul.u32 $0x13C00, s5  }
0x9: {  	[smem:$0x7FF] =	sst s7;
	s14 =	smul.u32 $0x27800, s1;
	s8 =	sand.u32 $0x380, s8  }
0xa: {  	s26 =	smul.u32 $0x2780, s12;
	s1 =	ssub.s32 $0x2, s1;
	s5 =	sor.u32 s8, s5  }
0xb: {  	s16 =	sshrl.u32 s10, $0x2;
	s11 =	sadd.s32 s14, s4;
	s5 =	sshrl.u32 s5, $0x3  }
0xc: {  	s9 =	sadd.s32 s6, s4;
	s4 =	sadd.s32 s5, s4;
	s5 =	sadd.s32 s16, s3  }
0xd: {  	_ =	strace $0x80000047;
	s15 =	sshrl.u32 s1, $0x1;
	s17 =	sadd.s32 $0x2000, s5  }
0xe: {  	s1 =	ssub.s32 s1, s15;
	s18 =	sadd.s32 $0x4000, s5;
	[dreg:$0x5] =	wrdreg s17  }
0xf: {  	s25 =	sadd.s32 $0x15200, s11;
	s19 =	sadd.s32 $0x6000, s5;
	[dreg:$0x6] =	wrdreg s18  }
0x10: {  	s6 =	sadd.s32 s2, s6;
	s20 =	sadd.s32 $0x8000, s5;
	[dreg:$0x7] =	wrdreg s19  }
0x11: {  	s2 =	simm.s32 $0x6;
	s21 =	sadd.s32 $0xA000, s5;
	[dreg:$0x8] =	wrdreg s20  }
0x12: {  	s7 =	sadd.s32 $0x1200, s9;
	s22 =	sadd.s32 $0xC000, s5;
	[dreg:$0x9] =	wrdreg s21  }
0x13: {  	s11 =	sadd.s32 $0x80, s6;
	s23 =	sadd.s32 $0xE000, s5;
	[dreg:$0xa] =	wrdreg s22  }
0x14: {  	s8 =	simm.s32 $0x0;
	s24 =	sadd.s32 $0x10000, s5;
	[dreg:$0xb] =	wrdreg s23  }
0x15: {  	s16 =	sadd.s32 $0x12000, s5;
	[dreg:$0xc] =	wrdreg s24;
	s17 =	sadd.s32 $0x64200, s4  }
0x16: {  	s18 =	smax.u32 s1, $0x1;
	s21 =	simm.s32 $0x7;
	s23 =	simm.s32 $0x40  }
0x17: {  	s24 =	sadd.s32 s26, s25;
	s25 =	simm.s32 $0x14C00;
	s22 =	simm.s32 $0x1  }
0x18: {  	v0 =	vimm.f32 $0.0e+00;
	v1 =	vimm.f32 $1.000000000e+00;
	s26 =	simm.s32 $0x1CC00;
	s1 =	simm.s32 $0x3;
	s4 =	simm.s32 $0x4  }
.LBB2_1:
0x19: {  	s9 =	simm.s32 $0x0;
	s10 =	simm.s32 $0x13C00  }
0x1a: {  	[tilespmem:s10], [sflag:$0x7] =	stream.linear.gather [hbm4b:s6+s9], $0x400, $0x38;
	[tilespmem:$0x1F380] =	vst v63  }
0x1b: {  	_ =	swait.ge [sflag:s21], $0x400  }
0x1c: {  	[sflag:s21] =	ssyncset.done $0x0  }
0x1d: {  	s12 =	simm.s32 $0x14400;
	[sflag:s21] =	ssyncadd.s32 $0xFFFFFC00  }
0x1e: {  	[tilespmem:s12], [sflag:$0x7] =	stream.linear.gather [hbm4b:s7+s9], $0x400, $0x38;
	[tilespmem:$0x1F380] =	vst v63  }
0x1f: {  	_ =	swait.ge [sflag:s21], $0x400  }
0x20: {  	[sflag:s21] =	ssyncset.done $0x0  }
0x21: {  	[sflag:s21] =	ssyncadd.s32 $0xFFFFFC00  }
0x22: {  	[tilespmem:s25], [sflag:$0x1] =	stream.indirect.gather [hbm4b:s0+s23], $0x80, s10, s23, $0xb8;
	[tilespmem:$0x1F380] =	vst v63  }
0x23: {  	s19 =	simm.s32 $0x13C80  }
0x24: {  	[tilespmem:s28], [sflag:$0x2] =	stream.indirect.gather [hbm4b:s0+s23], $0x80, s19, s23, $0xb8;
	[tilespmem:$0x1F380] =	vst v63  }
0x25: {  	s20 =	simm.s32 $0x13D00  }
0x26: {  	[tilespmem:s30], [sflag:$0x3] =	stream.indirect.gather [hbm4b:s0+s23], $0x80, s20, s23, $0xb8;
	[tilespmem:$0x1F380] =	vst v63  }
0x27: {  	[tilespmem:s31+$0x0] =	vst v0  }
0x28: {  	[tilespmem:s31+$0x3F0] =	vst v0  }
0x29: {  	[tilespmem:s31+$0x3E0] =	vst v0  }
0x2a: {  	[tilespmem:s31+$0x3D0] =	vst v0  }
0x2b: {  	[tilespmem:s31+$0x3C0] =	vst v0  }
0x2c: {  	[tilespmem:s31+$0x3B0] =	vst v0  }
0x2d: {  	[tilespmem:s31+$0x3A0] =	vst v0  }
0x2e: {  	[tilespmem:s31+$0x390] =	vst v0  }
0x2f: {  	[tilespmem:s31+$0x380] =	vst v0  }
0x30: {  	[tilespmem:s31+$0x370] =	vst v0  }
0x31: {  	[tilespmem:s31+$0x360] =	vst v0  }
0x32: {  	[tilespmem:s31+$0x350] =	vst v0  }
0x33: {  	[tilespmem:s31+$0x340] =	vst v0  }
0x34: {  	[tilespmem:s31+$0x330] =	vst v0  }
0x35: {  	[tilespmem:s31+$0x320] =	vst v0  }
0x36: {  	[tilespmem:s31+$0x310] =	vst v0  }
0x37: {  	[tilespmem:s31+$0x300] =	vst v0  }
0x38: {  	[tilespmem:s31+$0x2F0] =	vst v0  }
0x39: {  	[tilespmem:s31+$0x2E0] =	vst v0  }
0x3a: {  	[tilespmem:s31+$0x2D0] =	vst v0  }
0x3b: {  	[tilespmem:s31+$0x2C0] =	vst v0  }
0x3c: {  	[tilespmem:s31+$0x2B0] =	vst v0  }
0x3d: {  	[tilespmem:s31+$0x2A0] =	vst v0  }
0x3e: {  	[tilespmem:s31+$0x290] =	vst v0  }
0x3f: {  	[tilespmem:s31+$0x280] =	vst v0  }
0x40: {  	[tilespmem:s31+$0x270] =	vst v0  }
0x41: {  	[tilespmem:s31+$0x260] =	vst v0  }
0x42: {  	[tilespmem:s31+$0x250] =	vst v0  }
0x43: {  	[tilespmem:s31+$0x240] =	vst v0  }
0x44: {  	[tilespmem:s31+$0x230] =	vst v0  }
0x45: {  	[tilespmem:s31+$0x220] =	vst v0  }
0x46: {  	[tilespmem:s31+$0x210] =	vst v0  }
0x47: {  	[tilespmem:s31+$0x200] =	vst v0  }
0x48: {  	[tilespmem:s31+$0x1F0] =	vst v0  }
0x49: {  	[tilespmem:s31+$0x1E0] =	vst v0  }
0x4a: {  	[tilespmem:s31+$0x1D0] =	vst v0  }
0x4b: {  	[tilespmem:s31+$0x1C0] =	vst v0  }
0x4c: {  	[tilespmem:s31+$0x1B0] =	vst v0  }
0x4d: {  	[tilespmem:s31+$0x1A0] =	vst v0  }
0x4e: {  	[tilespmem:s31+$0x190] =	vst v0  }
0x4f: {  	[tilespmem:s31+$0x180] =	vst v0  }
0x50: {  	[tilespmem:s31+$0x170] =	vst v0  }
0x51: {  	[tilespmem:s31+$0x160] =	vst v0  }
0x52: {  	[tilespmem:s31+$0x150] =	vst v0  }
0x53: {  	[tilespmem:s31+$0x140] =	vst v0  }
0x54: {  	[tilespmem:s31+$0x130] =	vst v0  }
0x55: {  	[tilespmem:s31+$0x120] =	vst v0  }
0x56: {  	[tilespmem:s31+$0x110] =	vst v0  }
0x57: {  	[tilespmem:s31+$0x100] =	vst v0  }
0x58: {  	[tilespmem:s31+$0xF0] =	vst v0  }
0x59: {  	[tilespmem:s31+$0xE0] =	vst v0  }
0x5a: {  	[tilespmem:s31+$0xD0] =	vst v0  }
0x5b: {  	[tilespmem:s31+$0xC0] =	vst v0  }
0x5c: {  	[tilespmem:s31+$0xB0] =	vst v0  }
0x5d: {  	[tilespmem:s31+$0xA0] =	vst v0  }
0x5e: {  	[tilespmem:s31+$0x90] =	vst v0  }
0x5f: {  	[tilespmem:s31+$0x80] =	vst v0  }
0x60: {  	[tilespmem:s31+$0x70] =	vst v0  }
0x61: {  	[tilespmem:s31+$0x60] =	vst v0  }
0x62: {  	[tilespmem:s31+$0x50] =	vst v0  }
0x63: {  	[tilespmem:s31+$0x40] =	vst v0  }
0x64: {  	[tilespmem:s31+$0x30] =	vst v0  }
0x65: {  	s12 =	simm.s32 $0x1AC00;
	s10 =	simm.s32 $0x0;
	[tilespmem:s31+$0x20] =	vst v0  }
.LBB2_2:
0x66: {  	s10 =	sadd.s32 $0x8, s10;
	[tilespmem:s12+$0x10] =	vst v0;
	s12 =	sadd.s32 $0x400, s12;
	s9 =	simm.s32 $0x1CC40  }
0x67: {  	[tilespmem:s12+$0x0] =	vst v0;
	p0 =	slt.u32 s10, $0x38  }
0x68: {  	[tilespmem:s12+$0x3F0] =	vst v0  }
0x69: {  	[tilespmem:s12+$0x3E0] =	vst v0  }
0x6a: {  	[tilespmem:s12+$0x3D0] =	vst v0  }
0x6b: {  	[tilespmem:s12+$0x3C0] =	vst v0  }
0x6c: {  	[tilespmem:s12+$0x3B0] =	vst v0  }
0x6d: {  	[tilespmem:s12+$0x3A0] =	vst v0  }
0x6e: {  	[tilespmem:s12+$0x390] =	vst v0  }
0x6f: {  	[tilespmem:s12+$0x380] =	vst v0  }
0x70: {  	[tilespmem:s12+$0x370] =	vst v0  }
0x71: {  	[tilespmem:s12+$0x360] =	vst v0  }
0x72: {  	[tilespmem:s12+$0x350] =	vst v0  }
0x73: {  	[tilespmem:s12+$0x340] =	vst v0  }
0x74: {  	[tilespmem:s12+$0x330] =	vst v0  }
0x75: {  	[tilespmem:s12+$0x320] =	vst v0  }
0x76: {  	[tilespmem:s12+$0x310] =	vst v0  }
0x77: {  	[tilespmem:s12+$0x300] =	vst v0  }
0x78: {  	[tilespmem:s12+$0x2F0] =	vst v0  }
0x79: {  	[tilespmem:s12+$0x2E0] =	vst v0  }
0x7a: {  	[tilespmem:s12+$0x2D0] =	vst v0  }
0x7b: {  	[tilespmem:s12+$0x2C0] =	vst v0  }
0x7c: {  	[tilespmem:s12+$0x2B0] =	vst v0  }
0x7d: {  	[tilespmem:s12+$0x2A0] =	vst v0  }
0x7e: {  	[tilespmem:s12+$0x290] =	vst v0  }
0x7f: {  	[tilespmem:s12+$0x280] =	vst v0  }
0x80: {  	[tilespmem:s12+$0x270] =	vst v0  }
0x81: {  	[tilespmem:s12+$0x260] =	vst v0  }
0x82: {  	[tilespmem:s12+$0x250] =	vst v0  }
0x83: {  	[tilespmem:s12+$0x240] =	vst v0  }
0x84: {  	[tilespmem:s12+$0x230] =	vst v0  }
0x85: {  	[tilespmem:s12+$0x220] =	vst v0  }
0x86: {  	[tilespmem:s12+$0x210] =	vst v0  }
0x87: {  	[tilespmem:s12+$0x200] =	vst v0  }
0x88: {  	[tilespmem:s12+$0x1F0] =	vst v0  }
0x89: {  	[tilespmem:s12+$0x1E0] =	vst v0  }
0x8a: {  	[tilespmem:s12+$0x1D0] =	vst v0  }
0x8b: {  	[tilespmem:s12+$0x1C0] =	vst v0  }
0x8c: {  	[tilespmem:s12+$0x1B0] =	vst v0  }
0x8d: {  	[tilespmem:s12+$0x1A0] =	vst v0  }
0x8e: {  	[tilespmem:s12+$0x190] =	vst v0  }
0x8f: {  	[tilespmem:s12+$0x180] =	vst v0  }
0x90: {  	[tilespmem:s12+$0x170] =	vst v0  }
0x91: {  	[tilespmem:s12+$0x160] =	vst v0  }
0x92: {  	[tilespmem:s12+$0x150] =	vst v0  }
0x93: {  	[tilespmem:s12+$0x140] =	vst v0  }
0x94: {  	[tilespmem:s12+$0x130] =	vst v0  }
0x95: {  	[tilespmem:s12+$0x120] =	vst v0  }
0x96: {  	[tilespmem:s12+$0x110] =	vst v0  }
0x97: {  	[tilespmem:s12+$0x100] =	vst v0  }
0x98: {  	[tilespmem:s12+$0xF0] =	vst v0  }
0x99: {  	[tilespmem:s12+$0xE0] =	vst v0  }
0x9a: {  	[tilespmem:s12+$0xD0] =	vst v0  }
0x9b: {  	[tilespmem:s12+$0xC0] =	vst v0  }
0x9c: {  	[tilespmem:s12+$0xB0] =	vst v0  }
0x9d: {  	[tilespmem:s12+$0xA0] =	vst v0  }
0x9e: {  	[tilespmem:s12+$0x90] =	vst v0  }
0x9f: {  	[tilespmem:s12+$0x80] =	vst v0  }
0xa0: {  	[tilespmem:s12+$0x70] =	vst v0  }
.Ltmp0:
0xa1: {  	[tilespmem:s12+$0x60] =	vst v0;
	(pc) =	sbr.rel @p0 .LBB2_2-.Ltmp0, $4  }
0xa2: {  	[tilespmem:s12+$0x50] =	vst v0  }
0xa3: {  	[tilespmem:s12+$0x40] =	vst v0  }
0xa4: {  	[tilespmem:s12+$0x30] =	vst v0  }
0xa5: {  	[tilespmem:s12+$0x20] =	vst v0  }
0xa6: {  	[tilespmem:s12+$0x10] =	vst v0  }
0xa7: {  	[tilespmem:s9+$0xFFFFFFC0] =	vst v0  }
0xa8: {  	[tilespmem:s9+$0x30] =	vst v0  }
0xa9: {  	[tilespmem:s9+$0x20] =	vst v0  }
0xaa: {  	[tilespmem:s9+$0x10] =	vst v0  }
0xab: {  	[tilespmem:s9+$0x0] =	vst v0  }
0xac: {  	[tilespmem:s9+$0xFFFFFFF0] =	vst v0  }
0xad: {  	s10 =	simm.s32 $0x0;
	[tilespmem:s9+$0xFFFFFFE0] =	vst v0  }
.LBB2_4:
0xae: {  	s10 =	sadd.s32 $0x8, s10;
	[tilespmem:s9+$0xFFFFFFD0] =	vst v0;
	s9 =	sadd.s32 $0x80, s9  }
0xaf: {  	[tilespmem:s9+$0xFFFFFFC0] =	vst v0;
	p0 =	slt.u32 s10, $0x270  }
0xb0: {  	[tilespmem:s9+$0x30] =	vst v0  }
.Ltmp1:
0xb1: {  	[tilespmem:s9+$0x20] =	vst v0;
	(pc) =	sbr.rel @p0 .LBB2_4-.Ltmp1, $4  }
0xb2: {  	[tilespmem:s9+$0x10] =	vst v0  }
0xb3: {  	[tilespmem:s9+$0x0] =	vst v0  }
0xb4: {  	[tilespmem:s9+$0xFFFFFFF0] =	vst v0  }
0xb5: {  	[tilespmem:s9+$0xFFFFFFE0] =	vst v0  }
0xb6: {  	[tilespmem:s9+$0xFFFFFFD0] =	vst v0  }
0xb7: {  	[spmem:s5] =	stream.linear.scatter [tilespmem:s31], [sflag:$0x6], $0x2000, $0x38;
	[tilespmem:$0x1F380] =	vst v63  }
0xb8: {  	s20 =	rddreg [dreg:$0x5]  }
0xb9: {  	[spmem:s20] =	stream.linear.scatter [tilespmem:s31], [sflag:$0x6], $0x2000, $0x38;
	[tilespmem:$0x1F380] =	vst v63  }
0xba: {  	s10 =	rddreg [dreg:$0x6]  }
0xbb: {  	[spmem:s10] =	stream.linear.scatter [tilespmem:s31], [sflag:$0x6], $0x2000, $0x38;
	[tilespmem:$0x1F380] =	vst v63  }
0xbc: {  	s12 =	rddreg [dreg:$0x7]  }
0xbd: {  	[spmem:s12] =	stream.linear.scatter [tilespmem:s31], [sflag:$0x6], $0x2000, $0x38;
	[tilespmem:$0x1F380] =	vst v63  }
0xbe: {  	s13 =	rddreg [dreg:$0x8]  }
0xbf: {  	[spmem:s13] =	stream.linear.scatter [tilespmem:s31], [sflag:$0x6], $0x2000, $0x38;
	[tilespmem:$0x1F380] =	vst v63  }
0xc0: {  	s14 =	rddreg [dreg:$0x9]  }
0xc1: {  	[spmem:s14] =	stream.linear.scatter [tilespmem:s31], [sflag:$0x6], $0x2000, $0x38;
	[tilespmem:$0x1F380] =	vst v63  }
0xc2: {  	s15 =	rddreg [dreg:$0xa]  }
0xc3: {  	[spmem:s15] =	stream.linear.scatter [tilespmem:s31], [sflag:$0x6], $0x2000, $0x38;
	[tilespmem:$0x1F380] =	vst v63  }
0xc4: {  	s19 =	rddreg [dreg:$0xb]  }
0xc5: {  	[spmem:s19] =	stream.linear.scatter [tilespmem:s31], [sflag:$0x6], $0x2000, $0x38;
	[tilespmem:$0x1F380] =	vst v63  }
0xc6: {  	s20 =	rddreg [dreg:$0xc]  }
0xc7: {  	[spmem:s20] =	stream.linear.scatter [tilespmem:s31], [sflag:$0x6], $0x2000, $0x38;
	[tilespmem:$0x1F380] =	vst v63  }
0xc8: {  	_ = 	snop  }
0xc9: {  	[spmem:s16] =	stream.linear.scatter [tilespmem:s31], [sflag:$0x6], $0x1C00, $0x38;
	[tilespmem:$0x1F380] =	vst v63  }
0xca: {  	_ =	swait.ge [sflag:s2], $0x2000  }
0xcb: {  	[sflag:s2] =	ssyncset.done $0x0  }
0xcc: {  	[sflag:s2] =	ssyncadd.s32 $0xFFFFE000  }
0xcd: {  	_ =	swait.ge [sflag:s2], $0x2000  }
0xce: {  	[sflag:s2] =	ssyncset.done $0x0  }
0xcf: {  	[sflag:s2] =	ssyncadd.s32 $0xFFFFE000  }
0xd0: {  	_ =	swait.ge [sflag:s2], $0x2000  }
0xd1: {  	[sflag:s2] =	ssyncset.done $0x0  }
0xd2: {  	[sflag:s2] =	ssyncadd.s32 $0xFFFFE000  }
0xd3: {  	_ =	swait.ge [sflag:s2], $0x2000  }
0xd4: {  	[sflag:s2] =	ssyncset.done $0x0  }
0xd5: {  	[sflag:s2] =	ssyncadd.s32 $0xFFFFE000  }
0xd6: {  	_ =	swait.ge [sflag:s2], $0x2000  }
0xd7: {  	[sflag:s2] =	ssyncset.done $0x0  }
0xd8: {  	[sflag:s2] =	ssyncadd.s32 $0xFFFFE000  }
0xd9: {  	_ =	swait.ge [sflag:s2], $0x2000  }
0xda: {  	[sflag:s2] =	ssyncset.done $0x0  }
0xdb: {  	[sflag:s2] =	ssyncadd.s32 $0xFFFFE000  }
0xdc: {  	_ =	swait.ge [sflag:s2], $0x2000  }
0xdd: {  	[sflag:s2] =	ssyncset.done $0x0  }
0xde: {  	[sflag:s2] =	ssyncadd.s32 $0xFFFFE000  }
0xdf: {  	_ =	swait.ge [sflag:s2], $0x2000  }
0xe0: {  	[sflag:s2] =	ssyncset.done $0x0  }
0xe1: {  	[sflag:s2] =	ssyncadd.s32 $0xFFFFE000  }
0xe2: {  	_ =	swait.ge [sflag:s2], $0x2000  }
0xe3: {  	[sflag:s2] =	ssyncset.done $0x0  }
0xe4: {  	[sflag:s2] =	ssyncadd.s32 $0xFFFFE000  }
0xe5: {  	_ =	swait.ge [sflag:s2], $0x1C00  }
0xe6: {  	[sflag:s2] =	ssyncset.done $0x0  }
0xe7: {  	s9 =	sadd.s32 $0x80, s7;
	[sflag:s2] =	ssyncadd.s32 $0xFFFFE400  }
0xe8: {  	s10 =	simm.s32 $0x0;
	s19 =	smov.u32 s11;
	[bflag:$0x0] =	sbarrier.arrive $0xFFFF  }
.LBB2_6:
0xe9: {  	s13 =	sand.u32 $0x1, s10  }
0xea: {  	p0 =	seq.s32 s10, $0x13;
	s12 =	sxor.u32 $0x1, s13  }
0xeb: {  	s12 =	sshll.u32 @!p0 s12, $0xA  }
0xec: {  	s14 =	simm.s32 @!p0 $0x0;
	s20 =	sadd.s32 @!p0 $0x13C00, s12  }
0xed: {  	[tilespmem:s20], [sflag:$0x5] =	stream.linear.gather @!p0 [hbm4b:s19+s14], $0x400, $0x38;
	[tilespmem:$0x1F380] =	vst v63  }
0xee: {  	s15 =	sadd.s32 @!p0 $0x14400, s12  }
0xef: {  	[tilespmem:s15], [sflag:$0x5] =	stream.linear.gather @!p0 [hbm4b:s9+s14], $0x400, $0x38;
	[tilespmem:$0x1F380] =	vst v63  }
0xf0: {  	_ =	swait.ge [sflag:s22], $0x2000  }
0xf1: {  	p1 =	seq.s32 s10, $0x0;
	[sflag:s22] =	ssyncset.done $0x0  }
0xf2: {  	s14 =	simm.s32 @!p1 $0x6;
	[sflag:s22] =	ssyncadd.s32 $0xFFFFE000  }
0xf3: {  	_ =	swait.ge @!p1 [sflag:s14], $0x2000  }
0xf4: {  	s13 =	sshll.u32 s13, $0xA;
	[sflag:s14] =	ssyncset.done @!p1 $0x0  }
0xf5: {  	s15 =	sadd.s32 $0x13D80, s13;
	[sflag:s14] =	ssyncadd.s32 @!p1 $0xFFFFE000  }
0xf6: {  	[tilespmem:s31], [sflag:$0x4] =	stream.indirect.gather [hbm4b:s0+s23], $0x80, s15, s23, $0xb8;
	[tilespmem:$0x1F380] =	vst v63  }
0xf7: {  	s15 =	sadd.s32 $0x14400, s13  }
0xf8: {  	[spmem:s3] =	stream.indirect.scatter.add.f32 [tilespmem:s25], [sflag:$0x6], $0x80, s15, s23, $0xb8;
	[tilespmem:$0x1F380] =	vst v63  }
0xf9: {  	v2 =	vld [tilespmem:s13+$0x14400];
	_ =	sdelay $0x7  }
0xfa: {  	[tilespmem:v2+s26+$0x0] =	vst.idx.add.f32.msk $0xffff, v1  }
0xfb: {  	v2 =	vld [tilespmem:s13+$0x14410];
	_ =	sdelay $0x7  }
0xfc: {  	[tilespmem:v2+s26+$0x0] =	vst.idx.add.f32.msk $0xffff, v1  }
0xfd: {  	v2 =	vld [tilespmem:s13+$0x14420];
	_ =	sdelay $0x7  }
0xfe: {  	[tilespmem:v2+s26+$0x0] =	vst.idx.add.f32.msk $0xffff, v1  }
0xff: {  	v2 =	vld [tilespmem:s13+$0x14430];
	_ =	sdelay $0x7  }
0x100: {  	[tilespmem:v2+s26+$0x0] =	vst.idx.add.f32.msk $0xffff, v1  }
0x101: {  	_ =	swait.ge [sflag:s29], $0x2000  }
0x102: {  	[sflag:s29] =	ssyncset.done $0x0  }
0x103: {  	[sflag:s29] =	ssyncadd.s32 $0xFFFFE000  }
0x104: {  	_ =	swait.ge [sflag:s2], $0x2000  }
0x105: {  	[sflag:s2] =	ssyncset.done $0x0  }
0x106: {  	s15 =	sadd.s32 $0x13E00, s13;
	[sflag:s2] =	ssyncadd.s32 $0xFFFFE000  }
0x107: {  	[tilespmem:s25], [sflag:$0x1] =	stream.indirect.gather [hbm4b:s0+s23], $0x80, s15, s23, $0xb8;
	[tilespmem:$0x1F380] =	vst v63  }
0x108: {  	s15 =	sadd.s32 $0x14480, s13  }
0x109: {  	[spmem:s3] =	stream.indirect.scatter.add.f32 [tilespmem:s28], [sflag:$0x6], $0x80, s15, s23, $0xb8;
	[tilespmem:$0x1F380] =	vst v63  }
0x10a: {  	v2 =	vld [tilespmem:s13+$0x14480];
	_ =	sdelay $0x7  }
0x10b: {  	[tilespmem:v2+s26+$0x0] =	vst.idx.add.f32.msk $0xffff, v1  }
0x10c: {  	v2 =	vld [tilespmem:s13+$0x14490];
	_ =	sdelay $0x7  }
0x10d: {  	[tilespmem:v2+s26+$0x0] =	vst.idx.add.f32.msk $0xffff, v1  }
0x10e: {  	v2 =	vld [tilespmem:s13+$0x144A0];
	_ =	sdelay $0x7  }
0x10f: {  	[tilespmem:v2+s26+$0x0] =	vst.idx.add.f32.msk $0xffff, v1  }
0x110: {  	v2 =	vld [tilespmem:s13+$0x144B0];
	_ =	sdelay $0x7  }
0x111: {  	[tilespmem:v2+s26+$0x0] =	vst.idx.add.f32.msk $0xffff, v1  }
0x112: {  	_ =	swait.ge [sflag:s1], $0x2000  }
0x113: {  	[sflag:s1] =	ssyncset.done $0x0  }
0x114: {  	[sflag:s1] =	ssyncadd.s32 $0xFFFFE000  }
0x115: {  	_ =	swait.ge [sflag:s2], $0x2000  }
0x116: {  	[sflag:s2] =	ssyncset.done $0x0  }
0x117: {  	s15 =	sadd.s32 $0x13E80, s13;
	[sflag:s2] =	ssyncadd.s32 $0xFFFFE000  }
0x118: {  	[tilespmem:s28], [sflag:$0x2] =	stream.indirect.gather [hbm4b:s0+s23], $0x80, s15, s23, $0xb8;
	[tilespmem:$0x1F380] =	vst v63  }
0x119: {  	s15 =	sadd.s32 $0x14500, s13  }
0x11a: {  	[spmem:s3] =	stream.indirect.scatter.add.f32 [tilespmem:s30], [sflag:$0x6], $0x80, s15, s23, $0xb8;
	[tilespmem:$0x1F380] =	vst v63  }
0x11b: {  	v2 =	vld [tilespmem:s13+$0x14500];
	_ =	sdelay $0x7  }
0x11c: {  	[tilespmem:v2+s26+$0x0] =	vst.idx.add.f32.msk $0xffff, v1  }
0x11d: {  	v2 =	vld [tilespmem:s13+$0x14510];
	_ =	sdelay $0x7  }
0x11e: {  	[tilespmem:v2+s26+$0x0] =	vst.idx.add.f32.msk $0xffff, v1  }
0x11f: {  	v2 =	vld [tilespmem:s13+$0x14520];
	_ =	sdelay $0x7  }
0x120: {  	[tilespmem:v2+s26+$0x0] =	vst.idx.add.f32.msk $0xffff, v1  }
0x121: {  	v2 =	vld [tilespmem:s13+$0x14530];
	_ =	sdelay $0x7  }
0x122: {  	[tilespmem:v2+s26+$0x0] =	vst.idx.add.f32.msk $0xffff, v1  }
0x123: {  	_ =	swait.ge [sflag:s4], $0x2000  }
0x124: {  	[sflag:s4] =	ssyncset.done $0x0  }
0x125: {  	[sflag:s4] =	ssyncadd.s32 $0xFFFFE000  }
0x126: {  	_ =	swait.ge [sflag:s2], $0x2000  }
0x127: {  	[sflag:s2] =	ssyncset.done $0x0  }
0x128: {  	s15 =	sadd.s32 $0x13F00, s13;
	[sflag:s2] =	ssyncadd.s32 $0xFFFFE000  }
0x129: {  	[tilespmem:s30], [sflag:$0x3] =	stream.indirect.gather [hbm4b:s0+s23], $0x80, s15, s23, $0xb8;
	[tilespmem:$0x1F380] =	vst v63  }
0x12a: {  	s15 =	sadd.s32 $0x14580, s13  }
0x12b: {  	[spmem:s3] =	stream.indirect.scatter.add.f32 [tilespmem:s31], [sflag:$0x6], $0x80, s15, s23, $0xb8;
	[tilespmem:$0x1F380] =	vst v63  }
0x12c: {  	v2 =	vld [tilespmem:s13+$0x14580];
	_ =	sdelay $0x7  }
0x12d: {  	[tilespmem:v2+s26+$0x0] =	vst.idx.add.f32.msk $0xffff, v1  }
0x12e: {  	v2 =	vld [tilespmem:s13+$0x14590];
	_ =	sdelay $0x7  }
0x12f: {  	[tilespmem:v2+s26+$0x0] =	vst.idx.add.f32.msk $0xffff, v1  }
0x130: {  	v2 =	vld [tilespmem:s13+$0x145A0];
	_ =	sdelay $0x7  }
0x131: {  	[tilespmem:v2+s26+$0x0] =	vst.idx.add.f32.msk $0xffff, v1  }
0x132: {  	v2 =	vld [tilespmem:s13+$0x145B0];
	_ =	sdelay $0x7  }
0x133: {  	[tilespmem:v2+s26+$0x0] =	vst.idx.add.f32.msk $0xffff, v1  }
0x134: {  	_ =	swait.ge [sflag:s22], $0x2000  }
0x135: {  	[sflag:s22] =	ssyncset.done $0x0  }
0x136: {  	[sflag:s22] =	ssyncadd.s32 $0xFFFFE000  }
0x137: {  	_ =	swait.ge [sflag:s2], $0x2000  }
0x138: {  	[sflag:s2] =	ssyncset.done $0x0  }
0x139: {  	s15 =	sadd.s32 $0x13F80, s13;
	[sflag:s2] =	ssyncadd.s32 $0xFFFFE000  }
0x13a: {  	[tilespmem:s31], [sflag:$0x4] =	stream.indirect.gather [hbm4b:s0+s23], $0x80, s15, s23, $0xb8;
	[tilespmem:$0x1F380] =	vst v63  }
0x13b: {  	s15 =	sadd.s32 $0x14600, s13  }
0x13c: {  	[spmem:s3] =	stream.indirect.scatter.add.f32 [tilespmem:s25], [sflag:$0x6], $0x80, s15, s23, $0xb8;
	[tilespmem:$0x1F380] =	vst v63  }
0x13d: {  	v2 =	vld [tilespmem:s13+$0x14600];
	_ =	sdelay $0x7  }
0x13e: {  	[tilespmem:v2+s26+$0x0] =	vst.idx.add.f32.msk $0xffff, v1  }
0x13f: {  	v2 =	vld [tilespmem:s13+$0x14610];
	_ =	sdelay $0x7  }
0x140: {  	[tilespmem:v2+s26+$0x0] =	vst.idx.add.f32.msk $0xffff, v1  }
0x141: {  	v2 =	vld [tilespmem:s13+$0x14620];
	_ =	sdelay $0x7  }
0x142: {  	[tilespmem:v2+s26+$0x0] =	vst.idx.add.f32.msk $0xffff, v1  }
0x143: {  	v2 =	vld [tilespmem:s13+$0x14630];
	_ =	sdelay $0x7  }
0x144: {  	[tilespmem:v2+s26+$0x0] =	vst.idx.add.f32.msk $0xffff, v1  }
0x145: {  	_ =	swait.ge [sflag:s29], $0x2000  }
0x146: {  	[sflag:s29] =	ssyncset.done $0x0  }
0x147: {  	[sflag:s29] =	ssyncadd.s32 $0xFFFFE000  }
0x148: {  	_ =	swait.ge [sflag:s2], $0x2000  }
0x149: {  	[sflag:s2] =	ssyncset.done $0x0  }
0x14a: {  	s14 =	simm.s32 @!p0 $0x5;
	[sflag:s2] =	ssyncadd.s32 $0xFFFFE000  }
0x14b: {  	_ =	swait.ge @!p0 [sflag:s14], $0x400  }
0x14c: {  	[sflag:s14] =	ssyncset.done @!p0 $0x0  }
0x14d: {  	[sflag:s14] =	ssyncadd.s32 @!p0 $0xFFFFFC00  }
0x14e: {  	_ =	swait.ge @!p0 [sflag:s14], $0x400  }
0x14f: {  	[sflag:s14] =	ssyncset.done @!p0 $0x0  }
0x150: {  	s15 =	simm.s32 @!p0 $0x14C00;
	[sflag:s14] =	ssyncadd.s32 @!p0 $0xFFFFFC00;
	s14 =	simm.s32 @!p0 $0x40  }
0x151: {  	[tilespmem:s15], [sflag:$0x1] =	stream.indirect.gather @!p0 [hbm4b:s0+s14], $0x80, s20, s14, $0xb8;
	[tilespmem:$0x1F380] =	vst v63  }
0x152: {  	s20 =	sadd.s32 $0x14680, s13  }
0x153: {  	[spmem:s3] =	stream.indirect.scatter.add.f32 [tilespmem:s28], [sflag:$0x6], $0x80, s20, s23, $0xb8;
	[tilespmem:$0x1F380] =	vst v63  }
0x154: {  	v2 =	vld [tilespmem:s13+$0x14680];
	_ =	sdelay $0x7  }
0x155: {  	[tilespmem:v2+s26+$0x0] =	vst.idx.add.f32.msk $0xffff, v1  }
0x156: {  	v2 =	vld [tilespmem:s13+$0x14690];
	_ =	sdelay $0x7  }
0x157: {  	[tilespmem:v2+s26+$0x0] =	vst.idx.add.f32.msk $0xffff, v1  }
0x158: {  	v2 =	vld [tilespmem:s13+$0x146A0];
	_ =	sdelay $0x7  }
0x159: {  	[tilespmem:v2+s26+$0x0] =	vst.idx.add.f32.msk $0xffff, v1  }
0x15a: {  	v2 =	vld [tilespmem:s13+$0x146B0];
	_ =	sdelay $0x7  }
0x15b: {  	[tilespmem:v2+s26+$0x0] =	vst.idx.add.f32.msk $0xffff, v1  }
0x15c: {  	_ =	swait.ge [sflag:s1], $0x2000  }
0x15d: {  	[sflag:s1] =	ssyncset.done $0x0  }
0x15e: {  	[sflag:s1] =	ssyncadd.s32 $0xFFFFE000  }
0x15f: {  	_ =	swait.ge [sflag:s2], $0x2000  }
0x160: {  	[sflag:s2] =	ssyncset.done $0x0  }
0x161: {  	s15 =	sadd.s32 @!p0 $0x13C80, s12;
	s20 =	simm.s32 @!p0 $0x16C00;
	[sflag:s2] =	ssyncadd.s32 $0xFFFFE000  }
0x162: {  	[tilespmem:s20], [sflag:$0x2] =	stream.indirect.gather @!p0 [hbm4b:s0+s14], $0x80, s15, s14, $0xb8;
	[tilespmem:$0x1F380] =	vst v63  }
0x163: {  	s20 =	sadd.s32 $0x14700, s13  }
0x164: {  	[spmem:s3] =	stream.indirect.scatter.add.f32 [tilespmem:s30], [sflag:$0x6], $0x80, s20, s23, $0xb8;
	[tilespmem:$0x1F380] =	vst v63  }
0x165: {  	v2 =	vld [tilespmem:s13+$0x14700];
	_ =	sdelay $0x7  }
0x166: {  	[tilespmem:v2+s26+$0x0] =	vst.idx.add.f32.msk $0xffff, v1  }
0x167: {  	v2 =	vld [tilespmem:s13+$0x14710];
	_ =	sdelay $0x7  }
0x168: {  	[tilespmem:v2+s26+$0x0] =	vst.idx.add.f32.msk $0xffff, v1  }
0x169: {  	v2 =	vld [tilespmem:s13+$0x14720];
	_ =	sdelay $0x7  }
0x16a: {  	[tilespmem:v2+s26+$0x0] =	vst.idx.add.f32.msk $0xffff, v1  }
0x16b: {  	v2 =	vld [tilespmem:s13+$0x14730];
	_ =	sdelay $0x7  }
0x16c: {  	[tilespmem:v2+s26+$0x0] =	vst.idx.add.f32.msk $0xffff, v1  }
0x16d: {  	_ =	swait.ge [sflag:s4], $0x2000  }
0x16e: {  	[sflag:s4] =	ssyncset.done $0x0  }
0x16f: {  	[sflag:s4] =	ssyncadd.s32 $0xFFFFE000  }
0x170: {  	_ =	swait.ge [sflag:s2], $0x2000  }
0x171: {  	[sflag:s2] =	ssyncset.done $0x0  }
0x172: {  	s12 =	sadd.s32 @!p0 $0x13D00, s12;
	s15 =	simm.s32 @!p0 $0x18C00;
	[sflag:s2] =	ssyncadd.s32 $0xFFFFE000  }
0x173: {  	[tilespmem:s15], [sflag:$0x3] =	stream.indirect.gather @!p0 [hbm4b:s0+s14], $0x80, s12, s14, $0xb8;
	[tilespmem:$0x1F380] =	vst v63  }
0x174: {  	s20 =	sadd.s32 $0x14780, s13  }
0x175: {  	[spmem:s3] =	stream.indirect.scatter.add.f32 [tilespmem:s31], [sflag:$0x6], $0x80, s20, s23, $0xb8;
	[tilespmem:$0x1F380] =	vst v63  }
0x176: {  	v2 =	vld [tilespmem:s13+$0x14780];
	_ =	sdelay $0x7  }
0x177: {  	[tilespmem:v2+s26+$0x0] =	vst.idx.add.f32.msk $0xffff, v1  }
0x178: {  	v2 =	vld [tilespmem:s13+$0x14790];
	_ =	sdelay $0x7  }
0x179: {  	[tilespmem:v2+s26+$0x0] =	vst.idx.add.f32.msk $0xffff, v1  }
0x17a: {  	v2 =	vld [tilespmem:s13+$0x147A0];
	_ =	sdelay $0x7  }
0x17b: {  	[tilespmem:v2+s26+$0x0] =	vst.idx.add.f32.msk $0xffff, v1  }
0x17c: {  	v2 =	vld [tilespmem:s13+$0x147B0];
	_ =	sdelay $0x1  }
0x17d: {  	s10 =	sadd.s32 $0x1, s10  }
0x17e: {  	p0 =	sne.s32 s10, $0x14  }
.Ltmp2:
0x17f: {  	_ = 	snop;
	(pc) =	sbr.rel @p0 .LBB2_6-.Ltmp2, $2  }
0x180: {  	_ =	sdelay $0x2  }
0x181: {  	s19 =	sadd.s32 $0x80, s19;
	s9 =	sadd.s32 $0x80, s9;
	[tilespmem:v2+s26+$0x0] =	vst.idx.add.f32.msk $0xffff, v1  }
0x182: {  	_ =	swait.ge [sflag:s2], $0x2000;
	s9 =	stileid.u32  }
0x183: {  	s10 =	sshrl.u32 s5, $0x3;
	s19 =	simm.s32 $0x80;
	[sflag:s2] =	ssyncset.done $0x0  }
0x184: {  	s20 =	simm.s32 $0x400;
	s9 =	sshll.u32 s9, $0x6;
	[sflag:s2] =	ssyncadd.s32 $0xFFFFE000  }
0x185: {  	s8 =	sadd.s32 $0x1, s8;
	s9 =	sor.u32 $0x1C06, s9;
	[bflag:$0x0] =	sbarrier.arrive $0xFFFF  }
0x186: {  	[hbm:s24], [sflag:s9] =	dma.local [spmem:s10], $0x2780  }
0x187: {  	[hbm4b:s17+s19] =	stream.strided.scatter [tilespmem:s26], [sflag:$0x1], $0x2780, s20, s19, $0x38;
	[tilespmem:$0x1F380] =	vst v63  }
0x188: {  	p0 =	sne.s32 s8, s18;
	_ =	swait.ge [sflag:s2], $0x2780  }
.Ltmp3:
0x189: {  	[sflag:s2] =	ssyncset.done $0x0;
	(pc) =	sbr.rel @p0 .LBB2_1-.Ltmp3, $4  }
0x18a: {  	[sflag:s2] =	ssyncadd.s32 $0xFFFFD880  }
0x18b: {  	_ =	swait.ge [sflag:s22], $0x2780  }
0x18c: {  	[sflag:s22] =	ssyncset.done $0x0  }
0x18d: {  	[sflag:s22] =	ssyncadd.s32 $0xFFFFD880  }
0x18e: {  	_ =	sfence.sel $0x180000  }
0x18f: {  	[bflag:$0x0] =	sbarrier.arrive $0xFFFF  }
0x190: {  	_ =	strace $0x90000047  }
0x191: {  	s0 =	stileid.u32;
	[bflag:$0x2] =	sbarrier.arrive $0xFFFF  }
0x192: {  	p0 =	sne.s32 s0, $0x0;
	s0 =	rddreg [dreg:$0x4]  }
0x193: {  	s0 =	sadd.s32 @!p0 $0x100000, s0  }
0x194: {  	[sflag:s0] =	ssyncadd.tile.s32 @!p0 $0x1;
	_ =	shalt  }
.Lfunc_end2:
_tile_overlayer_lowered:
.L_overlay_start_2:
0x195: {  	(tag) =	ssettag $0x2  }
0x196: {  	s0 =	rddreg [dreg:$0x0];
	s2 =	stileid.u32  }
0x197: {  	s1 =	rddreg [dreg:$0x1];
	p0 =	sne.s32 s2, $0x0  }
0x198: {  	s3 =	rddreg [dreg:$0x2];
	[bflag:$0x3] =	sbarrier.arrive $0xFFFF;
	s2 =	simm.s32 @!p0 $0x1C07  }
0x199: {  	[timem:s3], [sflag:s2] =	dma.local @!p0 [hbm:s0], s1  }
0x19a: {  	s0 =	simm.s32 @!p0 $0x7  }
0x19b: {  	_ =	swait.ge @!p0 [sflag:s0], s1  }
0x19c: {  	s1 =	ssub.s32 @!p0 $0x0, s1;
	[sflag:s0] =	ssyncset.done @!p0 $0x0  }
0x19d: {  	[sflag:s0] =	ssyncadd.s32 @!p0 s1  }
0x19e: {  	[bflag:$0x3] =	sbarrier.arrive $0xFFFF  }
0x19f: {  	_ =	shalt  }

</sc_bundles>
